<compile_context>
chip_gen: v7x
topology: tpu7x:2x2x1
jax: 0.10.2.dev20260603
libtpu: 0.0.44.dev20260713+nightly
codegen_flags: <defaults>
</compile_context>

<pallas_src>
import functools

import jax
import jax.numpy as jnp
from jax import lax
from jax.experimental import pallas as pl
from jax.experimental.pallas import tpu as pltpu
from jax.experimental.pallas import tpu_sc as plsc

NUM_ROWS = 100000
EMBED_DIM = 64
BATCH = 16384

_FEATS_PER_SUB = EMBED_DIM // 16
_HALF = BATCH // 2


_CHUNK = 4096
_NCHUNK = BATCH // _CHUNK


def _gather_table(tref, idxref, oref, fb, idx_v, row_v, out_a, out_b, sems):
    cp_idx = pltpu.async_copy(idxref, idx_v, sems[2])
    cp_row = pltpu.async_copy(tref.at[fb * _FEATS_PER_SUB], row_v, sems[3])
    cp_idx.wait()
    cp_row.wait()
    bufs = (out_a, out_b)
    pending = [None, None]
    seg = 0
    for j in range(_FEATS_PER_SUB):
        d = fb * _FEATS_PER_SUB + j
        if j > 0:
            pltpu.sync_copy(tref.at[d], row_v)
        for q in range(_NCHUNK):
            b = seg % 2
            if pending[b] is not None:
                pending[b].wait()
            buf = bufs[b]

            @plsc.parallel_loop(0, _CHUNK, step=16, unroll=4)
            def _(i, q=q, buf=buf):
                ids = idx_v[pl.ds(q * _CHUNK + i, 16)]
                buf[pl.ds(i, 16)] = plsc.load_gather(row_v, [ids])

            pending[b] = pltpu.async_copy(
                buf, oref.at[d, pl.ds(q * _CHUNK, _CHUNK)], sems[b])
            seg += 1
    pending[0].wait()
    pending[1].wait()


def _emb_kernel(ut, it, uid_hbm, iid_hbm, out_u, out_i,
                idx_v, row_v, out_a, out_b, s0, s1, s2, s3):
    core = lax.axis_index("c")
    fb = lax.axis_index("s")
    sems = (s0, s1, s2, s3)

    @pl.when(core == 0)
    def _():
        _gather_table(ut, uid_hbm, out_u, fb, idx_v, row_v, out_a, out_b, sems)

    @pl.when(core == 1)
    def _():
        _gather_table(it, iid_hbm, out_i, fb, idx_v, row_v, out_a, out_b, sems)


@jax.jit
def kernel(user_embedding, item_embedding, user_ids, item_ids):
    mesh = plsc.VectorSubcoreMesh(core_axis_name="c", subcore_axis_name="s")
    fn = functools.partial(
        pl.kernel,
        mesh=mesh,
        compiler_params=pltpu.CompilerParams(needs_layout_passes=False),
        out_type=(
            jax.ShapeDtypeStruct((EMBED_DIM, BATCH), jnp.float32),
            jax.ShapeDtypeStruct((EMBED_DIM, BATCH), jnp.float32),
        ),
        scratch_types=[
            pltpu.VMEM((BATCH,), jnp.int32),
            pltpu.VMEM((NUM_ROWS,), jnp.float32),
            pltpu.VMEM((_CHUNK,), jnp.float32),
            pltpu.VMEM((_CHUNK,), jnp.float32),
            pltpu.SemaphoreType.DMA,
            pltpu.SemaphoreType.DMA,
            pltpu.SemaphoreType.DMA,
            pltpu.SemaphoreType.DMA,
        ],
    )(_emb_kernel)
    out_ut, out_it = fn(user_embedding.T, item_embedding.T,
                        user_ids.astype(jnp.int32), item_ids.astype(jnp.int32))
    return (out_ut.T, out_it.T)

# --- scband reference (transcript-rebuilt; emitter-appended) ---
"""Pipeline reference for scband-enhanced-svd-87866440942234 (READ-ONLY COPY).

The authoritative reference and input builder live on the scoring server;
editing this copy changes nothing except your own understanding.
"""

import jax, jax.numpy as jnp
import numpy as np

NUM_USERS = 100000
NUM_ITEMS = 100000
EMBED_DIM = 64
BATCH = 16384


def setup_inputs(seed: int = 0) -> dict:
    key = jax.random.key(seed)
    k1, k2, k3, k4 = jax.random.split(key, 4)
    # SVD-derived embedding tables are learned parameters after init; we
    # materialize equivalently-shaped float32 tables (SVD init only changes
    # values, not the forward computation, which is a pure row-gather).
    user_embedding = jax.random.normal(k1, (NUM_USERS, EMBED_DIM), dtype=jnp.float32) * 0.01
    item_embedding = jax.random.normal(k2, (NUM_ITEMS, EMBED_DIM), dtype=jnp.float32) * 0.01
    user_ids = jax.random.randint(k3, (BATCH,), 0, NUM_USERS, dtype=jnp.int64 if jax.config.read('jax_enable_x64') else jnp.int32)
    item_ids = jax.random.randint(k4, (BATCH,), 0, NUM_ITEMS, dtype=jnp.int64 if jax.config.read('jax_enable_x64') else jnp.int32)
    return {
        "user_embedding": user_embedding,
        "item_embedding": item_embedding,
        "user_ids": user_ids,
        "item_ids": item_ids,
    }


def reference(user_embedding, item_embedding, user_ids, item_ids):
    # Faithful translation of EnhancedSVD.forward with user_ids/item_ids provided:
    #   user_emb = self.user_embedding[user_ids]; item_emb = self.item_embedding[item_ids]
    user_emb = jnp.take(user_embedding, user_ids, axis=0)
    item_emb = jnp.take(item_embedding, item_ids, axis=0)
    return (user_emb, item_emb)

if __name__ == "__main__":
    import jax
    _d = setup_inputs()
    print(jax.jit(kernel)(*tuple(_d.values())))

</pallas_src>

<mosaic_0001>
#map = affine_map<(d0, d1) -> (0, 0)>
#map1 = affine_map<(d0, d1) -> (0)>
module attributes {stable_mosaic.version = 14 : i64} {
  func.func @_emb_kernel(%arg0: i32, %arg1: i32, %arg2: memref<64x100000xf32, #tpu.memory_space<hbm>>, %arg3: memref<64x100000xf32, #tpu.memory_space<hbm>>, %arg4: memref<16384xi32, #tpu.memory_space<hbm>>, %arg5: memref<16384xi32, #tpu.memory_space<hbm>>, %arg6: memref<64x16384xf32, #tpu.memory_space<hbm>>, %arg7: memref<64x16384xf32, #tpu.memory_space<hbm>>, %arg8: memref<16384xi32, #tpu.memory_space<vmem>>, %arg9: memref<100000xf32, #tpu.memory_space<vmem>>, %arg10: memref<4096xf32, #tpu.memory_space<vmem>>, %arg11: memref<4096xf32, #tpu.memory_space<vmem>>, %arg12: memref<!tpu.dma_semaphore, #tpu.memory_space<semaphore_mem>>, %arg13: memref<!tpu.dma_semaphore, #tpu.memory_space<semaphore_mem>>, %arg14: memref<!tpu.dma_semaphore, #tpu.memory_space<semaphore_mem>>, %arg15: memref<!tpu.dma_semaphore, #tpu.memory_space<semaphore_mem>>) attributes {dimension_semantics = [#tpu.dimension_semantics<core_parallel>, #tpu.dimension_semantics<subcore_parallel>], iteration_bounds = array<i64: 2, 16>, scalar_prefetch = 0 : i64, scratch_operands = 8 : i64, tpu.core_type = #tpu.core_type<sc_vector_subcore>, window_params = [{transform_indices = #map}, {transform_indices = #map}, {transform_indices = #map1}, {transform_indices = #map1}, {transform_indices = #map}, {transform_indices = #map}]} {
    %eq3A = arith.constant 0 : i32
    %eq3A_0 = arith.cmpi eq, %arg0, %eq3A : i32
    %convert_element_type3A = arith.extui %eq3A_0 : i1 to i32
    %cond3A = arith.constant 0 : i32
    %cond3A_1 = arith.cmpi ne, %convert_element_type3A, %cond3A : i32
    scf.if %cond3A_1 {
      tpu.enqueue_dma source(%arg4 : memref<16384xi32, #tpu.memory_space<hbm>>) target(%arg8 : memref<16384xi32, #tpu.memory_space<vmem>>) target_semaphore(%arg14 : memref<!tpu.dma_semaphore, #tpu.memory_space<semaphore_mem>>)
      %mul3A = arith.constant 4 : i32
      %mul3A_7 = arith.muli %arg1, %mul3A : i32
      %dma_start3A = arith.constant 0 : i32
      %dma_start3A_8 = tpu.memref_slice %arg2[%mul3A_7, %dma_start3A] : memref<64x100000xf32, #tpu.memory_space<hbm>> -> memref<1x100000xf32, #tpu.memory_space<hbm>>
      %dma_start3A_9 = tpu.memref_squeeze %dma_start3A_8 : memref<1x100000xf32, #tpu.memory_space<hbm>> -> memref<100000xf32, #tpu.memory_space<hbm>>
      %dma_start3A_10 = arith.constant 0 : i32
      %dma_start3A_11 = tpu.memref_slice %arg2[%mul3A_7, %dma_start3A_10] : memref<64x100000xf32, #tpu.memory_space<hbm>> -> memref<1x100000xf32, #tpu.memory_space<hbm>>
      %dma_start3A_12 = tpu.memref_squeeze %dma_start3A_11 : memref<1x100000xf32, #tpu.memory_space<hbm>> -> memref<100000xf32, #tpu.memory_space<hbm>>
      tpu.enqueue_dma source(%dma_start3A_12 : memref<100000xf32, #tpu.memory_space<hbm>>) target(%arg9 : memref<100000xf32, #tpu.memory_space<vmem>>) target_semaphore(%arg15 : memref<!tpu.dma_semaphore, #tpu.memory_space<semaphore_mem>>)
      tpu.wait_dma2 semaphore(%arg14 : memref<!tpu.dma_semaphore, #tpu.memory_space<semaphore_mem>>) src(%arg4 : memref<16384xi32, #tpu.memory_space<hbm>>) dst(%arg8 : memref<16384xi32, #tpu.memory_space<vmem>>)
      %dma_wait3A = arith.constant 0 : i32
      %dma_wait3A_13 = tpu.memref_slice %arg2[%mul3A_7, %dma_wait3A] : memref<64x100000xf32, #tpu.memory_space<hbm>> -> memref<1x100000xf32, #tpu.memory_space<hbm>>
      %dma_wait3A_14 = tpu.memref_squeeze %dma_wait3A_13 : memref<1x100000xf32, #tpu.memory_space<hbm>> -> memref<100000xf32, #tpu.memory_space<hbm>>
      %dma_wait3A_15 = arith.constant 0 : i32
      %dma_wait3A_16 = tpu.memref_slice %arg2[%mul3A_7, %dma_wait3A_15] : memref<64x100000xf32, #tpu.memory_space<hbm>> -> memref<1x100000xf32, #tpu.memory_space<hbm>>
      %dma_wait3A_17 = tpu.memref_squeeze %dma_wait3A_16 : memref<1x100000xf32, #tpu.memory_space<hbm>> -> memref<100000xf32, #tpu.memory_space<hbm>>
      tpu.wait_dma2 semaphore(%arg15 : memref<!tpu.dma_semaphore, #tpu.memory_space<semaphore_mem>>) src(%dma_wait3A_17 : memref<100000xf32, #tpu.memory_space<hbm>>) dst(%arg9 : memref<100000xf32, #tpu.memory_space<vmem>>)
      %mul3A_18 = arith.constant 4 : i32
      %mul3A_19 = arith.muli %arg1, %mul3A_18 : i32
      %add3A = arith.constant 0 : i32
      %add3A_20 = arith.addi %mul3A_19, %add3A : i32
      %parallel_loop3A = arith.constant 0 : i32
      %parallel_loop3A_21 = arith.constant 4096 : i32
      %parallel_loop3A_22 = arith.constant 16 : i32
      scf.for %parallel_loop3A_272 = %parallel_loop3A to %parallel_loop3A_21 step %parallel_loop3A_22  : i32 {
        %parallel_loop3A_273 = arith.constant 0 : i32
        %parallel_loop3A_274 = arith.addi %parallel_loop3A_273, %parallel_loop3A_272 : i32
        %parallel_loop3A_275 = arith.index_cast %parallel_loop3A_274 : i32 to index
        %parallel_loop3A_276 = tpu.vector_load %arg8[%parallel_loop3A_275] {strides = array<i32>} : memref<16384xi32, #tpu.memory_space<vmem>>, vector<16xi32>,
        %parallel_loop3A_277 = tpu.vector_load_idx %arg9[%parallel_loop3A_276] : memref<100000xf32, #tpu.memory_space<vmem>>[vector<16xi32>], vector<16xf32>,
        %parallel_loop3A_278 = arith.index_cast %parallel_loop3A_272 : i32 to index
        %parallel_loop3A_279 = tpu.vector_load %arg10[%parallel_loop3A_278] {strides = array<i32>} : memref<4096xf32, #tpu.memory_space<vmem>>, vector<16xf32>,
        tpu.vector_store %arg10[%parallel_loop3A_278], %parallel_loop3A_277 {strides = array<i32>} : memref<4096xf32, #tpu.memory_space<vmem>>, vector<16xf32>,
      } {sc.loop_unroll_factor = 4 : i64, sc.parallel_access}
      %dma_start3A_23 = arith.constant 0 : i32
      %dma_start3A_24 = tpu.memref_slice %arg6[%add3A_20, %dma_start3A_23] : memref<64x16384xf32, #tpu.memory_space<hbm>> -> memref<1x4096xf32, #tpu.memory_space<hbm>>
      %dma_start3A_25 = tpu.memref_squeeze %dma_start3A_24 : memref<1x4096xf32, #tpu.memory_space<hbm>> -> memref<4096xf32, #tpu.memory_space<hbm>>
      %dma_start3A_26 = arith.constant 0 : i32
      %dma_start3A_27 = tpu.memref_slice %arg6[%add3A_20, %dma_start3A_26] : memref<64x16384xf32, #tpu.memory_space<hbm>> -> memref<1x4096xf32, #tpu.memory_space<hbm>>
      %dma_start3A_28 = tpu.memref_squeeze %dma_start3A_27 : memref<1x4096xf32, #tpu.memory_space<hbm>> -> memref<4096xf32, #tpu.memory_space<hbm>>
      tpu.enqueue_dma source(%arg10 : memref<4096xf32, #tpu.memory_space<vmem>>) target(%dma_start3A_28 : memref<4096xf32, #tpu.memory_space<hbm>>) target_semaphore(%arg12 : memref<!tpu.dma_semaphore, #tpu.memory_space<semaphore_mem>>)
      %parallel_loop3A_29 = arith.constant 0 : i32
      %parallel_loop3A_30 = arith.constant 4096 : i32
      %parallel_loop3A_31 = arith.constant 16 : i32
      scf.for %parallel_loop3A_272 = %parallel_loop3A_29 to %parallel_loop3A_30 step %parallel_loop3A_31  : i32 {
        %parallel_loop3A_273 = arith.constant 4096 : i32
        %parallel_loop3A_274 = arith.addi %parallel_loop3A_273, %parallel_loop3A_272 : i32
        %parallel_loop3A_275 = arith.index_cast %parallel_loop3A_274 : i32 to index
        %parallel_loop3A_276 = tpu.vector_load %arg8[%parallel_loop3A_275] {strides = array<i32>} : memref<16384xi32, #tpu.memory_space<vmem>>, vector<16xi32>,
        %parallel_loop3A_277 = tpu.vector_load_idx %arg9[%parallel_loop3A_276] : memref<100000xf32, #tpu.memory_space<vmem>>[vector<16xi32>], vector<16xf32>,
        %parallel_loop3A_278 = arith.index_cast %parallel_loop3A_272 : i32 to index
        %parallel_loop3A_279 = tpu.vector_load %arg11[%parallel_loop3A_278] {strides = array<i32>} : memref<4096xf32, #tpu.memory_space<vmem>>, vector<16xf32>,
        tpu.vector_store %arg11[%parallel_loop3A_278], %parallel_loop3A_277 {strides = array<i32>} : memref<4096xf32, #tpu.memory_space<vmem>>, vector<16xf32>,
      } {sc.loop_unroll_factor = 4 : i64, sc.parallel_access}
      %dma_start3A_32 = arith.constant 4096 : i32
      %dma_start3A_33 = tpu.memref_slice %arg6[%add3A_20, %dma_start3A_32] : memref<64x16384xf32, #tpu.memory_space<hbm>> -> memref<1x4096xf32, #tpu.memory_space<hbm>>
      %dma_start3A_34 = tpu.memref_squeeze %dma_start3A_33 : memref<1x4096xf32, #tpu.memory_space<hbm>> -> memref<4096xf32, #tpu.memory_space<hbm>>
      %dma_start3A_35 = arith.constant 4096 : i32
      %dma_start3A_36 = tpu.memref_slice %arg6[%add3A_20, %dma_start3A_35] : memref<64x16384xf32, #tpu.memory_space<hbm>> -> memref<1x4096xf32, #tpu.memory_space<hbm>>
      %dma_start3A_37 = tpu.memref_squeeze %dma_start3A_36 : memref<1x4096xf32, #tpu.memory_space<hbm>> -> memref<4096xf32, #tpu.memory_space<hbm>>
      tpu.enqueue_dma source(%arg11 : memref<4096xf32, #tpu.memory_space<vmem>>) target(%dma_start3A_37 : memref<4096xf32, #tpu.memory_space<hbm>>) target_semaphore(%arg13 : memref<!tpu.dma_semaphore, #tpu.memory_space<semaphore_mem>>)
      %dma_wait3A_38 = arith.constant 0 : i32
      %dma_wait3A_39 = tpu.memref_slice %arg6[%add3A_20, %dma_wait3A_38] : memref<64x16384xf32, #tpu.memory_space<hbm>> -> memref<1x4096xf32, #tpu.memory_space<hbm>>
      %dma_wait3A_40 = tpu.memref_squeeze %dma_wait3A_39 : memref<1x4096xf32, #tpu.memory_space<hbm>> -> memref<4096xf32, #tpu.memory_space<hbm>>
      %dma_wait3A_41 = arith.constant 0 : i32
      %dma_wait3A_42 = tpu.memref_slice %arg6[%add3A_20, %dma_wait3A_41] : memref<64x16384xf32, #tpu.memory_space<hbm>> -> memref<1x4096xf32, #tpu.memory_space<hbm>>
      %dma_wait3A_43 = tpu.memref_squeeze %dma_wait3A_42 : memref<1x4096xf32, #tpu.memory_space<hbm>> -> memref<4096xf32, #tpu.memory_space<hbm>>
      tpu.wait_dma2 semaphore(%arg12 : memref<!tpu.dma_semaphore, #tpu.memory_space<semaphore_mem>>) src(%arg10 : memref<4096xf32, #tpu.memory_space<vmem>>) dst(%dma_wait3A_43 : memref<4096xf32, #tpu.memory_space<hbm>>)
      %parallel_loop3A_44 = arith.constant 0 : i32
      %parallel_loop3A_45 = arith.constant 4096 : i32
      %parallel_loop3A_46 = arith.constant 16 : i32
      scf.for %parallel_loop3A_272 = %parallel_loop3A_44 to %parallel_loop3A_45 step %parallel_loop3A_46  : i32 {
        %parallel_loop3A_273 = arith.constant 8192 : i32
        %parallel_loop3A_274 = arith.addi %parallel_loop3A_273, %parallel_loop3A_272 : i32
        %parallel_loop3A_275 = arith.index_cast %parallel_loop3A_274 : i32 to index
        %parallel_loop3A_276 = tpu.vector_load %arg8[%parallel_loop3A_275] {strides = array<i32>} : memref<16384xi32, #tpu.memory_space<vmem>>, vector<16xi32>,
        %parallel_loop3A_277 = tpu.vector_load_idx %arg9[%parallel_loop3A_276] : memref<100000xf32, #tpu.memory_space<vmem>>[vector<16xi32>], vector<16xf32>,
        %parallel_loop3A_278 = arith.index_cast %parallel_loop3A_272 : i32 to index
        %parallel_loop3A_279 = tpu.vector_load %arg10[%parallel_loop3A_278] {strides = array<i32>} : memref<4096xf32, #tpu.memory_space<vmem>>, vector<16xf32>,
        tpu.vector_store %arg10[%parallel_loop3A_278], %parallel_loop3A_277 {strides = array<i32>} : memref<4096xf32, #tpu.memory_space<vmem>>, vector<16xf32>,
      } {sc.loop_unroll_factor = 4 : i64, sc.parallel_access}
      %dma_start3A_47 = arith.constant 8192 : i32
      %dma_start3A_48 = tpu.memref_slice %arg6[%add3A_20, %dma_start3A_47] : memref<64x16384xf32, #tpu.memory_space<hbm>> -> memref<1x4096xf32, #tpu.memory_space<hbm>>
      %dma_start3A_49 = tpu.memref_squeeze %dma_start3A_48 : memref<1x4096xf32, #tpu.memory_space<hbm>> -> memref<4096xf32, #tpu.memory_space<hbm>>
      %dma_start3A_50 = arith.constant 8192 : i32
      %dma_start3A_51 = tpu.memref_slice %arg6[%add3A_20, %dma_start3A_50] : memref<64x16384xf32, #tpu.memory_space<hbm>> -> memref<1x4096xf32, #tpu.memory_space<hbm>>
      %dma_start3A_52 = tpu.memref_squeeze %dma_start3A_51 : memref<1x4096xf32, #tpu.memory_space<hbm>> -> memref<4096xf32, #tpu.memory_space<hbm>>
      tpu.enqueue_dma source(%arg10 : memref<4096xf32, #tpu.memory_space<vmem>>) target(%dma_start3A_52 : memref<4096xf32, #tpu.memory_space<hbm>>) target_semaphore(%arg12 : memref<!tpu.dma_semaphore, #tpu.memory_space<semaphore_mem>>)
      %dma_wait3A_53 = arith.constant 4096 : i32
      %dma_wait3A_54 = tpu.memref_slice %arg6[%add3A_20, %dma_wait3A_53] : memref<64x16384xf32, #tpu.memory_space<hbm>> -> memref<1x4096xf32, #tpu.memory_space<hbm>>
      %dma_wait3A_55 = tpu.memref_squeeze %dma_wait3A_54 : memref<1x4096xf32, #tpu.memory_space<hbm>> -> memref<4096xf32, #tpu.memory_space<hbm>>
      %dma_wait3A_56 = arith.constant 4096 : i32
      %dma_wait3A_57 = tpu.memref_slice %arg6[%add3A_20, %dma_wait3A_56] : memref<64x16384xf32, #tpu.memory_space<hbm>> -> memref<1x4096xf32, #tpu.memory_space<hbm>>
      %dma_wait3A_58 = tpu.memref_squeeze %dma_wait3A_57 : memref<1x4096xf32, #tpu.memory_space<hbm>> -> memref<4096xf32, #tpu.memory_space<hbm>>
      tpu.wait_dma2 semaphore(%arg13 : memref<!tpu.dma_semaphore, #tpu.memory_space<semaphore_mem>>) src(%arg11 : memref<4096xf32, #tpu.memory_space<vmem>>) dst(%dma_wait3A_58 : memref<4096xf32, #tpu.memory_space<hbm>>)
      %parallel_loop3A_59 = arith.constant 0 : i32
      %parallel_loop3A_60 = arith.constant 4096 : i32
      %parallel_loop3A_61 = arith.constant 16 : i32
      scf.for %parallel_loop3A_272 = %parallel_loop3A_59 to %parallel_loop3A_60 step %parallel_loop3A_61  : i32 {
        %parallel_loop3A_273 = arith.constant 12288 : i32
        %parallel_loop3A_274 = arith.addi %parallel_loop3A_273, %parallel_loop3A_272 : i32
        %parallel_loop3A_275 = arith.index_cast %parallel_loop3A_274 : i32 to index
        %parallel_loop3A_276 = tpu.vector_load %arg8[%parallel_loop3A_275] {strides = array<i32>} : memref<16384xi32, #tpu.memory_space<vmem>>, vector<16xi32>,
        %parallel_loop3A_277 = tpu.vector_load_idx %arg9[%parallel_loop3A_276] : memref<100000xf32, #tpu.memory_space<vmem>>[vector<16xi32>], vector<16xf32>,
        %parallel_loop3A_278 = arith.index_cast %parallel_loop3A_272 : i32 to index
        %parallel_loop3A_279 = tpu.vector_load %arg11[%parallel_loop3A_278] {strides = array<i32>} : memref<4096xf32, #tpu.memory_space<vmem>>, vector<16xf32>,
        tpu.vector_store %arg11[%parallel_loop3A_278], %parallel_loop3A_277 {strides = array<i32>} : memref<4096xf32, #tpu.memory_space<vmem>>, vector<16xf32>,
      } {sc.loop_unroll_factor = 4 : i64, sc.parallel_access}
      %dma_start3A_62 = arith.constant 12288 : i32
      %dma_start3A_63 = tpu.memref_slice %arg6[%add3A_20, %dma_start3A_62] : memref<64x16384xf32, #tpu.memory_space<hbm>> -> memref<1x4096xf32, #tpu.memory_space<hbm>>
      %dma_start3A_64 = tpu.memref_squeeze %dma_start3A_63 : memref<1x4096xf32, #tpu.memory_space<hbm>> -> memref<4096xf32, #tpu.memory_space<hbm>>
      %dma_start3A_65 = arith.constant 12288 : i32
      %dma_start3A_66 = tpu.memref_slice %arg6[%add3A_20, %dma_start3A_65] : memref<64x16384xf32, #tpu.memory_space<hbm>> -> memref<1x4096xf32, #tpu.memory_space<hbm>>
      %dma_start3A_67 = tpu.memref_squeeze %dma_start3A_66 : memref<1x4096xf32, #tpu.memory_space<hbm>> -> memref<4096xf32, #tpu.memory_space<hbm>>
      tpu.enqueue_dma source(%arg11 : memref<4096xf32, #tpu.memory_space<vmem>>) target(%dma_start3A_67 : memref<4096xf32, #tpu.memory_space<hbm>>) target_semaphore(%arg13 : memref<!tpu.dma_semaphore, #tpu.memory_space<semaphore_mem>>)
      %mul3A_68 = arith.constant 4 : i32
      %mul3A_69 = arith.muli %arg1, %mul3A_68 : i32
      %add3A_70 = arith.constant 1 : i32
      %add3A_71 = arith.addi %mul3A_69, %add3A_70 : i32
      "tpu.region"() ({
        %run_scoped3A = tpu.sem_alloc : memref<!tpu.dma_semaphore, #tpu.memory_space<semaphore_mem>>
        %dma_start3A_272 = arith.constant 0 : i32
        %dma_start3A_273 = tpu.memref_slice %arg2[%add3A_71, %dma_start3A_272] : memref<64x100000xf32, #tpu.memory_space<hbm>> -> memref<1x100000xf32, #tpu.memory_space<hbm>>
        %dma_start3A_274 = tpu.memref_squeeze %dma_start3A_273 : memref<1x100000xf32, #tpu.memory_space<hbm>> -> memref<100000xf32, #tpu.memory_space<hbm>>
        %dma_start3A_275 = arith.constant 0 : i32
        %dma_start3A_276 = tpu.memref_slice %arg2[%add3A_71, %dma_start3A_275] : memref<64x100000xf32, #tpu.memory_space<hbm>> -> memref<1x100000xf32, #tpu.memory_space<hbm>>
        %dma_start3A_277 = tpu.memref_squeeze %dma_start3A_276 : memref<1x100000xf32, #tpu.memory_space<hbm>> -> memref<100000xf32, #tpu.memory_space<hbm>>
        tpu.enqueue_dma source(%dma_start3A_277 : memref<100000xf32, #tpu.memory_space<hbm>>) target(%arg9 : memref<100000xf32, #tpu.memory_space<vmem>>) target_semaphore(%run_scoped3A : memref<!tpu.dma_semaphore, #tpu.memory_space<semaphore_mem>>)
        %dma_wait3A_278 = arith.constant 0 : i32
        %dma_wait3A_279 = tpu.memref_slice %arg2[%add3A_71, %dma_wait3A_278] : memref<64x100000xf32, #tpu.memory_space<hbm>> -> memref<1x100000xf32, #tpu.memory_space<hbm>>
        %dma_wait3A_280 = tpu.memref_squeeze %dma_wait3A_279 : memref<1x100000xf32, #tpu.memory_space<hbm>> -> memref<100000xf32, #tpu.memory_space<hbm>>
        %dma_wait3A_281 = arith.constant 0 : i32
        %dma_wait3A_282 = tpu.memref_slice %arg2[%add3A_71, %dma_wait3A_281] : memref<64x100000xf32, #tpu.memory_space<hbm>> -> memref<1x100000xf32, #tpu.memory_space<hbm>>
        %dma_wait3A_283 = tpu.memref_squeeze %dma_wait3A_282 : memref<1x100000xf32, #tpu.memory_space<hbm>> -> memref<100000xf32, #tpu.memory_space<hbm>>
        tpu.wait_dma2 semaphore(%run_scoped3A : memref<!tpu.dma_semaphore, #tpu.memory_space<semaphore_mem>>) src(%dma_wait3A_283 : memref<100000xf32, #tpu.memory_space<hbm>>) dst(%arg9 : memref<100000xf32, #tpu.memory_space<vmem>>)
        tpu.yield
      }) : () -> ()
      %dma_wait3A_72 = arith.constant 8192 : i32
      %dma_wait3A_73 = tpu.memref_slice %arg6[%add3A_20, %dma_wait3A_72] : memref<64x16384xf32, #tpu.memory_space<hbm>> -> memref<1x4096xf32, #tpu.memory_space<hbm>>
      %dma_wait3A_74 = tpu.memref_squeeze %dma_wait3A_73 : memref<1x4096xf32, #tpu.memory_space<hbm>> -> memref<4096xf32, #tpu.memory_space<hbm>>
      %dma_wait3A_75 = arith.constant 8192 : i32
      %dma_wait3A_76 = tpu.memref_slice %arg6[%add3A_20, %dma_wait3A_75] : memref<64x16384xf32, #tpu.memory_space<hbm>> -> memref<1x4096xf32, #tpu.memory_space<hbm>>
      %dma_wait3A_77 = tpu.memref_squeeze %dma_wait3A_76 : memref<1x4096xf32, #tpu.memory_space<hbm>> -> memref<4096xf32, #tpu.memory_space<hbm>>
      tpu.wait_dma2 semaphore(%arg12 : memref<!tpu.dma_semaphore, #tpu.memory_space<semaphore_mem>>) src(%arg10 : memref<4096xf32, #tpu.memory_space<vmem>>) dst(%dma_wait3A_77 : memref<4096xf32, #tpu.memory_space<hbm>>)
      %parallel_loop3A_78 = arith.constant 0 : i32
      %parallel_loop3A_79 = arith.constant 4096 : i32
      %parallel_loop3A_80 = arith.constant 16 : i32
      scf.for %parallel_loop3A_272 = %parallel_loop3A_78 to %parallel_loop3A_79 step %parallel_loop3A_80  : i32 {
        %parallel_loop3A_273 = arith.constant 0 : i32
        %parallel_loop3A_274 = arith.addi %parallel_loop3A_273, %parallel_loop3A_272 : i32
        %parallel_loop3A_275 = arith.index_cast %parallel_loop3A_274 : i32 to index
        %parallel_loop3A_276 = tpu.vector_load %arg8[%parallel_loop3A_275] {strides = array<i32>} : memref<16384xi32, #tpu.memory_space<vmem>>, vector<16xi32>,
        %parallel_loop3A_277 = tpu.vector_load_idx %arg9[%parallel_loop3A_276] : memref<100000xf32, #tpu.memory_space<vmem>>[vector<16xi32>], vector<16xf32>,
        %parallel_loop3A_278 = arith.index_cast %parallel_loop3A_272 : i32 to index
        %parallel_loop3A_279 = tpu.vector_load %arg10[%parallel_loop3A_278] {strides = array<i32>} : memref<4096xf32, #tpu.memory_space<vmem>>, vector<16xf32>,
        tpu.vector_store %arg10[%parallel_loop3A_278], %parallel_loop3A_277 {strides = array<i32>} : memref<4096xf32, #tpu.memory_space<vmem>>, vector<16xf32>,
      } {sc.loop_unroll_factor = 4 : i64, sc.parallel_access}
      %dma_start3A_81 = arith.constant 0 : i32
      %dma_start3A_82 = tpu.memref_slice %arg6[%add3A_71, %dma_start3A_81] : memref<64x16384xf32, #tpu.memory_space<hbm>> -> memref<1x4096xf32, #tpu.memory_space<hbm>>
      %dma_start3A_83 = tpu.memref_squeeze %dma_start3A_82 : memref<1x4096xf32, #tpu.memory_space<hbm>> -> memref<4096xf32, #tpu.memory_space<hbm>>
      %dma_start3A_84 = arith.constant 0 : i32
      %dma_start3A_85 = tpu.memref_slice %arg6[%add3A_71, %dma_start3A_84] : memref<64x16384xf32, #tpu.memory_space<hbm>> -> memref<1x4096xf32, #tpu.memory_space<hbm>>
      %dma_start3A_86 = tpu.memref_squeeze %dma_start3A_85 : memref<1x4096xf32, #tpu.memory_space<hbm>> -> memref<4096xf32, #tpu.memory_space<hbm>>
      tpu.enqueue_dma source(%arg10 : memref<4096xf32, #tpu.memory_space<vmem>>) target(%dma_start3A_86 : memref<4096xf32, #tpu.memory_space<hbm>>) target_semaphore(%arg12 : memref<!tpu.dma_semaphore, #tpu.memory_space<semaphore_mem>>)
      %dma_wait3A_87 = arith.constant 12288 : i32
      %dma_wait3A_88 = tpu.memref_slice %arg6[%add3A_20, %dma_wait3A_87] : memref<64x16384xf32, #tpu.memory_space<hbm>> -> memref<1x4096xf32, #tpu.memory_space<hbm>>
      %dma_wait3A_89 = tpu.memref_squeeze %dma_wait3A_88 : memref<1x4096xf32, #tpu.memory_space<hbm>> -> memref<4096xf32, #tpu.memory_space<hbm>>
      %dma_wait3A_90 = arith.constant 12288 : i32
      %dma_wait3A_91 = tpu.memref_slice %arg6[%add3A_20, %dma_wait3A_90] : memref<64x16384xf32, #tpu.memory_space<hbm>> -> memref<1x4096xf32, #tpu.memory_space<hbm>>
      %dma_wait3A_92 = tpu.memref_squeeze %dma_wait3A_91 : memref<1x4096xf32, #tpu.memory_space<hbm>> -> memref<4096xf32, #tpu.memory_space<hbm>>
      tpu.wait_dma2 semaphore(%arg13 : memref<!tpu.dma_semaphore, #tpu.memory_space<semaphore_mem>>) src(%arg11 : memref<4096xf32, #tpu.memory_space<vmem>>) dst(%dma_wait3A_92 : memref<4096xf32, #tpu.memory_space<hbm>>)
      %parallel_loop3A_93 = arith.constant 0 : i32
      %parallel_loop3A_94 = arith.constant 4096 : i32
      %parallel_loop3A_95 = arith.constant 16 : i32
      scf.for %parallel_loop3A_272 = %parallel_loop3A_93 to %parallel_loop3A_94 step %parallel_loop3A_95  : i32 {
        %parallel_loop3A_273 = arith.constant 4096 : i32
        %parallel_loop3A_274 = arith.addi %parallel_loop3A_273, %parallel_loop3A_272 : i32
        %parallel_loop3A_275 = arith.index_cast %parallel_loop3A_274 : i32 to index
        %parallel_loop3A_276 = tpu.vector_load %arg8[%parallel_loop3A_275] {strides = array<i32>} : memref<16384xi32, #tpu.memory_space<vmem>>, vector<16xi32>,
        %parallel_loop3A_277 = tpu.vector_load_idx %arg9[%parallel_loop3A_276] : memref<100000xf32, #tpu.memory_space<vmem>>[vector<16xi32>], vector<16xf32>,
        %parallel_loop3A_278 = arith.index_cast %parallel_loop3A_272 : i32 to index
        %parallel_loop3A_279 = tpu.vector_load %arg11[%parallel_loop3A_278] {strides = array<i32>} : memref<4096xf32, #tpu.memory_space<vmem>>, vector<16xf32>,
        tpu.vector_store %arg11[%parallel_loop3A_278], %parallel_loop3A_277 {strides = array<i32>} : memref<4096xf32, #tpu.memory_space<vmem>>, vector<16xf32>,
      } {sc.loop_unroll_factor = 4 : i64, sc.parallel_access}
      %dma_start3A_96 = arith.constant 4096 : i32
      %dma_start3A_97 = tpu.memref_slice %arg6[%add3A_71, %dma_start3A_96] : memref<64x16384xf32, #tpu.memory_space<hbm>> -> memref<1x4096xf32, #tpu.memory_space<hbm>>
      %dma_start3A_98 = tpu.memref_squeeze %dma_start3A_97 : memref<1x4096xf32, #tpu.memory_space<hbm>> -> memref<4096xf32, #tpu.memory_space<hbm>>
      %dma_start3A_99 = arith.constant 4096 : i32
      %dma_start3A_100 = tpu.memref_slice %arg6[%add3A_71, %dma_start3A_99] : memref<64x16384xf32, #tpu.memory_space<hbm>> -> memref<1x4096xf32, #tpu.memory_space<hbm>>
      %dma_start3A_101 = tpu.memref_squeeze %dma_start3A_100 : memref<1x4096xf32, #tpu.memory_space<hbm>> -> memref<4096xf32, #tpu.memory_space<hbm>>
      tpu.enqueue_dma source(%arg11 : memref<4096xf32, #tpu.memory_space<vmem>>) target(%dma_start3A_101 : memref<4096xf32, #tpu.memory_space<hbm>>) target_semaphore(%arg13 : memref<!tpu.dma_semaphore, #tpu.memory_space<semaphore_mem>>)
      %dma_wait3A_102 = arith.constant 0 : i32
      %dma_wait3A_103 = tpu.memref_slice %arg6[%add3A_71, %dma_wait3A_102] : memref<64x16384xf32, #tpu.memory_space<hbm>> -> memref<1x4096xf32, #tpu.memory_space<hbm>>
      %dma_wait3A_104 = tpu.memref_squeeze %dma_wait3A_103 : memref<1x4096xf32, #tpu.memory_space<hbm>> -> memref<4096xf32, #tpu.memory_space<hbm>>
      %dma_wait3A_105 = arith.constant 0 : i32
      %dma_wait3A_106 = tpu.memref_slice %arg6[%add3A_71, %dma_wait3A_105] : memref<64x16384xf32, #tpu.memory_space<hbm>> -> memref<1x4096xf32, #tpu.memory_space<hbm>>
      %dma_wait3A_107 = tpu.memref_squeeze %dma_wait3A_106 : memref<1x4096xf32, #tpu.memory_space<hbm>> -> memref<4096xf32, #tpu.memory_space<hbm>>
      tpu.wait_dma2 semaphore(%arg12 : memref<!tpu.dma_semaphore, #tpu.memory_space<semaphore_mem>>) src(%arg10 : memref<4096xf32, #tpu.memory_space<vmem>>) dst(%dma_wait3A_107 : memref<4096xf32, #tpu.memory_space<hbm>>)
      %parallel_loop3A_108 = arith.constant 0 : i32
      %parallel_loop3A_109 = arith.constant 4096 : i32
      %parallel_loop3A_110 = arith.constant 16 : i32
      scf.for %parallel_loop3A_272 = %parallel_loop3A_108 to %parallel_loop3A_109 step %parallel_loop3A_110  : i32 {
        %parallel_loop3A_273 = arith.constant 8192 : i32
        %parallel_loop3A_274 = arith.addi %parallel_loop3A_273, %parallel_loop3A_272 : i32
        %parallel_loop3A_275 = arith.index_cast %parallel_loop3A_274 : i32 to index
        %parallel_loop3A_276 = tpu.vector_load %arg8[%parallel_loop3A_275] {strides = array<i32>} : memref<16384xi32, #tpu.memory_space<vmem>>, vector<16xi32>,
        %parallel_loop3A_277 = tpu.vector_load_idx %arg9[%parallel_loop3A_276] : memref<100000xf32, #tpu.memory_space<vmem>>[vector<16xi32>], vector<16xf32>,
        %parallel_loop3A_278 = arith.index_cast %parallel_loop3A_272 : i32 to index
        %parallel_loop3A_279 = tpu.vector_load %arg10[%parallel_loop3A_278] {strides = array<i32>} : memref<4096xf32, #tpu.memory_space<vmem>>, vector<16xf32>,
        tpu.vector_store %arg10[%parallel_loop3A_278], %parallel_loop3A_277 {strides = array<i32>} : memref<4096xf32, #tpu.memory_space<vmem>>, vector<16xf32>,
      } {sc.loop_unroll_factor = 4 : i64, sc.parallel_access}
      %dma_start3A_111 = arith.constant 8192 : i32
      %dma_start3A_112 = tpu.memref_slice %arg6[%add3A_71, %dma_start3A_111] : memref<64x16384xf32, #tpu.memory_space<hbm>> -> memref<1x4096xf32, #tpu.memory_space<hbm>>
      %dma_start3A_113 = tpu.memref_squeeze %dma_start3A_112 : memref<1x4096xf32, #tpu.memory_space<hbm>> -> memref<4096xf32, #tpu.memory_space<hbm>>
      %dma_start3A_114 = arith.constant 8192 : i32
      %dma_start3A_115 = tpu.memref_slice %arg6[%add3A_71, %dma_start3A_114] : memref<64x16384xf32, #tpu.memory_space<hbm>> -> memref<1x4096xf32, #tpu.memory_space<hbm>>
      %dma_start3A_116 = tpu.memref_squeeze %dma_start3A_115 : memref<1x4096xf32, #tpu.memory_space<hbm>> -> memref<4096xf32, #tpu.memory_space<hbm>>
      tpu.enqueue_dma source(%arg10 : memref<4096xf32, #tpu.memory_space<vmem>>) target(%dma_start3A_116 : memref<4096xf32, #tpu.memory_space<hbm>>) target_semaphore(%arg12 : memref<!tpu.dma_semaphore, #tpu.memory_space<semaphore_mem>>)
      %dma_wait3A_117 = arith.constant 4096 : i32
      %dma_wait3A_118 = tpu.memref_slice %arg6[%add3A_71, %dma_wait3A_117] : memref<64x16384xf32, #tpu.memory_space<hbm>> -> memref<1x4096xf32, #tpu.memory_space<hbm>>
      %dma_wait3A_119 = tpu.memref_squeeze %dma_wait3A_118 : memref<1x4096xf32, #tpu.memory_space<hbm>> -> memref<4096xf32, #tpu.memory_space<hbm>>
      %dma_wait3A_120 = arith.constant 4096 : i32
      %dma_wait3A_121 = tpu.memref_slice %arg6[%add3A_71, %dma_wait3A_120] : memref<64x16384xf32, #tpu.memory_space<hbm>> -> memref<1x4096xf32, #tpu.memory_space<hbm>>
      %dma_wait3A_122 = tpu.memref_squeeze %dma_wait3A_121 : memref<1x4096xf32, #tpu.memory_space<hbm>> -> memref<4096xf32, #tpu.memory_space<hbm>>
      tpu.wait_dma2 semaphore(%arg13 : memref<!tpu.dma_semaphore, #tpu.memory_space<semaphore_mem>>) src(%arg11 : memref<4096xf32, #tpu.memory_space<vmem>>) dst(%dma_wait3A_122 : memref<4096xf32, #tpu.memory_space<hbm>>)
      %parallel_loop3A_123 = arith.constant 0 : i32
      %parallel_loop3A_124 = arith.constant 4096 : i32
      %parallel_loop3A_125 = arith.constant 16 : i32
      scf.for %parallel_loop3A_272 = %parallel_loop3A_123 to %parallel_loop3A_124 step %parallel_loop3A_125  : i32 {
        %parallel_loop3A_273 = arith.constant 12288 : i32
        %parallel_loop3A_274 = arith.addi %parallel_loop3A_273, %parallel_loop3A_272 : i32
        %parallel_loop3A_275 = arith.index_cast %parallel_loop3A_274 : i32 to index
        %parallel_loop3A_276 = tpu.vector_load %arg8[%parallel_loop3A_275] {strides = array<i32>} : memref<16384xi32, #tpu.memory_space<vmem>>, vector<16xi32>,
        %parallel_loop3A_277 = tpu.vector_load_idx %arg9[%parallel_loop3A_276] : memref<100000xf32, #tpu.memory_space<vmem>>[vector<16xi32>], vector<16xf32>,
        %parallel_loop3A_278 = arith.index_cast %parallel_loop3A_272 : i32 to index
        %parallel_loop3A_279 = tpu.vector_load %arg11[%parallel_loop3A_278] {strides = array<i32>} : memref<4096xf32, #tpu.memory_space<vmem>>, vector<16xf32>,
        tpu.vector_store %arg11[%parallel_loop3A_278], %parallel_loop3A_277 {strides = array<i32>} : memref<4096xf32, #tpu.memory_space<vmem>>, vector<16xf32>,
      } {sc.loop_unroll_factor = 4 : i64, sc.parallel_access}
      %dma_start3A_126 = arith.constant 12288 : i32
      %dma_start3A_127 = tpu.memref_slice %arg6[%add3A_71, %dma_start3A_126] : memref<64x16384xf32, #tpu.memory_space<hbm>> -> memref<1x4096xf32, #tpu.memory_space<hbm>>
      %dma_start3A_128 = tpu.memref_squeeze %dma_start3A_127 : memref<1x4096xf32, #tpu.memory_space<hbm>> -> memref<4096xf32, #tpu.memory_space<hbm>>
      %dma_start3A_129 = arith.constant 12288 : i32
      %dma_start3A_130 = tpu.memref_slice %arg6[%add3A_71, %dma_start3A_129] : memref<64x16384xf32, #tpu.memory_space<hbm>> -> memref<1x4096xf32, #tpu.memory_space<hbm>>
      %dma_start3A_131 = tpu.memref_squeeze %dma_start3A_130 : memref<1x4096xf32, #tpu.memory_space<hbm>> -> memref<4096xf32, #tpu.memory_space<hbm>>
      tpu.enqueue_dma source(%arg11 : memref<4096xf32, #tpu.memory_space<vmem>>) target(%dma_start3A_131 : memref<4096xf32, #tpu.memory_space<hbm>>) target_semaphore(%arg13 : memref<!tpu.dma_semaphore, #tpu.memory_space<semaphore_mem>>)
      %mul3A_132 = arith.constant 4 : i32
      %mul3A_133 = arith.muli %arg1, %mul3A_132 : i32
      %add3A_134 = arith.constant 2 : i32
      %add3A_135 = arith.addi %mul3A_133, %add3A_134 : i32
      "tpu.region"() ({
        %run_scoped3A = tpu.sem_alloc : memref<!tpu.dma_semaphore, #tpu.memory_space<semaphore_mem>>
        %dma_start3A_272 = arith.constant 0 : i32
        %dma_start3A_273 = tpu.memref_slice %arg2[%add3A_135, %dma_start3A_272] : memref<64x100000xf32, #tpu.memory_space<hbm>> -> memref<1x100000xf32, #tpu.memory_space<hbm>>
        %dma_start3A_274 = tpu.memref_squeeze %dma_start3A_273 : memref<1x100000xf32, #tpu.memory_space<hbm>> -> memref<100000xf32, #tpu.memory_space<hbm>>
        %dma_start3A_275 = arith.constant 0 : i32
        %dma_start3A_276 = tpu.memref_slice %arg2[%add3A_135, %dma_start3A_275] : memref<64x100000xf32, #tpu.memory_space<hbm>> -> memref<1x100000xf32, #tpu.memory_space<hbm>>
        %dma_start3A_277 = tpu.memref_squeeze %dma_start3A_276 : memref<1x100000xf32, #tpu.memory_space<hbm>> -> memref<100000xf32, #tpu.memory_space<hbm>>
        tpu.enqueue_dma source(%dma_start3A_277 : memref<100000xf32, #tpu.memory_space<hbm>>) target(%arg9 : memref<100000xf32, #tpu.memory_space<vmem>>) target_semaphore(%run_scoped3A : memref<!tpu.dma_semaphore, #tpu.memory_space<semaphore_mem>>)
        %dma_wait3A_278 = arith.constant 0 : i32
        %dma_wait3A_279 = tpu.memref_slice %arg2[%add3A_135, %dma_wait3A_278] : memref<64x100000xf32, #tpu.memory_space<hbm>> -> memref<1x100000xf32, #tpu.memory_space<hbm>>
        %dma_wait3A_280 = tpu.memref_squeeze %dma_wait3A_279 : memref<1x100000xf32, #tpu.memory_space<hbm>> -> memref<100000xf32, #tpu.memory_space<hbm>>
        %dma_wait3A_281 = arith.constant 0 : i32
        %dma_wait3A_282 = tpu.memref_slice %arg2[%add3A_135, %dma_wait3A_281] : memref<64x100000xf32, #tpu.memory_space<hbm>> -> memref<1x100000xf32, #tpu.memory_space<hbm>>
        %dma_wait3A_283 = tpu.memref_squeeze %dma_wait3A_282 : memref<1x100000xf32, #tpu.memory_space<hbm>> -> memref<100000xf32, #tpu.memory_space<hbm>>
        tpu.wait_dma2 semaphore(%run_scoped3A : memref<!tpu.dma_semaphore, #tpu.memory_space<semaphore_mem>>) src(%dma_wait3A_283 : memref<100000xf32, #tpu.memory_space<hbm>>) dst(%arg9 : memref<100000xf32, #tpu.memory_space<vmem>>)
        tpu.yield
      }) : () -> ()
      %dma_wait3A_136 = arith.constant 8192 : i32
      %dma_wait3A_137 = tpu.memref_slice %arg6[%add3A_71, %dma_wait3A_136] : memref<64x16384xf32, #tpu.memory_space<hbm>> -> memref<1x4096xf32, #tpu.memory_space<hbm>>
      %dma_wait3A_138 = tpu.memref_squeeze %dma_wait3A_137 : memref<1x4096xf32, #tpu.memory_space<hbm>> -> memref<4096xf32, #tpu.memory_space<hbm>>
      %dma_wait3A_139 = arith.constant 8192 : i32
      %dma_wait3A_140 = tpu.memref_slice %arg6[%add3A_71, %dma_wait3A_139] : memref<64x16384xf32, #tpu.memory_space<hbm>> -> memref<1x4096xf32, #tpu.memory_space<hbm>>
      %dma_wait3A_141 = tpu.memref_squeeze %dma_wait3A_140 : memref<1x4096xf32, #tpu.memory_space<hbm>> -> memref<4096xf32, #tpu.memory_space<hbm>>
      tpu.wait_dma2 semaphore(%arg12 : memref<!tpu.dma_semaphore, #tpu.memory_space<semaphore_mem>>) src(%arg10 : memref<4096xf32, #tpu.memory_space<vmem>>) dst(%dma_wait3A_141 : memref<4096xf32, #tpu.memory_space<hbm>>)
      %parallel_loop3A_142 = arith.constant 0 : i32
      %parallel_loop3A_143 = arith.constant 4096 : i32
      %parallel_loop3A_144 = arith.constant 16 : i32
      scf.for %parallel_loop3A_272 = %parallel_loop3A_142 to %parallel_loop3A_143 step %parallel_loop3A_144  : i32 {
        %parallel_loop3A_273 = arith.constant 0 : i32
        %parallel_loop3A_274 = arith.addi %parallel_loop3A_273, %parallel_loop3A_272 : i32
        %parallel_loop3A_275 = arith.index_cast %parallel_loop3A_274 : i32 to index
        %parallel_loop3A_276 = tpu.vector_load %arg8[%parallel_loop3A_275] {strides = array<i32>} : memref<16384xi32, #tpu.memory_space<vmem>>, vector<16xi32>,
        %parallel_loop3A_277 = tpu.vector_load_idx %arg9[%parallel_loop3A_276] : memref<100000xf32, #tpu.memory_space<vmem>>[vector<16xi32>], vector<16xf32>,
        %parallel_loop3A_278 = arith.index_cast %parallel_loop3A_272 : i32 to index
        %parallel_loop3A_279 = tpu.vector_load %arg10[%parallel_loop3A_278] {strides = array<i32>} : memref<4096xf32, #tpu.memory_space<vmem>>, vector<16xf32>,
        tpu.vector_store %arg10[%parallel_loop3A_278], %parallel_loop3A_277 {strides = array<i32>} : memref<4096xf32, #tpu.memory_space<vmem>>, vector<16xf32>,
      } {sc.loop_unroll_factor = 4 : i64, sc.parallel_access}
      %dma_start3A_145 = arith.constant 0 : i32
      %dma_start3A_146 = tpu.memref_slice %arg6[%add3A_135, %dma_start3A_145] : memref<64x16384xf32, #tpu.memory_space<hbm>> -> memref<1x4096xf32, #tpu.memory_space<hbm>>
      %dma_start3A_147 = tpu.memref_squeeze %dma_start3A_146 : memref<1x4096xf32, #tpu.memory_space<hbm>> -> memref<4096xf32, #tpu.memory_space<hbm>>
      %dma_start3A_148 = arith.constant 0 : i32
      %dma_start3A_149 = tpu.memref_slice %arg6[%add3A_135, %dma_start3A_148] : memref<64x16384xf32, #tpu.memory_space<hbm>> -> memref<1x4096xf32, #tpu.memory_space<hbm>>
      %dma_start3A_150 = tpu.memref_squeeze %dma_start3A_149 : memref<1x4096xf32, #tpu.memory_space<hbm>> -> memref<4096xf32, #tpu.memory_space<hbm>>
      tpu.enqueue_dma source(%arg10 : memref<4096xf32, #tpu.memory_space<vmem>>) target(%dma_start3A_150 : memref<4096xf32, #tpu.memory_space<hbm>>) target_semaphore(%arg12 : memref<!tpu.dma_semaphore, #tpu.memory_space<semaphore_mem>>)
      %dma_wait3A_151 = arith.constant 12288 : i32
      %dma_wait3A_152 = tpu.memref_slice %arg6[%add3A_71, %dma_wait3A_151] : memref<64x16384xf32, #tpu.memory_space<hbm>> -> memref<1x4096xf32, #tpu.memory_space<hbm>>
      %dma_wait3A_153 = tpu.memref_squeeze %dma_wait3A_152 : memref<1x4096xf32, #tpu.memory_space<hbm>> -> memref<4096xf32, #tpu.memory_space<hbm>>
      %dma_wait3A_154 = arith.constant 12288 : i32
      %dma_wait3A_155 = tpu.memref_slice %arg6[%add3A_71, %dma_wait3A_154] : memref<64x16384xf32, #tpu.memory_space<hbm>> -> memref<1x4096xf32, #tpu.memory_space<hbm>>
      %dma_wait3A_156 = tpu.memref_squeeze %dma_wait3A_155 : memref<1x4096xf32, #tpu.memory_space<hbm>> -> memref<4096xf32, #tpu.memory_space<hbm>>
      tpu.wait_dma2 semaphore(%arg13 : memref<!tpu.dma_semaphore, #tpu.memory_space<semaphore_mem>>) src(%arg11 : memref<4096xf32, #tpu.memory_space<vmem>>) dst(%dma_wait3A_156 : memref<4096xf32, #tpu.memory_space<hbm>>)
      %parallel_loop3A_157 = arith.constant 0 : i32
      %parallel_loop3A_158 = arith.constant 4096 : i32
      %parallel_loop3A_159 = arith.constant 16 : i32
      scf.for %parallel_loop3A_272 = %parallel_loop3A_157 to %parallel_loop3A_158 step %parallel_loop3A_159  : i32 {
        %parallel_loop3A_273 = arith.constant 4096 : i32
        %parallel_loop3A_274 = arith.addi %parallel_loop3A_273, %parallel_loop3A_272 : i32
        %parallel_loop3A_275 = arith.index_cast %parallel_loop3A_274 : i32 to index
        %parallel_loop3A_276 = tpu.vector_load %arg8[%parallel_loop3A_275] {strides = array<i32>} : memref<16384xi32, #tpu.memory_space<vmem>>, vector<16xi32>,
        %parallel_loop3A_277 = tpu.vector_load_idx %arg9[%parallel_loop3A_276] : memref<100000xf32, #tpu.memory_space<vmem>>[vector<16xi32>], vector<16xf32>,
        %parallel_loop3A_278 = arith.index_cast %parallel_loop3A_272 : i32 to index
        %parallel_loop3A_279 = tpu.vector_load %arg11[%parallel_loop3A_278] {strides = array<i32>} : memref<4096xf32, #tpu.memory_space<vmem>>, vector<16xf32>,
        tpu.vector_store %arg11[%parallel_loop3A_278], %parallel_loop3A_277 {strides = array<i32>} : memref<4096xf32, #tpu.memory_space<vmem>>, vector<16xf32>,
      } {sc.loop_unroll_factor = 4 : i64, sc.parallel_access}
      %dma_start3A_160 = arith.constant 4096 : i32
      %dma_start3A_161 = tpu.memref_slice %arg6[%add3A_135, %dma_start3A_160] : memref<64x16384xf32, #tpu.memory_space<hbm>> -> memref<1x4096xf32, #tpu.memory_space<hbm>>
      %dma_start3A_162 = tpu.memref_squeeze %dma_start3A_161 : memref<1x4096xf32, #tpu.memory_space<hbm>> -> memref<4096xf32, #tpu.memory_space<hbm>>
      %dma_start3A_163 = arith.constant 4096 : i32
      %dma_start3A_164 = tpu.memref_slice %arg6[%add3A_135, %dma_start3A_163] : memref<64x16384xf32, #tpu.memory_space<hbm>> -> memref<1x4096xf32, #tpu.memory_space<hbm>>
      %dma_start3A_165 = tpu.memref_squeeze %dma_start3A_164 : memref<1x4096xf32, #tpu.memory_space<hbm>> -> memref<4096xf32, #tpu.memory_space<hbm>>
      tpu.enqueue_dma source(%arg11 : memref<4096xf32, #tpu.memory_space<vmem>>) target(%dma_start3A_165 : memref<4096xf32, #tpu.memory_space<hbm>>) target_semaphore(%arg13 : memref<!tpu.dma_semaphore, #tpu.memory_space<semaphore_mem>>)
      %dma_wait3A_166 = arith.constant 0 : i32
      %dma_wait3A_167 = tpu.memref_slice %arg6[%add3A_135, %dma_wait3A_166] : memref<64x16384xf32, #tpu.memory_space<hbm>> -> memref<1x4096xf32, #tpu.memory_space<hbm>>
      %dma_wait3A_168 = tpu.memref_squeeze %dma_wait3A_167 : memref<1x4096xf32, #tpu.memory_space<hbm>> -> memref<4096xf32, #tpu.memory_space<hbm>>
      %dma_wait3A_169 = arith.constant 0 : i32
      %dma_wait3A_170 = tpu.memref_slice %arg6[%add3A_135, %dma_wait3A_169] : memref<64x16384xf32, #tpu.memory_space<hbm>> -> memref<1x4096xf32, #tpu.memory_space<hbm>>
      %dma_wait3A_171 = tpu.memref_squeeze %dma_wait3A_170 : memref<1x4096xf32, #tpu.memory_space<hbm>> -> memref<4096xf32, #tpu.memory_space<hbm>>
      tpu.wait_dma2 semaphore(%arg12 : memref<!tpu.dma_semaphore, #tpu.memory_space<semaphore_mem>>) src(%arg10 : memref<4096xf32, #tpu.memory_space<vmem>>) dst(%dma_wait3A_171 : memref<4096xf32, #tpu.memory_space<hbm>>)
      %parallel_loop3A_172 = arith.constant 0 : i32
      %parallel_loop3A_173 = arith.constant 4096 : i32
      %parallel_loop3A_174 = arith.constant 16 : i32
      scf.for %parallel_loop3A_272 = %parallel_loop3A_172 to %parallel_loop3A_173 step %parallel_loop3A_174  : i32 {
        %parallel_loop3A_273 = arith.constant 8192 : i32
        %parallel_loop3A_274 = arith.addi %parallel_loop3A_273, %parallel_loop3A_272 : i32
        %parallel_loop3A_275 = arith.index_cast %parallel_loop3A_274 : i32 to index
        %parallel_loop3A_276 = tpu.vector_load %arg8[%parallel_loop3A_275] {strides = array<i32>} : memref<16384xi32, #tpu.memory_space<vmem>>, vector<16xi32>,
        %parallel_loop3A_277 = tpu.vector_load_idx %arg9[%parallel_loop3A_276] : memref<100000xf32, #tpu.memory_space<vmem>>[vector<16xi32>], vector<16xf32>,
        %parallel_loop3A_278 = arith.index_cast %parallel_loop3A_272 : i32 to index
        %parallel_loop3A_279 = tpu.vector_load %arg10[%parallel_loop3A_278] {strides = array<i32>} : memref<4096xf32, #tpu.memory_space<vmem>>, vector<16xf32>,
        tpu.vector_store %arg10[%parallel_loop3A_278], %parallel_loop3A_277 {strides = array<i32>} : memref<4096xf32, #tpu.memory_space<vmem>>, vector<16xf32>,
      } {sc.loop_unroll_factor = 4 : i64, sc.parallel_access}
      %dma_start3A_175 = arith.constant 8192 : i32
      %dma_start3A_176 = tpu.memref_slice %arg6[%add3A_135, %dma_start3A_175] : memref<64x16384xf32, #tpu.memory_space<hbm>> -> memref<1x4096xf32, #tpu.memory_space<hbm>>
      %dma_start3A_177 = tpu.memref_squeeze %dma_start3A_176 : memref<1x4096xf32, #tpu.memory_space<hbm>> -> memref<4096xf32, #tpu.memory_space<hbm>>
      %dma_start3A_178 = arith.constant 8192 : i32
      %dma_start3A_179 = tpu.memref_slice %arg6[%add3A_135, %dma_start3A_178] : memref<64x16384xf32, #tpu.memory_space<hbm>> -> memref<1x4096xf32, #tpu.memory_space<hbm>>
      %dma_start3A_180 = tpu.memref_squeeze %dma_start3A_179 : memref<1x4096xf32, #tpu.memory_space<hbm>> -> memref<4096xf32, #tpu.memory_space<hbm>>
      tpu.enqueue_dma source(%arg10 : memref<4096xf32, #tpu.memory_space<vmem>>) target(%dma_start3A_180 : memref<4096xf32, #tpu.memory_space<hbm>>) target_semaphore(%arg12 : memref<!tpu.dma_semaphore, #tpu.memory_space<semaphore_mem>>)
      %dma_wait3A_181 = arith.constant 4096 : i32
      %dma_wait3A_182 = tpu.memref_slice %arg6[%add3A_135, %dma_wait3A_181] : memref<64x16384xf32, #tpu.memory_space<hbm>> -> memref<1x4096xf32, #tpu.memory_space<hbm>>
      %dma_wait3A_183 = tpu.memref_squeeze %dma_wait3A_182 : memref<1x4096xf32, #tpu.memory_space<hbm>> -> memref<4096xf32, #tpu.memory_space<hbm>>
      %dma_wait3A_184 = arith.constant 4096 : i32
      %dma_wait3A_185 = tpu.memref_slice %arg6[%add3A_135, %dma_wait3A_184] : memref<64x16384xf32, #tpu.memory_space<hbm>> -> memref<1x4096xf32, #tpu.memory_space<hbm>>
      %dma_wait3A_186 = tpu.memref_squeeze %dma_wait3A_185 : memref<1x4096xf32, #tpu.memory_space<hbm>> -> memref<4096xf32, #tpu.memory_space<hbm>>
      tpu.wait_dma2 semaphore(%arg13 : memref<!tpu.dma_semaphore, #tpu.memory_space<semaphore_mem>>) src(%arg11 : memref<4096xf32, #tpu.memory_space<vmem>>) dst(%dma_wait3A_186 : memref<4096xf32, #tpu.memory_space<hbm>>)
      %parallel_loop3A_187 = arith.constant 0 : i32
      %parallel_loop3A_188 = arith.constant 4096 : i32
      %parallel_loop3A_189 = arith.constant 16 : i32
      scf.for %parallel_loop3A_272 = %parallel_loop3A_187 to %parallel_loop3A_188 step %parallel_loop3A_189  : i32 {
        %parallel_loop3A_273 = arith.constant 12288 : i32
        %parallel_loop3A_274 = arith.addi %parallel_loop3A_273, %parallel_loop3A_272 : i32
        %parallel_loop3A_275 = arith.index_cast %parallel_loop3A_274 : i32 to index
        %parallel_loop3A_276 = tpu.vector_load %arg8[%parallel_loop3A_275] {strides = array<i32>} : memref<16384xi32, #tpu.memory_space<vmem>>, vector<16xi32>,
        %parallel_loop3A_277 = tpu.vector_load_idx %arg9[%parallel_loop3A_276] : memref<100000xf32, #tpu.memory_space<vmem>>[vector<16xi32>], vector<16xf32>,
        %parallel_loop3A_278 = arith.index_cast %parallel_loop3A_272 : i32 to index
        %parallel_loop3A_279 = tpu.vector_load %arg11[%parallel_loop3A_278] {strides = array<i32>} : memref<4096xf32, #tpu.memory_space<vmem>>, vector<16xf32>,
        tpu.vector_store %arg11[%parallel_loop3A_278], %parallel_loop3A_277 {strides = array<i32>} : memref<4096xf32, #tpu.memory_space<vmem>>, vector<16xf32>,
      } {sc.loop_unroll_factor = 4 : i64, sc.parallel_access}
      %dma_start3A_190 = arith.constant 12288 : i32
      %dma_start3A_191 = tpu.memref_slice %arg6[%add3A_135, %dma_start3A_190] : memref<64x16384xf32, #tpu.memory_space<hbm>> -> memref<1x4096xf32, #tpu.memory_space<hbm>>
      %dma_start3A_192 = tpu.memref_squeeze %dma_start3A_191 : memref<1x4096xf32, #tpu.memory_space<hbm>> -> memref<4096xf32, #tpu.memory_space<hbm>>
      %dma_start3A_193 = arith.constant 12288 : i32
      %dma_start3A_194 = tpu.memref_slice %arg6[%add3A_135, %dma_start3A_193] : memref<64x16384xf32, #tpu.memory_space<hbm>> -> memref<1x4096xf32, #tpu.memory_space<hbm>>
      %dma_start3A_195 = tpu.memref_squeeze %dma_start3A_194 : memref<1x4096xf32, #tpu.memory_space<hbm>> -> memref<4096xf32, #tpu.memory_space<hbm>>
      tpu.enqueue_dma source(%arg11 : memref<4096xf32, #tpu.memory_space<vmem>>) target(%dma_start3A_195 : memref<4096xf32, #tpu.memory_space<hbm>>) target_semaphore(%arg13 : memref<!tpu.dma_semaphore, #tpu.memory_space<semaphore_mem>>)
      %mul3A_196 = arith.constant 4 : i32
      %mul3A_197 = arith.muli %arg1, %mul3A_196 : i32
      %add3A_198 = arith.constant 3 : i32
      %add3A_199 = arith.addi %mul3A_197, %add3A_198 : i32
      "tpu.region"() ({
        %run_scoped3A = tpu.sem_alloc : memref<!tpu.dma_semaphore, #tpu.memory_space<semaphore_mem>>
        %dma_start3A_272 = arith.constant 0 : i32
        %dma_start3A_273 = tpu.memref_slice %arg2[%add3A_199, %dma_start3A_272] : memref<64x100000xf32, #tpu.memory_space<hbm>> -> memref<1x100000xf32, #tpu.memory_space<hbm>>
        %dma_start3A_274 = tpu.memref_squeeze %dma_start3A_273 : memref<1x100000xf32, #tpu.memory_space<hbm>> -> memref<100000xf32, #tpu.memory_space<hbm>>
        %dma_start3A_275 = arith.constant 0 : i32
        %dma_start3A_276 = tpu.memref_slice %arg2[%add3A_199, %dma_start3A_275] : memref<64x100000xf32, #tpu.memory_space<hbm>> -> memref<1x100000xf32, #tpu.memory_space<hbm>>
        %dma_start3A_277 = tpu.memref_squeeze %dma_start3A_276 : memref<1x100000xf32, #tpu.memory_space<hbm>> -> memref<100000xf32, #tpu.memory_space<hbm>>
        tpu.enqueue_dma source(%dma_start3A_277 : memref<100000xf32, #tpu.memory_space<hbm>>) target(%arg9 : memref<100000xf32, #tpu.memory_space<vmem>>) target_semaphore(%run_scoped3A : memref<!tpu.dma_semaphore, #tpu.memory_space<semaphore_mem>>)
        %dma_wait3A_278 = arith.constant 0 : i32
        %dma_wait3A_279 = tpu.memref_slice %arg2[%add3A_199, %dma_wait3A_278] : memref<64x100000xf32, #tpu.memory_space<hbm>> -> memref<1x100000xf32, #tpu.memory_space<hbm>>
        %dma_wait3A_280 = tpu.memref_squeeze %dma_wait3A_279 : memref<1x100000xf32, #tpu.memory_space<hbm>> -> memref<100000xf32, #tpu.memory_space<hbm>>
        %dma_wait3A_281 = arith.constant 0 : i32
        %dma_wait3A_282 = tpu.memref_slice %arg2[%add3A_199, %dma_wait3A_281] : memref<64x100000xf32, #tpu.memory_space<hbm>> -> memref<1x100000xf32, #tpu.memory_space<hbm>>
        %dma_wait3A_283 = tpu.memref_squeeze %dma_wait3A_282 : memref<1x100000xf32, #tpu.memory_space<hbm>> -> memref<100000xf32, #tpu.memory_space<hbm>>
        tpu.wait_dma2 semaphore(%run_scoped3A : memref<!tpu.dma_semaphore, #tpu.memory_space<semaphore_mem>>) src(%dma_wait3A_283 : memref<100000xf32, #tpu.memory_space<hbm>>) dst(%arg9 : memref<100000xf32, #tpu.memory_space<vmem>>)
        tpu.yield
      }) : () -> ()
      %dma_wait3A_200 = arith.constant 8192 : i32
      %dma_wait3A_201 = tpu.memref_slice %arg6[%add3A_135, %dma_wait3A_200] : memref<64x16384xf32, #tpu.memory_space<hbm>> -> memref<1x4096xf32, #tpu.memory_space<hbm>>
      %dma_wait3A_202 = tpu.memref_squeeze %dma_wait3A_201 : memref<1x4096xf32, #tpu.memory_space<hbm>> -> memref<4096xf32, #tpu.memory_space<hbm>>
      %dma_wait3A_203 = arith.constant 8192 : i32
      %dma_wait3A_204 = tpu.memref_slice %arg6[%add3A_135, %dma_wait3A_203] : memref<64x16384xf32, #tpu.memory_space<hbm>> -> memref<1x4096xf32, #tpu.memory_space<hbm>>
      %dma_wait3A_205 = tpu.memref_squeeze %dma_wait3A_204 : memref<1x4096xf32, #tpu.memory_space<hbm>> -> memref<4096xf32, #tpu.memory_space<hbm>>
      tpu.wait_dma2 semaphore(%arg12 : memref<!tpu.dma_semaphore, #tpu.memory_space<semaphore_mem>>) src(%arg10 : memref<4096xf32, #tpu.memory_space<vmem>>) dst(%dma_wait3A_205 : memref<4096xf32, #tpu.memory_space<hbm>>)
      %parallel_loop3A_206 = arith.constant 0 : i32
      %parallel_loop3A_207 = arith.constant 4096 : i32
      %parallel_loop3A_208 = arith.constant 16 : i32
      scf.for %parallel_loop3A_272 = %parallel_loop3A_206 to %parallel_loop3A_207 step %parallel_loop3A_208  : i32 {
        %parallel_loop3A_273 = arith.constant 0 : i32
        %parallel_loop3A_274 = arith.addi %parallel_loop3A_273, %parallel_loop3A_272 : i32
        %parallel_loop3A_275 = arith.index_cast %parallel_loop3A_274 : i32 to index
        %parallel_loop3A_276 = tpu.vector_load %arg8[%parallel_loop3A_275] {strides = array<i32>} : memref<16384xi32, #tpu.memory_space<vmem>>, vector<16xi32>,
        %parallel_loop3A_277 = tpu.vector_load_idx %arg9[%parallel_loop3A_276] : memref<100000xf32, #tpu.memory_space<vmem>>[vector<16xi32>], vector<16xf32>,
        %parallel_loop3A_278 = arith.index_cast %parallel_loop3A_272 : i32 to index
        %parallel_loop3A_279 = tpu.vector_load %arg10[%parallel_loop3A_278] {strides = array<i32>} : memref<4096xf32, #tpu.memory_space<vmem>>, vector<16xf32>,
        tpu.vector_store %arg10[%parallel_loop3A_278], %parallel_loop3A_277 {strides = array<i32>} : memref<4096xf32, #tpu.memory_space<vmem>>, vector<16xf32>,
      } {sc.loop_unroll_factor = 4 : i64, sc.parallel_access}
      %dma_start3A_209 = arith.constant 0 : i32
      %dma_start3A_210 = tpu.memref_slice %arg6[%add3A_199, %dma_start3A_209] : memref<64x16384xf32, #tpu.memory_space<hbm>> -> memref<1x4096xf32, #tpu.memory_space<hbm>>
      %dma_start3A_211 = tpu.memref_squeeze %dma_start3A_210 : memref<1x4096xf32, #tpu.memory_space<hbm>> -> memref<4096xf32, #tpu.memory_space<hbm>>
      %dma_start3A_212 = arith.constant 0 : i32
      %dma_start3A_213 = tpu.memref_slice %arg6[%add3A_199, %dma_start3A_212] : memref<64x16384xf32, #tpu.memory_space<hbm>> -> memref<1x4096xf32, #tpu.memory_space<hbm>>
      %dma_start3A_214 = tpu.memref_squeeze %dma_start3A_213 : memref<1x4096xf32, #tpu.memory_space<hbm>> -> memref<4096xf32, #tpu.memory_space<hbm>>
      tpu.enqueue_dma source(%arg10 : memref<4096xf32, #tpu.memory_space<vmem>>) target(%dma_start3A_214 : memref<4096xf32, #tpu.memory_space<hbm>>) target_semaphore(%arg12 : memref<!tpu.dma_semaphore, #tpu.memory_space<semaphore_mem>>)
      %dma_wait3A_215 = arith.constant 12288 : i32
      %dma_wait3A_216 = tpu.memref_slice %arg6[%add3A_135, %dma_wait3A_215] : memref<64x16384xf32, #tpu.memory_space<hbm>> -> memref<1x4096xf32, #tpu.memory_space<hbm>>
      %dma_wait3A_217 = tpu.memref_squeeze %dma_wait3A_216 : memref<1x4096xf32, #tpu.memory_space<hbm>> -> memref<4096xf32, #tpu.memory_space<hbm>>
      %dma_wait3A_218 = arith.constant 12288 : i32
      %dma_wait3A_219 = tpu.memref_slice %arg6[%add3A_135, %dma_wait3A_218] : memref<64x16384xf32, #tpu.memory_space<hbm>> -> memref<1x4096xf32, #tpu.memory_space<hbm>>
      %dma_wait3A_220 = tpu.memref_squeeze %dma_wait3A_219 : memref<1x4096xf32, #tpu.memory_space<hbm>> -> memref<4096xf32, #tpu.memory_space<hbm>>
      tpu.wait_dma2 semaphore(%arg13 : memref<!tpu.dma_semaphore, #tpu.memory_space<semaphore_mem>>) src(%arg11 : memref<4096xf32, #tpu.memory_space<vmem>>) dst(%dma_wait3A_220 : memref<4096xf32, #tpu.memory_space<hbm>>)
      %parallel_loop3A_221 = arith.constant 0 : i32
      %parallel_loop3A_222 = arith.constant 4096 : i32
      %parallel_loop3A_223 = arith.constant 16 : i32
      scf.for %parallel_loop3A_272 = %parallel_loop3A_221 to %parallel_loop3A_222 step %parallel_loop3A_223  : i32 {
        %parallel_loop3A_273 = arith.constant 4096 : i32
        %parallel_loop3A_274 = arith.addi %parallel_loop3A_273, %parallel_loop3A_272 : i32
        %parallel_loop3A_275 = arith.index_cast %parallel_loop3A_274 : i32 to index
        %parallel_loop3A_276 = tpu.vector_load %arg8[%parallel_loop3A_275] {strides = array<i32>} : memref<16384xi32, #tpu.memory_space<vmem>>, vector<16xi32>,
        %parallel_loop3A_277 = tpu.vector_load_idx %arg9[%parallel_loop3A_276] : memref<100000xf32, #tpu.memory_space<vmem>>[vector<16xi32>], vector<16xf32>,
        %parallel_loop3A_278 = arith.index_cast %parallel_loop3A_272 : i32 to index
        %parallel_loop3A_279 = tpu.vector_load %arg11[%parallel_loop3A_278] {strides = array<i32>} : memref<4096xf32, #tpu.memory_space<vmem>>, vector<16xf32>,
        tpu.vector_store %arg11[%parallel_loop3A_278], %parallel_loop3A_277 {strides = array<i32>} : memref<4096xf32, #tpu.memory_space<vmem>>, vector<16xf32>,
      } {sc.loop_unroll_factor = 4 : i64, sc.parallel_access}
      %dma_start3A_224 = arith.constant 4096 : i32
      %dma_start3A_225 = tpu.memref_slice %arg6[%add3A_199, %dma_start3A_224] : memref<64x16384xf32, #tpu.memory_space<hbm>> -> memref<1x4096xf32, #tpu.memory_space<hbm>>
      %dma_start3A_226 = tpu.memref_squeeze %dma_start3A_225 : memref<1x4096xf32, #tpu.memory_space<hbm>> -> memref<4096xf32, #tpu.memory_space<hbm>>
      %dma_start3A_227 = arith.constant 4096 : i32
      %dma_start3A_228 = tpu.memref_slice %arg6[%add3A_199, %dma_start3A_227] : memref<64x16384xf32, #tpu.memory_space<hbm>> -> memref<1x4096xf32, #tpu.memory_space<hbm>>
      %dma_start3A_229 = tpu.memref_squeeze %dma_start3A_228 : memref<1x4096xf32, #tpu.memory_space<hbm>> -> memref<4096xf32, #tpu.memory_space<hbm>>
      tpu.enqueue_dma source(%arg11 : memref<4096xf32, #tpu.memory_space<vmem>>) target(%dma_start3A_229 : memref<4096xf32, #tpu.memory_space<hbm>>) target_semaphore(%arg13 : memref<!tpu.dma_semaphore, #tpu.memory_space<semaphore_mem>>)
      %dma_wait3A_230 = arith.constant 0 : i32
      %dma_wait3A_231 = tpu.memref_slice %arg6[%add3A_199, %dma_wait3A_230] : memref<64x16384xf32, #tpu.memory_space<hbm>> -> memref<1x4096xf32, #tpu.memory_space<hbm>>
      %dma_wait3A_232 = tpu.memref_squeeze %dma_wait3A_231 : memref<1x4096xf32, #tpu.memory_space<hbm>> -> memref<4096xf32, #tpu.memory_space<hbm>>
      %dma_wait3A_233 = arith.constant 0 : i32
      %dma_wait3A_234 = tpu.memref_slice %arg6[%add3A_199, %dma_wait3A_233] : memref<64x16384xf32, #tpu.memory_space<hbm>> -> memref<1x4096xf32, #tpu.memory_space<hbm>>
      %dma_wait3A_235 = tpu.memref_squeeze %dma_wait3A_234 : memref<1x4096xf32, #tpu.memory_space<hbm>> -> memref<4096xf32, #tpu.memory_space<hbm>>
      tpu.wait_dma2 semaphore(%arg12 : memref<!tpu.dma_semaphore, #tpu.memory_space<semaphore_mem>>) src(%arg10 : memref<4096xf32, #tpu.memory_space<vmem>>) dst(%dma_wait3A_235 : memref<4096xf32, #tpu.memory_space<hbm>>)
      %parallel_loop3A_236 = arith.constant 0 : i32
      %parallel_loop3A_237 = arith.constant 4096 : i32
      %parallel_loop3A_238 = arith.constant 16 : i32
      scf.for %parallel_loop3A_272 = %parallel_loop3A_236 to %parallel_loop3A_237 step %parallel_loop3A_238  : i32 {
        %parallel_loop3A_273 = arith.constant 8192 : i32
        %parallel_loop3A_274 = arith.addi %parallel_loop3A_273, %parallel_loop3A_272 : i32
        %parallel_loop3A_275 = arith.index_cast %parallel_loop3A_274 : i32 to index
        %parallel_loop3A_276 = tpu.vector_load %arg8[%parallel_loop3A_275] {strides = array<i32>} : memref<16384xi32, #tpu.memory_space<vmem>>, vector<16xi32>,
        %parallel_loop3A_277 = tpu.vector_load_idx %arg9[%parallel_loop3A_276] : memref<100000xf32, #tpu.memory_space<vmem>>[vector<16xi32>], vector<16xf32>,
        %parallel_loop3A_278 = arith.index_cast %parallel_loop3A_272 : i32 to index
        %parallel_loop3A_279 = tpu.vector_load %arg10[%parallel_loop3A_278] {strides = array<i32>} : memref<4096xf32, #tpu.memory_space<vmem>>, vector<16xf32>,
        tpu.vector_store %arg10[%parallel_loop3A_278], %parallel_loop3A_277 {strides = array<i32>} : memref<4096xf32, #tpu.memory_space<vmem>>, vector<16xf32>,
      } {sc.loop_unroll_factor = 4 : i64, sc.parallel_access}
      %dma_start3A_239 = arith.constant 8192 : i32
      %dma_start3A_240 = tpu.memref_slice %arg6[%add3A_199, %dma_start3A_239] : memref<64x16384xf32, #tpu.memory_space<hbm>> -> memref<1x4096xf32, #tpu.memory_space<hbm>>
      %dma_start3A_241 = tpu.memref_squeeze %dma_start3A_240 : memref<1x4096xf32, #tpu.memory_space<hbm>> -> memref<4096xf32, #tpu.memory_space<hbm>>
      %dma_start3A_242 = arith.constant 8192 : i32
      %dma_start3A_243 = tpu.memref_slice %arg6[%add3A_199, %dma_start3A_242] : memref<64x16384xf32, #tpu.memory_space<hbm>> -> memref<1x4096xf32, #tpu.memory_space<hbm>>
      %dma_start3A_244 = tpu.memref_squeeze %dma_start3A_243 : memref<1x4096xf32, #tpu.memory_space<hbm>> -> memref<4096xf32, #tpu.memory_space<hbm>>
      tpu.enqueue_dma source(%arg10 : memref<4096xf32, #tpu.memory_space<vmem>>) target(%dma_start3A_244 : memref<4096xf32, #tpu.memory_space<hbm>>) target_semaphore(%arg12 : memref<!tpu.dma_semaphore, #tpu.memory_space<semaphore_mem>>)
      %dma_wait3A_245 = arith.constant 4096 : i32
      %dma_wait3A_246 = tpu.memref_slice %arg6[%add3A_199, %dma_wait3A_245] : memref<64x16384xf32, #tpu.memory_space<hbm>> -> memref<1x4096xf32, #tpu.memory_space<hbm>>
      %dma_wait3A_247 = tpu.memref_squeeze %dma_wait3A_246 : memref<1x4096xf32, #tpu.memory_space<hbm>> -> memref<4096xf32, #tpu.memory_space<hbm>>
      %dma_wait3A_248 = arith.constant 4096 : i32
      %dma_wait3A_249 = tpu.memref_slice %arg6[%add3A_199, %dma_wait3A_248] : memref<64x16384xf32, #tpu.memory_space<hbm>> -> memref<1x4096xf32, #tpu.memory_space<hbm>>
      %dma_wait3A_250 = tpu.memref_squeeze %dma_wait3A_249 : memref<1x4096xf32, #tpu.memory_space<hbm>> -> memref<4096xf32, #tpu.memory_space<hbm>>
      tpu.wait_dma2 semaphore(%arg13 : memref<!tpu.dma_semaphore, #tpu.memory_space<semaphore_mem>>) src(%arg11 : memref<4096xf32, #tpu.memory_space<vmem>>) dst(%dma_wait3A_250 : memref<4096xf32, #tpu.memory_space<hbm>>)
      %parallel_loop3A_251 = arith.constant 0 : i32
      %parallel_loop3A_252 = arith.constant 4096 : i32
      %parallel_loop3A_253 = arith.constant 16 : i32
      scf.for %parallel_loop3A_272 = %parallel_loop3A_251 to %parallel_loop3A_252 step %parallel_loop3A_253  : i32 {
        %parallel_loop3A_273 = arith.constant 12288 : i32
        %parallel_loop3A_274 = arith.addi %parallel_loop3A_273, %parallel_loop3A_272 : i32
        %parallel_loop3A_275 = arith.index_cast %parallel_loop3A_274 : i32 to index
        %parallel_loop3A_276 = tpu.vector_load %arg8[%parallel_loop3A_275] {strides = array<i32>} : memref<16384xi32, #tpu.memory_space<vmem>>, vector<16xi32>,
        %parallel_loop3A_277 = tpu.vector_load_idx %arg9[%parallel_loop3A_276] : memref<100000xf32, #tpu.memory_space<vmem>>[vector<16xi32>], vector<16xf32>,
        %parallel_loop3A_278 = arith.index_cast %parallel_loop3A_272 : i32 to index
        %parallel_loop3A_279 = tpu.vector_load %arg11[%parallel_loop3A_278] {strides = array<i32>} : memref<4096xf32, #tpu.memory_space<vmem>>, vector<16xf32>,
        tpu.vector_store %arg11[%parallel_loop3A_278], %parallel_loop3A_277 {strides = array<i32>} : memref<4096xf32, #tpu.memory_space<vmem>>, vector<16xf32>,
      } {sc.loop_unroll_factor = 4 : i64, sc.parallel_access}
      %dma_start3A_254 = arith.constant 12288 : i32
      %dma_start3A_255 = tpu.memref_slice %arg6[%add3A_199, %dma_start3A_254] : memref<64x16384xf32, #tpu.memory_space<hbm>> -> memref<1x4096xf32, #tpu.memory_space<hbm>>
      %dma_start3A_256 = tpu.memref_squeeze %dma_start3A_255 : memref<1x4096xf32, #tpu.memory_space<hbm>> -> memref<4096xf32, #tpu.memory_space<hbm>>
      %dma_start3A_257 = arith.constant 12288 : i32
      %dma_start3A_258 = tpu.memref_slice %arg6[%add3A_199, %dma_start3A_257] : memref<64x16384xf32, #tpu.memory_space<hbm>> -> memref<1x4096xf32, #tpu.memory_space<hbm>>
      %dma_start3A_259 = tpu.memref_squeeze %dma_start3A_258 : memref<1x4096xf32, #tpu.memory_space<hbm>> -> memref<4096xf32, #tpu.memory_space<hbm>>
      tpu.enqueue_dma source(%arg11 : memref<4096xf32, #tpu.memory_space<vmem>>) target(%dma_start3A_259 : memref<4096xf32, #tpu.memory_space<hbm>>) target_semaphore(%arg13 : memref<!tpu.dma_semaphore, #tpu.memory_space<semaphore_mem>>)
      %dma_wait3A_260 = arith.constant 8192 : i32
      %dma_wait3A_261 = tpu.memref_slice %arg6[%add3A_199, %dma_wait3A_260] : memref<64x16384xf32, #tpu.memory_space<hbm>> -> memref<1x4096xf32, #tpu.memory_space<hbm>>
      %dma_wait3A_262 = tpu.memref_squeeze %dma_wait3A_261 : memref<1x4096xf32, #tpu.memory_space<hbm>> -> memref<4096xf32, #tpu.memory_space<hbm>>
      %dma_wait3A_263 = arith.constant 8192 : i32
      %dma_wait3A_264 = tpu.memref_slice %arg6[%add3A_199, %dma_wait3A_263] : memref<64x16384xf32, #tpu.memory_space<hbm>> -> memref<1x4096xf32, #tpu.memory_space<hbm>>
      %dma_wait3A_265 = tpu.memref_squeeze %dma_wait3A_264 : memref<1x4096xf32, #tpu.memory_space<hbm>> -> memref<4096xf32, #tpu.memory_space<hbm>>
      tpu.wait_dma2 semaphore(%arg12 : memref<!tpu.dma_semaphore, #tpu.memory_space<semaphore_mem>>) src(%arg10 : memref<4096xf32, #tpu.memory_space<vmem>>) dst(%dma_wait3A_265 : memref<4096xf32, #tpu.memory_space<hbm>>)
      %dma_wait3A_266 = arith.constant 12288 : i32
      %dma_wait3A_267 = tpu.memref_slice %arg6[%add3A_199, %dma_wait3A_266] : memref<64x16384xf32, #tpu.memory_space<hbm>> -> memref<1x4096xf32, #tpu.memory_space<hbm>>
      %dma_wait3A_268 = tpu.memref_squeeze %dma_wait3A_267 : memref<1x4096xf32, #tpu.memory_space<hbm>> -> memref<4096xf32, #tpu.memory_space<hbm>>
      %dma_wait3A_269 = arith.constant 12288 : i32
      %dma_wait3A_270 = tpu.memref_slice %arg6[%add3A_199, %dma_wait3A_269] : memref<64x16384xf32, #tpu.memory_space<hbm>> -> memref<1x4096xf32, #tpu.memory_space<hbm>>
      %dma_wait3A_271 = tpu.memref_squeeze %dma_wait3A_270 : memref<1x4096xf32, #tpu.memory_space<hbm>> -> memref<4096xf32, #tpu.memory_space<hbm>>
      tpu.wait_dma2 semaphore(%arg13 : memref<!tpu.dma_semaphore, #tpu.memory_space<semaphore_mem>>) src(%arg11 : memref<4096xf32, #tpu.memory_space<vmem>>) dst(%dma_wait3A_271 : memref<4096xf32, #tpu.memory_space<hbm>>)
    } else {
    }
    %eq3A_2 = arith.constant 1 : i32
    %eq3A_3 = arith.cmpi eq, %arg0, %eq3A_2 : i32
    %convert_element_type3A_4 = arith.extui %eq3A_3 : i1 to i32
    %cond3A_5 = arith.constant 0 : i32
    %cond3A_6 = arith.cmpi ne, %convert_element_type3A_4, %cond3A_5 : i32
    scf.if %cond3A_6 {
      tpu.enqueue_dma source(%arg5 : memref<16384xi32, #tpu.memory_space<hbm>>) target(%arg8 : memref<16384xi32, #tpu.memory_space<vmem>>) target_semaphore(%arg14 : memref<!tpu.dma_semaphore, #tpu.memory_space<semaphore_mem>>)
      %mul3A = arith.constant 4 : i32
      %mul3A_7 = arith.muli %arg1, %mul3A : i32
      %dma_start3A = arith.constant 0 : i32
      %dma_start3A_8 = tpu.memref_slice %arg3[%mul3A_7, %dma_start3A] : memref<64x100000xf32, #tpu.memory_space<hbm>> -> memref<1x100000xf32, #tpu.memory_space<hbm>>
      %dma_start3A_9 = tpu.memref_squeeze %dma_start3A_8 : memref<1x100000xf32, #tpu.memory_space<hbm>> -> memref<100000xf32, #tpu.memory_space<hbm>>
      %dma_start3A_10 = arith.constant 0 : i32
      %dma_start3A_11 = tpu.memref_slice %arg3[%mul3A_7, %dma_start3A_10] : memref<64x100000xf32, #tpu.memory_space<hbm>> -> memref<1x100000xf32, #tpu.memory_space<hbm>>
      %dma_start3A_12 = tpu.memref_squeeze %dma_start3A_11 : memref<1x100000xf32, #tpu.memory_space<hbm>> -> memref<100000xf32, #tpu.memory_space<hbm>>
      tpu.enqueue_dma source(%dma_start3A_12 : memref<100000xf32, #tpu.memory_space<hbm>>) target(%arg9 : memref<100000xf32, #tpu.memory_space<vmem>>) target_semaphore(%arg15 : memref<!tpu.dma_semaphore, #tpu.memory_space<semaphore_mem>>)
      tpu.wait_dma2 semaphore(%arg14 : memref<!tpu.dma_semaphore, #tpu.memory_space<semaphore_mem>>) src(%arg5 : memref<16384xi32, #tpu.memory_space<hbm>>) dst(%arg8 : memref<16384xi32, #tpu.memory_space<vmem>>)
      %dma_wait3A = arith.constant 0 : i32
      %dma_wait3A_13 = tpu.memref_slice %arg3[%mul3A_7, %dma_wait3A] : memref<64x100000xf32, #tpu.memory_space<hbm>> -> memref<1x100000xf32, #tpu.memory_space<hbm>>
      %dma_wait3A_14 = tpu.memref_squeeze %dma_wait3A_13 : memref<1x100000xf32, #tpu.memory_space<hbm>> -> memref<100000xf32, #tpu.memory_space<hbm>>
      %dma_wait3A_15 = arith.constant 0 : i32
      %dma_wait3A_16 = tpu.memref_slice %arg3[%mul3A_7, %dma_wait3A_15] : memref<64x100000xf32, #tpu.memory_space<hbm>> -> memref<1x100000xf32, #tpu.memory_space<hbm>>
      %dma_wait3A_17 = tpu.memref_squeeze %dma_wait3A_16 : memref<1x100000xf32, #tpu.memory_space<hbm>> -> memref<100000xf32, #tpu.memory_space<hbm>>
      tpu.wait_dma2 semaphore(%arg15 : memref<!tpu.dma_semaphore, #tpu.memory_space<semaphore_mem>>) src(%dma_wait3A_17 : memref<100000xf32, #tpu.memory_space<hbm>>) dst(%arg9 : memref<100000xf32, #tpu.memory_space<vmem>>)
      %mul3A_18 = arith.constant 4 : i32
      %mul3A_19 = arith.muli %arg1, %mul3A_18 : i32
      %add3A = arith.constant 0 : i32
      %add3A_20 = arith.addi %mul3A_19, %add3A : i32
      %parallel_loop3A = arith.constant 0 : i32
      %parallel_loop3A_21 = arith.constant 4096 : i32
      %parallel_loop3A_22 = arith.constant 16 : i32
      scf.for %parallel_loop3A_272 = %parallel_loop3A to %parallel_loop3A_21 step %parallel_loop3A_22  : i32 {
        %parallel_loop3A_273 = arith.constant 0 : i32
        %parallel_loop3A_274 = arith.addi %parallel_loop3A_273, %parallel_loop3A_272 : i32
        %parallel_loop3A_275 = arith.index_cast %parallel_loop3A_274 : i32 to index
        %parallel_loop3A_276 = tpu.vector_load %arg8[%parallel_loop3A_275] {strides = array<i32>} : memref<16384xi32, #tpu.memory_space<vmem>>, vector<16xi32>,
        %parallel_loop3A_277 = tpu.vector_load_idx %arg9[%parallel_loop3A_276] : memref<100000xf32, #tpu.memory_space<vmem>>[vector<16xi32>], vector<16xf32>,
        %parallel_loop3A_278 = arith.index_cast %parallel_loop3A_272 : i32 to index
        %parallel_loop3A_279 = tpu.vector_load %arg10[%parallel_loop3A_278] {strides = array<i32>} : memref<4096xf32, #tpu.memory_space<vmem>>, vector<16xf32>,
        tpu.vector_store %arg10[%parallel_loop3A_278], %parallel_loop3A_277 {strides = array<i32>} : memref<4096xf32, #tpu.memory_space<vmem>>, vector<16xf32>,
      } {sc.loop_unroll_factor = 4 : i64, sc.parallel_access}
      %dma_start3A_23 = arith.constant 0 : i32
      %dma_start3A_24 = tpu.memref_slice %arg7[%add3A_20, %dma_start3A_23] : memref<64x16384xf32, #tpu.memory_space<hbm>> -> memref<1x4096xf32, #tpu.memory_space<hbm>>
      %dma_start3A_25 = tpu.memref_squeeze %dma_start3A_24 : memref<1x4096xf32, #tpu.memory_space<hbm>> -> memref<4096xf32, #tpu.memory_space<hbm>>
      %dma_start3A_26 = arith.constant 0 : i32
      %dma_start3A_27 = tpu.memref_slice %arg7[%add3A_20, %dma_start3A_26] : memref<64x16384xf32, #tpu.memory_space<hbm>> -> memref<1x4096xf32, #tpu.memory_space<hbm>>
      %dma_start3A_28 = tpu.memref_squeeze %dma_start3A_27 : memref<1x4096xf32, #tpu.memory_space<hbm>> -> memref<4096xf32, #tpu.memory_space<hbm>>
      tpu.enqueue_dma source(%arg10 : memref<4096xf32, #tpu.memory_space<vmem>>) target(%dma_start3A_28 : memref<4096xf32, #tpu.memory_space<hbm>>) target_semaphore(%arg12 : memref<!tpu.dma_semaphore, #tpu.memory_space<semaphore_mem>>)
      %parallel_loop3A_29 = arith.constant 0 : i32
      %parallel_loop3A_30 = arith.constant 4096 : i32
      %parallel_loop3A_31 = arith.constant 16 : i32
      scf.for %parallel_loop3A_272 = %parallel_loop3A_29 to %parallel_loop3A_30 step %parallel_loop3A_31  : i32 {
        %parallel_loop3A_273 = arith.constant 4096 : i32
        %parallel_loop3A_274 = arith.addi %parallel_loop3A_273, %parallel_loop3A_272 : i32
        %parallel_loop3A_275 = arith.index_cast %parallel_loop3A_274 : i32 to index
        %parallel_loop3A_276 = tpu.vector_load %arg8[%parallel_loop3A_275] {strides = array<i32>} : memref<16384xi32, #tpu.memory_space<vmem>>, vector<16xi32>,
        %parallel_loop3A_277 = tpu.vector_load_idx %arg9[%parallel_loop3A_276] : memref<100000xf32, #tpu.memory_space<vmem>>[vector<16xi32>], vector<16xf32>,
        %parallel_loop3A_278 = arith.index_cast %parallel_loop3A_272 : i32 to index
        %parallel_loop3A_279 = tpu.vector_load %arg11[%parallel_loop3A_278] {strides = array<i32>} : memref<4096xf32, #tpu.memory_space<vmem>>, vector<16xf32>,
        tpu.vector_store %arg11[%parallel_loop3A_278], %parallel_loop3A_277 {strides = array<i32>} : memref<4096xf32, #tpu.memory_space<vmem>>, vector<16xf32>,
      } {sc.loop_unroll_factor = 4 : i64, sc.parallel_access}
      %dma_start3A_32 = arith.constant 4096 : i32
      %dma_start3A_33 = tpu.memref_slice %arg7[%add3A_20, %dma_start3A_32] : memref<64x16384xf32, #tpu.memory_space<hbm>> -> memref<1x4096xf32, #tpu.memory_space<hbm>>
      %dma_start3A_34 = tpu.memref_squeeze %dma_start3A_33 : memref<1x4096xf32, #tpu.memory_space<hbm>> -> memref<4096xf32, #tpu.memory_space<hbm>>
      %dma_start3A_35 = arith.constant 4096 : i32
      %dma_start3A_36 = tpu.memref_slice %arg7[%add3A_20, %dma_start3A_35] : memref<64x16384xf32, #tpu.memory_space<hbm>> -> memref<1x4096xf32, #tpu.memory_space<hbm>>
      %dma_start3A_37 = tpu.memref_squeeze %dma_start3A_36 : memref<1x4096xf32, #tpu.memory_space<hbm>> -> memref<4096xf32, #tpu.memory_space<hbm>>
      tpu.enqueue_dma source(%arg11 : memref<4096xf32, #tpu.memory_space<vmem>>) target(%dma_start3A_37 : memref<4096xf32, #tpu.memory_space<hbm>>) target_semaphore(%arg13 : memref<!tpu.dma_semaphore, #tpu.memory_space<semaphore_mem>>)
      %dma_wait3A_38 = arith.constant 0 : i32
      %dma_wait3A_39 = tpu.memref_slice %arg7[%add3A_20, %dma_wait3A_38] : memref<64x16384xf32, #tpu.memory_space<hbm>> -> memref<1x4096xf32, #tpu.memory_space<hbm>>
      %dma_wait3A_40 = tpu.memref_squeeze %dma_wait3A_39 : memref<1x4096xf32, #tpu.memory_space<hbm>> -> memref<4096xf32, #tpu.memory_space<hbm>>
      %dma_wait3A_41 = arith.constant 0 : i32
      %dma_wait3A_42 = tpu.memref_slice %arg7[%add3A_20, %dma_wait3A_41] : memref<64x16384xf32, #tpu.memory_space<hbm>> -> memref<1x4096xf32, #tpu.memory_space<hbm>>
      %dma_wait3A_43 = tpu.memref_squeeze %dma_wait3A_42 : memref<1x4096xf32, #tpu.memory_space<hbm>> -> memref<4096xf32, #tpu.memory_space<hbm>>
      tpu.wait_dma2 semaphore(%arg12 : memref<!tpu.dma_semaphore, #tpu.memory_space<semaphore_mem>>) src(%arg10 : memref<4096xf32, #tpu.memory_space<vmem>>) dst(%dma_wait3A_43 : memref<4096xf32, #tpu.memory_space<hbm>>)
      %parallel_loop3A_44 = arith.constant 0 : i32
      %parallel_loop3A_45 = arith.constant 4096 : i32
      %parallel_loop3A_46 = arith.constant 16 : i32
      scf.for %parallel_loop3A_272 = %parallel_loop3A_44 to %parallel_loop3A_45 step %parallel_loop3A_46  : i32 {
        %parallel_loop3A_273 = arith.constant 8192 : i32
        %parallel_loop3A_274 = arith.addi %parallel_loop3A_273, %parallel_loop3A_272 : i32
        %parallel_loop3A_275 = arith.index_cast %parallel_loop3A_274 : i32 to index
        %parallel_loop3A_276 = tpu.vector_load %arg8[%parallel_loop3A_275] {strides = array<i32>} : memref<16384xi32, #tpu.memory_space<vmem>>, vector<16xi32>,
        %parallel_loop3A_277 = tpu.vector_load_idx %arg9[%parallel_loop3A_276] : memref<100000xf32, #tpu.memory_space<vmem>>[vector<16xi32>], vector<16xf32>,
        %parallel_loop3A_278 = arith.index_cast %parallel_loop3A_272 : i32 to index
        %parallel_loop3A_279 = tpu.vector_load %arg10[%parallel_loop3A_278] {strides = array<i32>} : memref<4096xf32, #tpu.memory_space<vmem>>, vector<16xf32>,
        tpu.vector_store %arg10[%parallel_loop3A_278], %parallel_loop3A_277 {strides = array<i32>} : memref<4096xf32, #tpu.memory_space<vmem>>, vector<16xf32>,
      } {sc.loop_unroll_factor = 4 : i64, sc.parallel_access}
      %dma_start3A_47 = arith.constant 8192 : i32
      %dma_start3A_48 = tpu.memref_slice %arg7[%add3A_20, %dma_start3A_47] : memref<64x16384xf32, #tpu.memory_space<hbm>> -> memref<1x4096xf32, #tpu.memory_space<hbm>>
      %dma_start3A_49 = tpu.memref_squeeze %dma_start3A_48 : memref<1x4096xf32, #tpu.memory_space<hbm>> -> memref<4096xf32, #tpu.memory_space<hbm>>
      %dma_start3A_50 = arith.constant 8192 : i32
      %dma_start3A_51 = tpu.memref_slice %arg7[%add3A_20, %dma_start3A_50] : memref<64x16384xf32, #tpu.memory_space<hbm>> -> memref<1x4096xf32, #tpu.memory_space<hbm>>
      %dma_start3A_52 = tpu.memref_squeeze %dma_start3A_51 : memref<1x4096xf32, #tpu.memory_space<hbm>> -> memref<4096xf32, #tpu.memory_space<hbm>>
      tpu.enqueue_dma source(%arg10 : memref<4096xf32, #tpu.memory_space<vmem>>) target(%dma_start3A_52 : memref<4096xf32, #tpu.memory_space<hbm>>) target_semaphore(%arg12 : memref<!tpu.dma_semaphore, #tpu.memory_space<semaphore_mem>>)
      %dma_wait3A_53 = arith.constant 4096 : i32
      %dma_wait3A_54 = tpu.memref_slice %arg7[%add3A_20, %dma_wait3A_53] : memref<64x16384xf32, #tpu.memory_space<hbm>> -> memref<1x4096xf32, #tpu.memory_space<hbm>>
      %dma_wait3A_55 = tpu.memref_squeeze %dma_wait3A_54 : memref<1x4096xf32, #tpu.memory_space<hbm>> -> memref<4096xf32, #tpu.memory_space<hbm>>
      %dma_wait3A_56 = arith.constant 4096 : i32
      %dma_wait3A_57 = tpu.memref_slice %arg7[%add3A_20, %dma_wait3A_56] : memref<64x16384xf32, #tpu.memory_space<hbm>> -> memref<1x4096xf32, #tpu.memory_space<hbm>>
      %dma_wait3A_58 = tpu.memref_squeeze %dma_wait3A_57 : memref<1x4096xf32, #tpu.memory_space<hbm>> -> memref<4096xf32, #tpu.memory_space<hbm>>
      tpu.wait_dma2 semaphore(%arg13 : memref<!tpu.dma_semaphore, #tpu.memory_space<semaphore_mem>>) src(%arg11 : memref<4096xf32, #tpu.memory_space<vmem>>) dst(%dma_wait3A_58 : memref<4096xf32, #tpu.memory_space<hbm>>)
      %parallel_loop3A_59 = arith.constant 0 : i32
      %parallel_loop3A_60 = arith.constant 4096 : i32
      %parallel_loop3A_61 = arith.constant 16 : i32
      scf.for %parallel_loop3A_272 = %parallel_loop3A_59 to %parallel_loop3A_60 step %parallel_loop3A_61  : i32 {
        %parallel_loop3A_273 = arith.constant 12288 : i32
        %parallel_loop3A_274 = arith.addi %parallel_loop3A_273, %parallel_loop3A_272 : i32
        %parallel_loop3A_275 = arith.index_cast %parallel_loop3A_274 : i32 to index
        %parallel_loop3A_276 = tpu.vector_load %arg8[%parallel_loop3A_275] {strides = array<i32>} : memref<16384xi32, #tpu.memory_space<vmem>>, vector<16xi32>,
        %parallel_loop3A_277 = tpu.vector_load_idx %arg9[%parallel_loop3A_276] : memref<100000xf32, #tpu.memory_space<vmem>>[vector<16xi32>], vector<16xf32>,
        %parallel_loop3A_278 = arith.index_cast %parallel_loop3A_272 : i32 to index
        %parallel_loop3A_279 = tpu.vector_load %arg11[%parallel_loop3A_278] {strides = array<i32>} : memref<4096xf32, #tpu.memory_space<vmem>>, vector<16xf32>,
        tpu.vector_store %arg11[%parallel_loop3A_278], %parallel_loop3A_277 {strides = array<i32>} : memref<4096xf32, #tpu.memory_space<vmem>>, vector<16xf32>,
      } {sc.loop_unroll_factor = 4 : i64, sc.parallel_access}
      %dma_start3A_62 = arith.constant 12288 : i32
      %dma_start3A_63 = tpu.memref_slice %arg7[%add3A_20, %dma_start3A_62] : memref<64x16384xf32, #tpu.memory_space<hbm>> -> memref<1x4096xf32, #tpu.memory_space<hbm>>
      %dma_start3A_64 = tpu.memref_squeeze %dma_start3A_63 : memref<1x4096xf32, #tpu.memory_space<hbm>> -> memref<4096xf32, #tpu.memory_space<hbm>>
      %dma_start3A_65 = arith.constant 12288 : i32
      %dma_start3A_66 = tpu.memref_slice %arg7[%add3A_20, %dma_start3A_65] : memref<64x16384xf32, #tpu.memory_space<hbm>> -> memref<1x4096xf32, #tpu.memory_space<hbm>>
      %dma_start3A_67 = tpu.memref_squeeze %dma_start3A_66 : memref<1x4096xf32, #tpu.memory_space<hbm>> -> memref<4096xf32, #tpu.memory_space<hbm>>
      tpu.enqueue_dma source(%arg11 : memref<4096xf32, #tpu.memory_space<vmem>>) target(%dma_start3A_67 : memref<4096xf32, #tpu.memory_space<hbm>>) target_semaphore(%arg13 : memref<!tpu.dma_semaphore, #tpu.memory_space<semaphore_mem>>)
      %mul3A_68 = arith.constant 4 : i32
      %mul3A_69 = arith.muli %arg1, %mul3A_68 : i32
      %add3A_70 = arith.constant 1 : i32
      %add3A_71 = arith.addi %mul3A_69, %add3A_70 : i32
      "tpu.region"() ({
        %run_scoped3A = tpu.sem_alloc : memref<!tpu.dma_semaphore, #tpu.memory_space<semaphore_mem>>
        %dma_start3A_272 = arith.constant 0 : i32
        %dma_start3A_273 = tpu.memref_slice %arg3[%add3A_71, %dma_start3A_272] : memref<64x100000xf32, #tpu.memory_space<hbm>> -> memref<1x100000xf32, #tpu.memory_space<hbm>>
        %dma_start3A_274 = tpu.memref_squeeze %dma_start3A_273 : memref<1x100000xf32, #tpu.memory_space<hbm>> -> memref<100000xf32, #tpu.memory_space<hbm>>
        %dma_start3A_275 = arith.constant 0 : i32
        %dma_start3A_276 = tpu.memref_slice %arg3[%add3A_71, %dma_start3A_275] : memref<64x100000xf32, #tpu.memory_space<hbm>> -> memref<1x100000xf32, #tpu.memory_space<hbm>>
        %dma_start3A_277 = tpu.memref_squeeze %dma_start3A_276 : memref<1x100000xf32, #tpu.memory_space<hbm>> -> memref<100000xf32, #tpu.memory_space<hbm>>
        tpu.enqueue_dma source(%dma_start3A_277 : memref<100000xf32, #tpu.memory_space<hbm>>) target(%arg9 : memref<100000xf32, #tpu.memory_space<vmem>>) target_semaphore(%run_scoped3A : memref<!tpu.dma_semaphore, #tpu.memory_space<semaphore_mem>>)
        %dma_wait3A_278 = arith.constant 0 : i32
        %dma_wait3A_279 = tpu.memref_slice %arg3[%add3A_71, %dma_wait3A_278] : memref<64x100000xf32, #tpu.memory_space<hbm>> -> memref<1x100000xf32, #tpu.memory_space<hbm>>
        %dma_wait3A_280 = tpu.memref_squeeze %dma_wait3A_279 : memref<1x100000xf32, #tpu.memory_space<hbm>> -> memref<100000xf32, #tpu.memory_space<hbm>>
        %dma_wait3A_281 = arith.constant 0 : i32
        %dma_wait3A_282 = tpu.memref_slice %arg3[%add3A_71, %dma_wait3A_281] : memref<64x100000xf32, #tpu.memory_space<hbm>> -> memref<1x100000xf32, #tpu.memory_space<hbm>>
        %dma_wait3A_283 = tpu.memref_squeeze %dma_wait3A_282 : memref<1x100000xf32, #tpu.memory_space<hbm>> -> memref<100000xf32, #tpu.memory_space<hbm>>
        tpu.wait_dma2 semaphore(%run_scoped3A : memref<!tpu.dma_semaphore, #tpu.memory_space<semaphore_mem>>) src(%dma_wait3A_283 : memref<100000xf32, #tpu.memory_space<hbm>>) dst(%arg9 : memref<100000xf32, #tpu.memory_space<vmem>>)
        tpu.yield
      }) : () -> ()
      %dma_wait3A_72 = arith.constant 8192 : i32
      %dma_wait3A_73 = tpu.memref_slice %arg7[%add3A_20, %dma_wait3A_72] : memref<64x16384xf32, #tpu.memory_space<hbm>> -> memref<1x4096xf32, #tpu.memory_space<hbm>>
      %dma_wait3A_74 = tpu.memref_squeeze %dma_wait3A_73 : memref<1x4096xf32, #tpu.memory_space<hbm>> -> memref<4096xf32, #tpu.memory_space<hbm>>
      %dma_wait3A_75 = arith.constant 8192 : i32
      %dma_wait3A_76 = tpu.memref_slice %arg7[%add3A_20, %dma_wait3A_75] : memref<64x16384xf32, #tpu.memory_space<hbm>> -> memref<1x4096xf32, #tpu.memory_space<hbm>>
      %dma_wait3A_77 = tpu.memref_squeeze %dma_wait3A_76 : memref<1x4096xf32, #tpu.memory_space<hbm>> -> memref<4096xf32, #tpu.memory_space<hbm>>
      tpu.wait_dma2 semaphore(%arg12 : memref<!tpu.dma_semaphore, #tpu.memory_space<semaphore_mem>>) src(%arg10 : memref<4096xf32, #tpu.memory_space<vmem>>) dst(%dma_wait3A_77 : memref<4096xf32, #tpu.memory_space<hbm>>)
      %parallel_loop3A_78 = arith.constant 0 : i32
      %parallel_loop3A_79 = arith.constant 4096 : i32
      %parallel_loop3A_80 = arith.constant 16 : i32
      scf.for %parallel_loop3A_272 = %parallel_loop3A_78 to %parallel_loop3A_79 step %parallel_loop3A_80  : i32 {
        %parallel_loop3A_273 = arith.constant 0 : i32
        %parallel_loop3A_274 = arith.addi %parallel_loop3A_273, %parallel_loop3A_272 : i32
        %parallel_loop3A_275 = arith.index_cast %parallel_loop3A_274 : i32 to index
        %parallel_loop3A_276 = tpu.vector_load %arg8[%parallel_loop3A_275] {strides = array<i32>} : memref<16384xi32, #tpu.memory_space<vmem>>, vector<16xi32>,
        %parallel_loop3A_277 = tpu.vector_load_idx %arg9[%parallel_loop3A_276] : memref<100000xf32, #tpu.memory_space<vmem>>[vector<16xi32>], vector<16xf32>,
        %parallel_loop3A_278 = arith.index_cast %parallel_loop3A_272 : i32 to index
        %parallel_loop3A_279 = tpu.vector_load %arg10[%parallel_loop3A_278] {strides = array<i32>} : memref<4096xf32, #tpu.memory_space<vmem>>, vector<16xf32>,
        tpu.vector_store %arg10[%parallel_loop3A_278], %parallel_loop3A_277 {strides = array<i32>} : memref<4096xf32, #tpu.memory_space<vmem>>, vector<16xf32>,
      } {sc.loop_unroll_factor = 4 : i64, sc.parallel_access}
      %dma_start3A_81 = arith.constant 0 : i32
      %dma_start3A_82 = tpu.memref_slice %arg7[%add3A_71, %dma_start3A_81] : memref<64x16384xf32, #tpu.memory_space<hbm>> -> memref<1x4096xf32, #tpu.memory_space<hbm>>
      %dma_start3A_83 = tpu.memref_squeeze %dma_start3A_82 : memref<1x4096xf32, #tpu.memory_space<hbm>> -> memref<4096xf32, #tpu.memory_space<hbm>>
      %dma_start3A_84 = arith.constant 0 : i32
      %dma_start3A_85 = tpu.memref_slice %arg7[%add3A_71, %dma_start3A_84] : memref<64x16384xf32, #tpu.memory_space<hbm>> -> memref<1x4096xf32, #tpu.memory_space<hbm>>
      %dma_start3A_86 = tpu.memref_squeeze %dma_start3A_85 : memref<1x4096xf32, #tpu.memory_space<hbm>> -> memref<4096xf32, #tpu.memory_space<hbm>>
      tpu.enqueue_dma source(%arg10 : memref<4096xf32, #tpu.memory_space<vmem>>) target(%dma_start3A_86 : memref<4096xf32, #tpu.memory_space<hbm>>) target_semaphore(%arg12 : memref<!tpu.dma_semaphore, #tpu.memory_space<semaphore_mem>>)
      %dma_wait3A_87 = arith.constant 12288 : i32
      %dma_wait3A_88 = tpu.memref_slice %arg7[%add3A_20, %dma_wait3A_87] : memref<64x16384xf32, #tpu.memory_space<hbm>> -> memref<1x4096xf32, #tpu.memory_space<hbm>>
      %dma_wait3A_89 = tpu.memref_squeeze %dma_wait3A_88 : memref<1x4096xf32, #tpu.memory_space<hbm>> -> memref<4096xf32, #tpu.memory_space<hbm>>
      %dma_wait3A_90 = arith.constant 12288 : i32
      %dma_wait3A_91 = tpu.memref_slice %arg7[%add3A_20, %dma_wait3A_90] : memref<64x16384xf32, #tpu.memory_space<hbm>> -> memref<1x4096xf32, #tpu.memory_space<hbm>>
      %dma_wait3A_92 = tpu.memref_squeeze %dma_wait3A_91 : memref<1x4096xf32, #tpu.memory_space<hbm>> -> memref<4096xf32, #tpu.memory_space<hbm>>
      tpu.wait_dma2 semaphore(%arg13 : memref<!tpu.dma_semaphore, #tpu.memory_space<semaphore_mem>>) src(%arg11 : memref<4096xf32, #tpu.memory_space<vmem>>) dst(%dma_wait3A_92 : memref<4096xf32, #tpu.memory_space<hbm>>)
      %parallel_loop3A_93 = arith.constant 0 : i32
      %parallel_loop3A_94 = arith.constant 4096 : i32
      %parallel_loop3A_95 = arith.constant 16 : i32
      scf.for %parallel_loop3A_272 = %parallel_loop3A_93 to %parallel_loop3A_94 step %parallel_loop3A_95  : i32 {
        %parallel_loop3A_273 = arith.constant 4096 : i32
        %parallel_loop3A_274 = arith.addi %parallel_loop3A_273, %parallel_loop3A_272 : i32
        %parallel_loop3A_275 = arith.index_cast %parallel_loop3A_274 : i32 to index
        %parallel_loop3A_276 = tpu.vector_load %arg8[%parallel_loop3A_275] {strides = array<i32>} : memref<16384xi32, #tpu.memory_space<vmem>>, vector<16xi32>,
        %parallel_loop3A_277 = tpu.vector_load_idx %arg9[%parallel_loop3A_276] : memref<100000xf32, #tpu.memory_space<vmem>>[vector<16xi32>], vector<16xf32>,
        %parallel_loop3A_278 = arith.index_cast %parallel_loop3A_272 : i32 to index
        %parallel_loop3A_279 = tpu.vector_load %arg11[%parallel_loop3A_278] {strides = array<i32>} : memref<4096xf32, #tpu.memory_space<vmem>>, vector<16xf32>,
        tpu.vector_store %arg11[%parallel_loop3A_278], %parallel_loop3A_277 {strides = array<i32>} : memref<4096xf32, #tpu.memory_space<vmem>>, vector<16xf32>,
      } {sc.loop_unroll_factor = 4 : i64, sc.parallel_access}
      %dma_start3A_96 = arith.constant 4096 : i32
      %dma_start3A_97 = tpu.memref_slice %arg7[%add3A_71, %dma_start3A_96] : memref<64x16384xf32, #tpu.memory_space<hbm>> -> memref<1x4096xf32, #tpu.memory_space<hbm>>
      %dma_start3A_98 = tpu.memref_squeeze %dma_start3A_97 : memref<1x4096xf32, #tpu.memory_space<hbm>> -> memref<4096xf32, #tpu.memory_space<hbm>>
      %dma_start3A_99 = arith.constant 4096 : i32
      %dma_start3A_100 = tpu.memref_slice %arg7[%add3A_71, %dma_start3A_99] : memref<64x16384xf32, #tpu.memory_space<hbm>> -> memref<1x4096xf32, #tpu.memory_space<hbm>>
      %dma_start3A_101 = tpu.memref_squeeze %dma_start3A_100 : memref<1x4096xf32, #tpu.memory_space<hbm>> -> memref<4096xf32, #tpu.memory_space<hbm>>
      tpu.enqueue_dma source(%arg11 : memref<4096xf32, #tpu.memory_space<vmem>>) target(%dma_start3A_101 : memref<4096xf32, #tpu.memory_space<hbm>>) target_semaphore(%arg13 : memref<!tpu.dma_semaphore, #tpu.memory_space<semaphore_mem>>)
      %dma_wait3A_102 = arith.constant 0 : i32
      %dma_wait3A_103 = tpu.memref_slice %arg7[%add3A_71, %dma_wait3A_102] : memref<64x16384xf32, #tpu.memory_space<hbm>> -> memref<1x4096xf32, #tpu.memory_space<hbm>>
      %dma_wait3A_104 = tpu.memref_squeeze %dma_wait3A_103 : memref<1x4096xf32, #tpu.memory_space<hbm>> -> memref<4096xf32, #tpu.memory_space<hbm>>
      %dma_wait3A_105 = arith.constant 0 : i32
      %dma_wait3A_106 = tpu.memref_slice %arg7[%add3A_71, %dma_wait3A_105] : memref<64x16384xf32, #tpu.memory_space<hbm>> -> memref<1x4096xf32, #tpu.memory_space<hbm>>
      %dma_wait3A_107 = tpu.memref_squeeze %dma_wait3A_106 : memref<1x4096xf32, #tpu.memory_space<hbm>> -> memref<4096xf32, #tpu.memory_space<hbm>>
      tpu.wait_dma2 semaphore(%arg12 : memref<!tpu.dma_semaphore, #tpu.memory_space<semaphore_mem>>) src(%arg10 : memref<4096xf32, #tpu.memory_space<vmem>>) dst(%dma_wait3A_107 : memref<4096xf32, #tpu.memory_space<hbm>>)
      %parallel_loop3A_108 = arith.constant 0 : i32
      %parallel_loop3A_109 = arith.constant 4096 : i32
      %parallel_loop3A_110 = arith.constant 16 : i32
      scf.for %parallel_loop3A_272 = %parallel_loop3A_108 to %parallel_loop3A_109 step %parallel_loop3A_110  : i32 {
        %parallel_loop3A_273 = arith.constant 8192 : i32
        %parallel_loop3A_274 = arith.addi %parallel_loop3A_273, %parallel_loop3A_272 : i32
        %parallel_loop3A_275 = arith.index_cast %parallel_loop3A_274 : i32 to index
        %parallel_loop3A_276 = tpu.vector_load %arg8[%parallel_loop3A_275] {strides = array<i32>} : memref<16384xi32, #tpu.memory_space<vmem>>, vector<16xi32>,
        %parallel_loop3A_277 = tpu.vector_load_idx %arg9[%parallel_loop3A_276] : memref<100000xf32, #tpu.memory_space<vmem>>[vector<16xi32>], vector<16xf32>,
        %parallel_loop3A_278 = arith.index_cast %parallel_loop3A_272 : i32 to index
        %parallel_loop3A_279 = tpu.vector_load %arg10[%parallel_loop3A_278] {strides = array<i32>} : memref<4096xf32, #tpu.memory_space<vmem>>, vector<16xf32>,
        tpu.vector_store %arg10[%parallel_loop3A_278], %parallel_loop3A_277 {strides = array<i32>} : memref<4096xf32, #tpu.memory_space<vmem>>, vector<16xf32>,
      } {sc.loop_unroll_factor = 4 : i64, sc.parallel_access}
      %dma_start3A_111 = arith.constant 8192 : i32
      %dma_start3A_112 = tpu.memref_slice %arg7[%add3A_71, %dma_start3A_111] : memref<64x16384xf32, #tpu.memory_space<hbm>> -> memref<1x4096xf32, #tpu.memory_space<hbm>>
      %dma_start3A_113 = tpu.memref_squeeze %dma_start3A_112 : memref<1x4096xf32, #tpu.memory_space<hbm>> -> memref<4096xf32, #tpu.memory_space<hbm>>
      %dma_start3A_114 = arith.constant 8192 : i32
      %dma_start3A_115 = tpu.memref_slice %arg7[%add3A_71, %dma_start3A_114] : memref<64x16384xf32, #tpu.memory_space<hbm>> -> memref<1x4096xf32, #tpu.memory_space<hbm>>
      %dma_start3A_116 = tpu.memref_squeeze %dma_start3A_115 : memref<1x4096xf32, #tpu.memory_space<hbm>> -> memref<4096xf32, #tpu.memory_space<hbm>>
      tpu.enqueue_dma source(%arg10 : memref<4096xf32, #tpu.memory_space<vmem>>) target(%dma_start3A_116 : memref<4096xf32, #tpu.memory_space<hbm>>) target_semaphore(%arg12 : memref<!tpu.dma_semaphore, #tpu.memory_space<semaphore_mem>>)
      %dma_wait3A_117 = arith.constant 4096 : i32
      %dma_wait3A_118 = tpu.memref_slice %arg7[%add3A_71, %dma_wait3A_117] : memref<64x16384xf32, #tpu.memory_space<hbm>> -> memref<1x4096xf32, #tpu.memory_space<hbm>>
      %dma_wait3A_119 = tpu.memref_squeeze %dma_wait3A_118 : memref<1x4096xf32, #tpu.memory_space<hbm>> -> memref<4096xf32, #tpu.memory_space<hbm>>
      %dma_wait3A_120 = arith.constant 4096 : i32
      %dma_wait3A_121 = tpu.memref_slice %arg7[%add3A_71, %dma_wait3A_120] : memref<64x16384xf32, #tpu.memory_space<hbm>> -> memref<1x4096xf32, #tpu.memory_space<hbm>>
      %dma_wait3A_122 = tpu.memref_squeeze %dma_wait3A_121 : memref<1x4096xf32, #tpu.memory_space<hbm>> -> memref<4096xf32, #tpu.memory_space<hbm>>
      tpu.wait_dma2 semaphore(%arg13 : memref<!tpu.dma_semaphore, #tpu.memory_space<semaphore_mem>>) src(%arg11 : memref<4096xf32, #tpu.memory_space<vmem>>) dst(%dma_wait3A_122 : memref<4096xf32, #tpu.memory_space<hbm>>)
      %parallel_loop3A_123 = arith.constant 0 : i32
      %parallel_loop3A_124 = arith.constant 4096 : i32
      %parallel_loop3A_125 = arith.constant 16 : i32
      scf.for %parallel_loop3A_272 = %parallel_loop3A_123 to %parallel_loop3A_124 step %parallel_loop3A_125  : i32 {
        %parallel_loop3A_273 = arith.constant 12288 : i32
        %parallel_loop3A_274 = arith.addi %parallel_loop3A_273, %parallel_loop3A_272 : i32
        %parallel_loop3A_275 = arith.index_cast %parallel_loop3A_274 : i32 to index
        %parallel_loop3A_276 = tpu.vector_load %arg8[%parallel_loop3A_275] {strides = array<i32>} : memref<16384xi32, #tpu.memory_space<vmem>>, vector<16xi32>,
        %parallel_loop3A_277 = tpu.vector_load_idx %arg9[%parallel_loop3A_276] : memref<100000xf32, #tpu.memory_space<vmem>>[vector<16xi32>], vector<16xf32>,
        %parallel_loop3A_278 = arith.index_cast %parallel_loop3A_272 : i32 to index
        %parallel_loop3A_279 = tpu.vector_load %arg11[%parallel_loop3A_278] {strides = array<i32>} : memref<4096xf32, #tpu.memory_space<vmem>>, vector<16xf32>,
        tpu.vector_store %arg11[%parallel_loop3A_278], %parallel_loop3A_277 {strides = array<i32>} : memref<4096xf32, #tpu.memory_space<vmem>>, vector<16xf32>,
      } {sc.loop_unroll_factor = 4 : i64, sc.parallel_access}
      %dma_start3A_126 = arith.constant 12288 : i32
      %dma_start3A_127 = tpu.memref_slice %arg7[%add3A_71, %dma_start3A_126] : memref<64x16384xf32, #tpu.memory_space<hbm>> -> memref<1x4096xf32, #tpu.memory_space<hbm>>
      %dma_start3A_128 = tpu.memref_squeeze %dma_start3A_127 : memref<1x4096xf32, #tpu.memory_space<hbm>> -> memref<4096xf32, #tpu.memory_space<hbm>>
      %dma_start3A_129 = arith.constant 12288 : i32
      %dma_start3A_130 = tpu.memref_slice %arg7[%add3A_71, %dma_start3A_129] : memref<64x16384xf32, #tpu.memory_space<hbm>> -> memref<1x4096xf32, #tpu.memory_space<hbm>>
      %dma_start3A_131 = tpu.memref_squeeze %dma_start3A_130 : memref<1x4096xf32, #tpu.memory_space<hbm>> -> memref<4096xf32, #tpu.memory_space<hbm>>
      tpu.enqueue_dma source(%arg11 : memref<4096xf32, #tpu.memory_space<vmem>>) target(%dma_start3A_131 : memref<4096xf32, #tpu.memory_space<hbm>>) target_semaphore(%arg13 : memref<!tpu.dma_semaphore, #tpu.memory_space<semaphore_mem>>)
      %mul3A_132 = arith.constant 4 : i32
      %mul3A_133 = arith.muli %arg1, %mul3A_132 : i32
      %add3A_134 = arith.constant 2 : i32
      %add3A_135 = arith.addi %mul3A_133, %add3A_134 : i32
      "tpu.region"() ({
        %run_scoped3A = tpu.sem_alloc : memref<!tpu.dma_semaphore, #tpu.memory_space<semaphore_mem>>
        %dma_start3A_272 = arith.constant 0 : i32
        %dma_start3A_273 = tpu.memref_slice %arg3[%add3A_135, %dma_start3A_272] : memref<64x100000xf32, #tpu.memory_space<hbm>> -> memref<1x100000xf32, #tpu.memory_space<hbm>>
        %dma_start3A_274 = tpu.memref_squeeze %dma_start3A_273 : memref<1x100000xf32, #tpu.memory_space<hbm>> -> memref<100000xf32, #tpu.memory_space<hbm>>
        %dma_start3A_275 = arith.constant 0 : i32
        %dma_start3A_276 = tpu.memref_slice %arg3[%add3A_135, %dma_start3A_275] : memref<64x100000xf32, #tpu.memory_space<hbm>> -> memref<1x100000xf32, #tpu.memory_space<hbm>>
        %dma_start3A_277 = tpu.memref_squeeze %dma_start3A_276 : memref<1x100000xf32, #tpu.memory_space<hbm>> -> memref<100000xf32, #tpu.memory_space<hbm>>
        tpu.enqueue_dma source(%dma_start3A_277 : memref<100000xf32, #tpu.memory_space<hbm>>) target(%arg9 : memref<100000xf32, #tpu.memory_space<vmem>>) target_semaphore(%run_scoped3A : memref<!tpu.dma_semaphore, #tpu.memory_space<semaphore_mem>>)
        %dma_wait3A_278 = arith.constant 0 : i32
        %dma_wait3A_279 = tpu.memref_slice %arg3[%add3A_135, %dma_wait3A_278] : memref<64x100000xf32, #tpu.memory_space<hbm>> -> memref<1x100000xf32, #tpu.memory_space<hbm>>
        %dma_wait3A_280 = tpu.memref_squeeze %dma_wait3A_279 : memref<1x100000xf32, #tpu.memory_space<hbm>> -> memref<100000xf32, #tpu.memory_space<hbm>>
        %dma_wait3A_281 = arith.constant 0 : i32
        %dma_wait3A_282 = tpu.memref_slice %arg3[%add3A_135, %dma_wait3A_281] : memref<64x100000xf32, #tpu.memory_space<hbm>> -> memref<1x100000xf32, #tpu.memory_space<hbm>>
        %dma_wait3A_283 = tpu.memref_squeeze %dma_wait3A_282 : memref<1x100000xf32, #tpu.memory_space<hbm>> -> memref<100000xf32, #tpu.memory_space<hbm>>
        tpu.wait_dma2 semaphore(%run_scoped3A : memref<!tpu.dma_semaphore, #tpu.memory_space<semaphore_mem>>) src(%dma_wait3A_283 : memref<100000xf32, #tpu.memory_space<hbm>>) dst(%arg9 : memref<100000xf32, #tpu.memory_space<vmem>>)
        tpu.yield
      }) : () -> ()
      %dma_wait3A_136 = arith.constant 8192 : i32
      %dma_wait3A_137 = tpu.memref_slice %arg7[%add3A_71, %dma_wait3A_136] : memref<64x16384xf32, #tpu.memory_space<hbm>> -> memref<1x4096xf32, #tpu.memory_space<hbm>>
      %dma_wait3A_138 = tpu.memref_squeeze %dma_wait3A_137 : memref<1x4096xf32, #tpu.memory_space<hbm>> -> memref<4096xf32, #tpu.memory_space<hbm>>
      %dma_wait3A_139 = arith.constant 8192 : i32
      %dma_wait3A_140 = tpu.memref_slice %arg7[%add3A_71, %dma_wait3A_139] : memref<64x16384xf32, #tpu.memory_space<hbm>> -> memref<1x4096xf32, #tpu.memory_space<hbm>>
      %dma_wait3A_141 = tpu.memref_squeeze %dma_wait3A_140 : memref<1x4096xf32, #tpu.memory_space<hbm>> -> memref<4096xf32, #tpu.memory_space<hbm>>
      tpu.wait_dma2 semaphore(%arg12 : memref<!tpu.dma_semaphore, #tpu.memory_space<semaphore_mem>>) src(%arg10 : memref<4096xf32, #tpu.memory_space<vmem>>) dst(%dma_wait3A_141 : memref<4096xf32, #tpu.memory_space<hbm>>)
      %parallel_loop3A_142 = arith.constant 0 : i32
      %parallel_loop3A_143 = arith.constant 4096 : i32
      %parallel_loop3A_144 = arith.constant 16 : i32
      scf.for %parallel_loop3A_272 = %parallel_loop3A_142 to %parallel_loop3A_143 step %parallel_loop3A_144  : i32 {
        %parallel_loop3A_273 = arith.constant 0 : i32
        %parallel_loop3A_274 = arith.addi %parallel_loop3A_273, %parallel_loop3A_272 : i32
        %parallel_loop3A_275 = arith.index_cast %parallel_loop3A_274 : i32 to index
        %parallel_loop3A_276 = tpu.vector_load %arg8[%parallel_loop3A_275] {strides = array<i32>} : memref<16384xi32, #tpu.memory_space<vmem>>, vector<16xi32>,
        %parallel_loop3A_277 = tpu.vector_load_idx %arg9[%parallel_loop3A_276] : memref<100000xf32, #tpu.memory_space<vmem>>[vector<16xi32>], vector<16xf32>,
        %parallel_loop3A_278 = arith.index_cast %parallel_loop3A_272 : i32 to index
        %parallel_loop3A_279 = tpu.vector_load %arg10[%parallel_loop3A_278] {strides = array<i32>} : memref<4096xf32, #tpu.memory_space<vmem>>, vector<16xf32>,
        tpu.vector_store %arg10[%parallel_loop3A_278], %parallel_loop3A_277 {strides = array<i32>} : memref<4096xf32, #tpu.memory_space<vmem>>, vector<16xf32>,
      } {sc.loop_unroll_factor = 4 : i64, sc.parallel_access}
      %dma_start3A_145 = arith.constant 0 : i32
      %dma_start3A_146 = tpu.memref_slice %arg7[%add3A_135, %dma_start3A_145] : memref<64x16384xf32, #tpu.memory_space<hbm>> -> memref<1x4096xf32, #tpu.memory_space<hbm>>
      %dma_start3A_147 = tpu.memref_squeeze %dma_start3A_146 : memref<1x4096xf32, #tpu.memory_space<hbm>> -> memref<4096xf32, #tpu.memory_space<hbm>>
      %dma_start3A_148 = arith.constant 0 : i32
      %dma_start3A_149 = tpu.memref_slice %arg7[%add3A_135, %dma_start3A_148] : memref<64x16384xf32, #tpu.memory_space<hbm>> -> memref<1x4096xf32, #tpu.memory_space<hbm>>
      %dma_start3A_150 = tpu.memref_squeeze %dma_start3A_149 : memref<1x4096xf32, #tpu.memory_space<hbm>> -> memref<4096xf32, #tpu.memory_space<hbm>>
      tpu.enqueue_dma source(%arg10 : memref<4096xf32, #tpu.memory_space<vmem>>) target(%dma_start3A_150 : memref<4096xf32, #tpu.memory_space<hbm>>) target_semaphore(%arg12 : memref<!tpu.dma_semaphore, #tpu.memory_space<semaphore_mem>>)
      %dma_wait3A_151 = arith.constant 12288 : i32
      %dma_wait3A_152 = tpu.memref_slice %arg7[%add3A_71, %dma_wait3A_151] : memref<64x16384xf32, #tpu.memory_space<hbm>> -> memref<1x4096xf32, #tpu.memory_space<hbm>>
      %dma_wait3A_153 = tpu.memref_squeeze %dma_wait3A_152 : memref<1x4096xf32, #tpu.memory_space<hbm>> -> memref<4096xf32, #tpu.memory_space<hbm>>
      %dma_wait3A_154 = arith.constant 12288 : i32
      %dma_wait3A_155 = tpu.memref_slice %arg7[%add3A_71, %dma_wait3A_154] : memref<64x16384xf32, #tpu.memory_space<hbm>> -> memref<1x4096xf32, #tpu.memory_space<hbm>>
      %dma_wait3A_156 = tpu.memref_squeeze %dma_wait3A_155 : memref<1x4096xf32, #tpu.memory_space<hbm>> -> memref<4096xf32, #tpu.memory_space<hbm>>
      tpu.wait_dma2 semaphore(%arg13 : memref<!tpu.dma_semaphore, #tpu.memory_space<semaphore_mem>>) src(%arg11 : memref<4096xf32, #tpu.memory_space<vmem>>) dst(%dma_wait3A_156 : memref<4096xf32, #tpu.memory_space<hbm>>)
      %parallel_loop3A_157 = arith.constant 0 : i32
      %parallel_loop3A_158 = arith.constant 4096 : i32
      %parallel_loop3A_159 = arith.constant 16 : i32
      scf.for %parallel_loop3A_272 = %parallel_loop3A_157 to %parallel_loop3A_158 step %parallel_loop3A_159  : i32 {
        %parallel_loop3A_273 = arith.constant 4096 : i32
        %parallel_loop3A_274 = arith.addi %parallel_loop3A_273, %parallel_loop3A_272 : i32
        %parallel_loop3A_275 = arith.index_cast %parallel_loop3A_274 : i32 to index
        %parallel_loop3A_276 = tpu.vector_load %arg8[%parallel_loop3A_275] {strides = array<i32>} : memref<16384xi32, #tpu.memory_space<vmem>>, vector<16xi32>,
        %parallel_loop3A_277 = tpu.vector_load_idx %arg9[%parallel_loop3A_276] : memref<100000xf32, #tpu.memory_space<vmem>>[vector<16xi32>], vector<16xf32>,
        %parallel_loop3A_278 = arith.index_cast %parallel_loop3A_272 : i32 to index
        %parallel_loop3A_279 = tpu.vector_load %arg11[%parallel_loop3A_278] {strides = array<i32>} : memref<4096xf32, #tpu.memory_space<vmem>>, vector<16xf32>,
        tpu.vector_store %arg11[%parallel_loop3A_278], %parallel_loop3A_277 {strides = array<i32>} : memref<4096xf32, #tpu.memory_space<vmem>>, vector<16xf32>,
      } {sc.loop_unroll_factor = 4 : i64, sc.parallel_access}
      %dma_start3A_160 = arith.constant 4096 : i32
      %dma_start3A_161 = tpu.memref_slice %arg7[%add3A_135, %dma_start3A_160] : memref<64x16384xf32, #tpu.memory_space<hbm>> -> memref<1x4096xf32, #tpu.memory_space<hbm>>
      %dma_start3A_162 = tpu.memref_squeeze %dma_start3A_161 : memref<1x4096xf32, #tpu.memory_space<hbm>> -> memref<4096xf32, #tpu.memory_space<hbm>>
      %dma_start3A_163 = arith.constant 4096 : i32
      %dma_start3A_164 = tpu.memref_slice %arg7[%add3A_135, %dma_start3A_163] : memref<64x16384xf32, #tpu.memory_space<hbm>> -> memref<1x4096xf32, #tpu.memory_space<hbm>>
      %dma_start3A_165 = tpu.memref_squeeze %dma_start3A_164 : memref<1x4096xf32, #tpu.memory_space<hbm>> -> memref<4096xf32, #tpu.memory_space<hbm>>
      tpu.enqueue_dma source(%arg11 : memref<4096xf32, #tpu.memory_space<vmem>>) target(%dma_start3A_165 : memref<4096xf32, #tpu.memory_space<hbm>>) target_semaphore(%arg13 : memref<!tpu.dma_semaphore, #tpu.memory_space<semaphore_mem>>)
      %dma_wait3A_166 = arith.constant 0 : i32
      %dma_wait3A_167 = tpu.memref_slice %arg7[%add3A_135, %dma_wait3A_166] : memref<64x16384xf32, #tpu.memory_space<hbm>> -> memref<1x4096xf32, #tpu.memory_space<hbm>>
      %dma_wait3A_168 = tpu.memref_squeeze %dma_wait3A_167 : memref<1x4096xf32, #tpu.memory_space<hbm>> -> memref<4096xf32, #tpu.memory_space<hbm>>
      %dma_wait3A_169 = arith.constant 0 : i32
      %dma_wait3A_170 = tpu.memref_slice %arg7[%add3A_135, %dma_wait3A_169] : memref<64x16384xf32, #tpu.memory_space<hbm>> -> memref<1x4096xf32, #tpu.memory_space<hbm>>
      %dma_wait3A_171 = tpu.memref_squeeze %dma_wait3A_170 : memref<1x4096xf32, #tpu.memory_space<hbm>> -> memref<4096xf32, #tpu.memory_space<hbm>>
      tpu.wait_dma2 semaphore(%arg12 : memref<!tpu.dma_semaphore, #tpu.memory_space<semaphore_mem>>) src(%arg10 : memref<4096xf32, #tpu.memory_space<vmem>>) dst(%dma_wait3A_171 : memref<4096xf32, #tpu.memory_space<hbm>>)
      %parallel_loop3A_172 = arith.constant 0 : i32
      %parallel_loop3A_173 = arith.constant 4096 : i32
      %parallel_loop3A_174 = arith.constant 16 : i32
      scf.for %parallel_loop3A_272 = %parallel_loop3A_172 to %parallel_loop3A_173 step %parallel_loop3A_174  : i32 {
        %parallel_loop3A_273 = arith.constant 8192 : i32
        %parallel_loop3A_274 = arith.addi %parallel_loop3A_273, %parallel_loop3A_272 : i32
        %parallel_loop3A_275 = arith.index_cast %parallel_loop3A_274 : i32 to index
        %parallel_loop3A_276 = tpu.vector_load %arg8[%parallel_loop3A_275] {strides = array<i32>} : memref<16384xi32, #tpu.memory_space<vmem>>, vector<16xi32>,
        %parallel_loop3A_277 = tpu.vector_load_idx %arg9[%parallel_loop3A_276] : memref<100000xf32, #tpu.memory_space<vmem>>[vector<16xi32>], vector<16xf32>,
        %parallel_loop3A_278 = arith.index_cast %parallel_loop3A_272 : i32 to index
        %parallel_loop3A_279 = tpu.vector_load %arg10[%parallel_loop3A_278] {strides = array<i32>} : memref<4096xf32, #tpu.memory_space<vmem>>, vector<16xf32>,
        tpu.vector_store %arg10[%parallel_loop3A_278], %parallel_loop3A_277 {strides = array<i32>} : memref<4096xf32, #tpu.memory_space<vmem>>, vector<16xf32>,
      } {sc.loop_unroll_factor = 4 : i64, sc.parallel_access}
      %dma_start3A_175 = arith.constant 8192 : i32
      %dma_start3A_176 = tpu.memref_slice %arg7[%add3A_135, %dma_start3A_175] : memref<64x16384xf32, #tpu.memory_space<hbm>> -> memref<1x4096xf32, #tpu.memory_space<hbm>>
      %dma_start3A_177 = tpu.memref_squeeze %dma_start3A_176 : memref<1x4096xf32, #tpu.memory_space<hbm>> -> memref<4096xf32, #tpu.memory_space<hbm>>
      %dma_start3A_178 = arith.constant 8192 : i32
      %dma_start3A_179 = tpu.memref_slice %arg7[%add3A_135, %dma_start3A_178] : memref<64x16384xf32, #tpu.memory_space<hbm>> -> memref<1x4096xf32, #tpu.memory_space<hbm>>
      %dma_start3A_180 = tpu.memref_squeeze %dma_start3A_179 : memref<1x4096xf32, #tpu.memory_space<hbm>> -> memref<4096xf32, #tpu.memory_space<hbm>>
      tpu.enqueue_dma source(%arg10 : memref<4096xf32, #tpu.memory_space<vmem>>) target(%dma_start3A_180 : memref<4096xf32, #tpu.memory_space<hbm>>) target_semaphore(%arg12 : memref<!tpu.dma_semaphore, #tpu.memory_space<semaphore_mem>>)
      %dma_wait3A_181 = arith.constant 4096 : i32
      %dma_wait3A_182 = tpu.memref_slice %arg7[%add3A_135, %dma_wait3A_181] : memref<64x16384xf32, #tpu.memory_space<hbm>> -> memref<1x4096xf32, #tpu.memory_space<hbm>>
      %dma_wait3A_183 = tpu.memref_squeeze %dma_wait3A_182 : memref<1x4096xf32, #tpu.memory_space<hbm>> -> memref<4096xf32, #tpu.memory_space<hbm>>
      %dma_wait3A_184 = arith.constant 4096 : i32
      %dma_wait3A_185 = tpu.memref_slice %arg7[%add3A_135, %dma_wait3A_184] : memref<64x16384xf32, #tpu.memory_space<hbm>> -> memref<1x4096xf32, #tpu.memory_space<hbm>>
      %dma_wait3A_186 = tpu.memref_squeeze %dma_wait3A_185 : memref<1x4096xf32, #tpu.memory_space<hbm>> -> memref<4096xf32, #tpu.memory_space<hbm>>
      tpu.wait_dma2 semaphore(%arg13 : memref<!tpu.dma_semaphore, #tpu.memory_space<semaphore_mem>>) src(%arg11 : memref<4096xf32, #tpu.memory_space<vmem>>) dst(%dma_wait3A_186 : memref<4096xf32, #tpu.memory_space<hbm>>)
      %parallel_loop3A_187 = arith.constant 0 : i32
      %parallel_loop3A_188 = arith.constant 4096 : i32
      %parallel_loop3A_189 = arith.constant 16 : i32
      scf.for %parallel_loop3A_272 = %parallel_loop3A_187 to %parallel_loop3A_188 step %parallel_loop3A_189  : i32 {
        %parallel_loop3A_273 = arith.constant 12288 : i32
        %parallel_loop3A_274 = arith.addi %parallel_loop3A_273, %parallel_loop3A_272 : i32
        %parallel_loop3A_275 = arith.index_cast %parallel_loop3A_274 : i32 to index
        %parallel_loop3A_276 = tpu.vector_load %arg8[%parallel_loop3A_275] {strides = array<i32>} : memref<16384xi32, #tpu.memory_space<vmem>>, vector<16xi32>,
        %parallel_loop3A_277 = tpu.vector_load_idx %arg9[%parallel_loop3A_276] : memref<100000xf32, #tpu.memory_space<vmem>>[vector<16xi32>], vector<16xf32>,
        %parallel_loop3A_278 = arith.index_cast %parallel_loop3A_272 : i32 to index
        %parallel_loop3A_279 = tpu.vector_load %arg11[%parallel_loop3A_278] {strides = array<i32>} : memref<4096xf32, #tpu.memory_space<vmem>>, vector<16xf32>,
        tpu.vector_store %arg11[%parallel_loop3A_278], %parallel_loop3A_277 {strides = array<i32>} : memref<4096xf32, #tpu.memory_space<vmem>>, vector<16xf32>,
      } {sc.loop_unroll_factor = 4 : i64, sc.parallel_access}
      %dma_start3A_190 = arith.constant 12288 : i32
      %dma_start3A_191 = tpu.memref_slice %arg7[%add3A_135, %dma_start3A_190] : memref<64x16384xf32, #tpu.memory_space<hbm>> -> memref<1x4096xf32, #tpu.memory_space<hbm>>
      %dma_start3A_192 = tpu.memref_squeeze %dma_start3A_191 : memref<1x4096xf32, #tpu.memory_space<hbm>> -> memref<4096xf32, #tpu.memory_space<hbm>>
      %dma_start3A_193 = arith.constant 12288 : i32
      %dma_start3A_194 = tpu.memref_slice %arg7[%add3A_135, %dma_start3A_193] : memref<64x16384xf32, #tpu.memory_space<hbm>> -> memref<1x4096xf32, #tpu.memory_space<hbm>>
      %dma_start3A_195 = tpu.memref_squeeze %dma_start3A_194 : memref<1x4096xf32, #tpu.memory_space<hbm>> -> memref<4096xf32, #tpu.memory_space<hbm>>
      tpu.enqueue_dma source(%arg11 : memref<4096xf32, #tpu.memory_space<vmem>>) target(%dma_start3A_195 : memref<4096xf32, #tpu.memory_space<hbm>>) target_semaphore(%arg13 : memref<!tpu.dma_semaphore, #tpu.memory_space<semaphore_mem>>)
      %mul3A_196 = arith.constant 4 : i32
      %mul3A_197 = arith.muli %arg1, %mul3A_196 : i32
      %add3A_198 = arith.constant 3 : i32
      %add3A_199 = arith.addi %mul3A_197, %add3A_198 : i32
      "tpu.region"() ({
        %run_scoped3A = tpu.sem_alloc : memref<!tpu.dma_semaphore, #tpu.memory_space<semaphore_mem>>
        %dma_start3A_272 = arith.constant 0 : i32
        %dma_start3A_273 = tpu.memref_slice %arg3[%add3A_199, %dma_start3A_272] : memref<64x100000xf32, #tpu.memory_space<hbm>> -> memref<1x100000xf32, #tpu.memory_space<hbm>>
        %dma_start3A_274 = tpu.memref_squeeze %dma_start3A_273 : memref<1x100000xf32, #tpu.memory_space<hbm>> -> memref<100000xf32, #tpu.memory_space<hbm>>
        %dma_start3A_275 = arith.constant 0 : i32
        %dma_start3A_276 = tpu.memref_slice %arg3[%add3A_199, %dma_start3A_275] : memref<64x100000xf32, #tpu.memory_space<hbm>> -> memref<1x100000xf32, #tpu.memory_space<hbm>>
        %dma_start3A_277 = tpu.memref_squeeze %dma_start3A_276 : memref<1x100000xf32, #tpu.memory_space<hbm>> -> memref<100000xf32, #tpu.memory_space<hbm>>
        tpu.enqueue_dma source(%dma_start3A_277 : memref<100000xf32, #tpu.memory_space<hbm>>) target(%arg9 : memref<100000xf32, #tpu.memory_space<vmem>>) target_semaphore(%run_scoped3A : memref<!tpu.dma_semaphore, #tpu.memory_space<semaphore_mem>>)
        %dma_wait3A_278 = arith.constant 0 : i32
        %dma_wait3A_279 = tpu.memref_slice %arg3[%add3A_199, %dma_wait3A_278] : memref<64x100000xf32, #tpu.memory_space<hbm>> -> memref<1x100000xf32, #tpu.memory_space<hbm>>
        %dma_wait3A_280 = tpu.memref_squeeze %dma_wait3A_279 : memref<1x100000xf32, #tpu.memory_space<hbm>> -> memref<100000xf32, #tpu.memory_space<hbm>>
        %dma_wait3A_281 = arith.constant 0 : i32
        %dma_wait3A_282 = tpu.memref_slice %arg3[%add3A_199, %dma_wait3A_281] : memref<64x100000xf32, #tpu.memory_space<hbm>> -> memref<1x100000xf32, #tpu.memory_space<hbm>>
        %dma_wait3A_283 = tpu.memref_squeeze %dma_wait3A_282 : memref<1x100000xf32, #tpu.memory_space<hbm>> -> memref<100000xf32, #tpu.memory_space<hbm>>
        tpu.wait_dma2 semaphore(%run_scoped3A : memref<!tpu.dma_semaphore, #tpu.memory_space<semaphore_mem>>) src(%dma_wait3A_283 : memref<100000xf32, #tpu.memory_space<hbm>>) dst(%arg9 : memref<100000xf32, #tpu.memory_space<vmem>>)
        tpu.yield
      }) : () -> ()
      %dma_wait3A_200 = arith.constant 8192 : i32
      %dma_wait3A_201 = tpu.memref_slice %arg7[%add3A_135, %dma_wait3A_200] : memref<64x16384xf32, #tpu.memory_space<hbm>> -> memref<1x4096xf32, #tpu.memory_space<hbm>>
      %dma_wait3A_202 = tpu.memref_squeeze %dma_wait3A_201 : memref<1x4096xf32, #tpu.memory_space<hbm>> -> memref<4096xf32, #tpu.memory_space<hbm>>
      %dma_wait3A_203 = arith.constant 8192 : i32
      %dma_wait3A_204 = tpu.memref_slice %arg7[%add3A_135, %dma_wait3A_203] : memref<64x16384xf32, #tpu.memory_space<hbm>> -> memref<1x4096xf32, #tpu.memory_space<hbm>>
      %dma_wait3A_205 = tpu.memref_squeeze %dma_wait3A_204 : memref<1x4096xf32, #tpu.memory_space<hbm>> -> memref<4096xf32, #tpu.memory_space<hbm>>
      tpu.wait_dma2 semaphore(%arg12 : memref<!tpu.dma_semaphore, #tpu.memory_space<semaphore_mem>>) src(%arg10 : memref<4096xf32, #tpu.memory_space<vmem>>) dst(%dma_wait3A_205 : memref<4096xf32, #tpu.memory_space<hbm>>)
      %parallel_loop3A_206 = arith.constant 0 : i32
      %parallel_loop3A_207 = arith.constant 4096 : i32
      %parallel_loop3A_208 = arith.constant 16 : i32
      scf.for %parallel_loop3A_272 = %parallel_loop3A_206 to %parallel_loop3A_207 step %parallel_loop3A_208  : i32 {
        %parallel_loop3A_273 = arith.constant 0 : i32
        %parallel_loop3A_274 = arith.addi %parallel_loop3A_273, %parallel_loop3A_272 : i32
        %parallel_loop3A_275 = arith.index_cast %parallel_loop3A_274 : i32 to index
        %parallel_loop3A_276 = tpu.vector_load %arg8[%parallel_loop3A_275] {strides = array<i32>} : memref<16384xi32, #tpu.memory_space<vmem>>, vector<16xi32>,
        %parallel_loop3A_277 = tpu.vector_load_idx %arg9[%parallel_loop3A_276] : memref<100000xf32, #tpu.memory_space<vmem>>[vector<16xi32>], vector<16xf32>,
        %parallel_loop3A_278 = arith.index_cast %parallel_loop3A_272 : i32 to index
        %parallel_loop3A_279 = tpu.vector_load %arg10[%parallel_loop3A_278] {strides = array<i32>} : memref<4096xf32, #tpu.memory_space<vmem>>, vector<16xf32>,
        tpu.vector_store %arg10[%parallel_loop3A_278], %parallel_loop3A_277 {strides = array<i32>} : memref<4096xf32, #tpu.memory_space<vmem>>, vector<16xf32>,
      } {sc.loop_unroll_factor = 4 : i64, sc.parallel_access}
      %dma_start3A_209 = arith.constant 0 : i32
      %dma_start3A_210 = tpu.memref_slice %arg7[%add3A_199, %dma_start3A_209] : memref<64x16384xf32, #tpu.memory_space<hbm>> -> memref<1x4096xf32, #tpu.memory_space<hbm>>
      %dma_start3A_211 = tpu.memref_squeeze %dma_start3A_210 : memref<1x4096xf32, #tpu.memory_space<hbm>> -> memref<4096xf32, #tpu.memory_space<hbm>>
      %dma_start3A_212 = arith.constant 0 : i32
      %dma_start3A_213 = tpu.memref_slice %arg7[%add3A_199, %dma_start3A_212] : memref<64x16384xf32, #tpu.memory_space<hbm>> -> memref<1x4096xf32, #tpu.memory_space<hbm>>
      %dma_start3A_214 = tpu.memref_squeeze %dma_start3A_213 : memref<1x4096xf32, #tpu.memory_space<hbm>> -> memref<4096xf32, #tpu.memory_space<hbm>>
      tpu.enqueue_dma source(%arg10 : memref<4096xf32, #tpu.memory_space<vmem>>) target(%dma_start3A_214 : memref<4096xf32, #tpu.memory_space<hbm>>) target_semaphore(%arg12 : memref<!tpu.dma_semaphore, #tpu.memory_space<semaphore_mem>>)
      %dma_wait3A_215 = arith.constant 12288 : i32
      %dma_wait3A_216 = tpu.memref_slice %arg7[%add3A_135, %dma_wait3A_215] : memref<64x16384xf32, #tpu.memory_space<hbm>> -> memref<1x4096xf32, #tpu.memory_space<hbm>>
      %dma_wait3A_217 = tpu.memref_squeeze %dma_wait3A_216 : memref<1x4096xf32, #tpu.memory_space<hbm>> -> memref<4096xf32, #tpu.memory_space<hbm>>
      %dma_wait3A_218 = arith.constant 12288 : i32
      %dma_wait3A_219 = tpu.memref_slice %arg7[%add3A_135, %dma_wait3A_218] : memref<64x16384xf32, #tpu.memory_space<hbm>> -> memref<1x4096xf32, #tpu.memory_space<hbm>>
      %dma_wait3A_220 = tpu.memref_squeeze %dma_wait3A_219 : memref<1x4096xf32, #tpu.memory_space<hbm>> -> memref<4096xf32, #tpu.memory_space<hbm>>
      tpu.wait_dma2 semaphore(%arg13 : memref<!tpu.dma_semaphore, #tpu.memory_space<semaphore_mem>>) src(%arg11 : memref<4096xf32, #tpu.memory_space<vmem>>) dst(%dma_wait3A_220 : memref<4096xf32, #tpu.memory_space<hbm>>)
      %parallel_loop3A_221 = arith.constant 0 : i32
      %parallel_loop3A_222 = arith.constant 4096 : i32
      %parallel_loop3A_223 = arith.constant 16 : i32
      scf.for %parallel_loop3A_272 = %parallel_loop3A_221 to %parallel_loop3A_222 step %parallel_loop3A_223  : i32 {
        %parallel_loop3A_273 = arith.constant 4096 : i32
        %parallel_loop3A_274 = arith.addi %parallel_loop3A_273, %parallel_loop3A_272 : i32
        %parallel_loop3A_275 = arith.index_cast %parallel_loop3A_274 : i32 to index
        %parallel_loop3A_276 = tpu.vector_load %arg8[%parallel_loop3A_275] {strides = array<i32>} : memref<16384xi32, #tpu.memory_space<vmem>>, vector<16xi32>,
        %parallel_loop3A_277 = tpu.vector_load_idx %arg9[%parallel_loop3A_276] : memref<100000xf32, #tpu.memory_space<vmem>>[vector<16xi32>], vector<16xf32>,
        %parallel_loop3A_278 = arith.index_cast %parallel_loop3A_272 : i32 to index
        %parallel_loop3A_279 = tpu.vector_load %arg11[%parallel_loop3A_278] {strides = array<i32>} : memref<4096xf32, #tpu.memory_space<vmem>>, vector<16xf32>,
        tpu.vector_store %arg11[%parallel_loop3A_278], %parallel_loop3A_277 {strides = array<i32>} : memref<4096xf32, #tpu.memory_space<vmem>>, vector<16xf32>,
      } {sc.loop_unroll_factor = 4 : i64, sc.parallel_access}
      %dma_start3A_224 = arith.constant 4096 : i32
      %dma_start3A_225 = tpu.memref_slice %arg7[%add3A_199, %dma_start3A_224] : memref<64x16384xf32, #tpu.memory_space<hbm>> -> memref<1x4096xf32, #tpu.memory_space<hbm>>
      %dma_start3A_226 = tpu.memref_squeeze %dma_start3A_225 : memref<1x4096xf32, #tpu.memory_space<hbm>> -> memref<4096xf32, #tpu.memory_space<hbm>>
      %dma_start3A_227 = arith.constant 4096 : i32
      %dma_start3A_228 = tpu.memref_slice %arg7[%add3A_199, %dma_start3A_227] : memref<64x16384xf32, #tpu.memory_space<hbm>> -> memref<1x4096xf32, #tpu.memory_space<hbm>>
      %dma_start3A_229 = tpu.memref_squeeze %dma_start3A_228 : memref<1x4096xf32, #tpu.memory_space<hbm>> -> memref<4096xf32, #tpu.memory_space<hbm>>
      tpu.enqueue_dma source(%arg11 : memref<4096xf32, #tpu.memory_space<vmem>>) target(%dma_start3A_229 : memref<4096xf32, #tpu.memory_space<hbm>>) target_semaphore(%arg13 : memref<!tpu.dma_semaphore, #tpu.memory_space<semaphore_mem>>)
      %dma_wait3A_230 = arith.constant 0 : i32
      %dma_wait3A_231 = tpu.memref_slice %arg7[%add3A_199, %dma_wait3A_230] : memref<64x16384xf32, #tpu.memory_space<hbm>> -> memref<1x4096xf32, #tpu.memory_space<hbm>>
      %dma_wait3A_232 = tpu.memref_squeeze %dma_wait3A_231 : memref<1x4096xf32, #tpu.memory_space<hbm>> -> memref<4096xf32, #tpu.memory_space<hbm>>
      %dma_wait3A_233 = arith.constant 0 : i32
      %dma_wait3A_234 = tpu.memref_slice %arg7[%add3A_199, %dma_wait3A_233] : memref<64x16384xf32, #tpu.memory_space<hbm>> -> memref<1x4096xf32, #tpu.memory_space<hbm>>
      %dma_wait3A_235 = tpu.memref_squeeze %dma_wait3A_234 : memref<1x4096xf32, #tpu.memory_space<hbm>> -> memref<4096xf32, #tpu.memory_space<hbm>>
      tpu.wait_dma2 semaphore(%arg12 : memref<!tpu.dma_semaphore, #tpu.memory_space<semaphore_mem>>) src(%arg10 : memref<4096xf32, #tpu.memory_space<vmem>>) dst(%dma_wait3A_235 : memref<4096xf32, #tpu.memory_space<hbm>>)
      %parallel_loop3A_236 = arith.constant 0 : i32
      %parallel_loop3A_237 = arith.constant 4096 : i32
      %parallel_loop3A_238 = arith.constant 16 : i32
      scf.for %parallel_loop3A_272 = %parallel_loop3A_236 to %parallel_loop3A_237 step %parallel_loop3A_238  : i32 {
        %parallel_loop3A_273 = arith.constant 8192 : i32
        %parallel_loop3A_274 = arith.addi %parallel_loop3A_273, %parallel_loop3A_272 : i32
        %parallel_loop3A_275 = arith.index_cast %parallel_loop3A_274 : i32 to index
        %parallel_loop3A_276 = tpu.vector_load %arg8[%parallel_loop3A_275] {strides = array<i32>} : memref<16384xi32, #tpu.memory_space<vmem>>, vector<16xi32>,
        %parallel_loop3A_277 = tpu.vector_load_idx %arg9[%parallel_loop3A_276] : memref<100000xf32, #tpu.memory_space<vmem>>[vector<16xi32>], vector<16xf32>,
        %parallel_loop3A_278 = arith.index_cast %parallel_loop3A_272 : i32 to index
        %parallel_loop3A_279 = tpu.vector_load %arg10[%parallel_loop3A_278] {strides = array<i32>} : memref<4096xf32, #tpu.memory_space<vmem>>, vector<16xf32>,
        tpu.vector_store %arg10[%parallel_loop3A_278], %parallel_loop3A_277 {strides = array<i32>} : memref<4096xf32, #tpu.memory_space<vmem>>, vector<16xf32>,
      } {sc.loop_unroll_factor = 4 : i64, sc.parallel_access}
      %dma_start3A_239 = arith.constant 8192 : i32
      %dma_start3A_240 = tpu.memref_slice %arg7[%add3A_199, %dma_start3A_239] : memref<64x16384xf32, #tpu.memory_space<hbm>> -> memref<1x4096xf32, #tpu.memory_space<hbm>>
      %dma_start3A_241 = tpu.memref_squeeze %dma_start3A_240 : memref<1x4096xf32, #tpu.memory_space<hbm>> -> memref<4096xf32, #tpu.memory_space<hbm>>
      %dma_start3A_242 = arith.constant 8192 : i32
      %dma_start3A_243 = tpu.memref_slice %arg7[%add3A_199, %dma_start3A_242] : memref<64x16384xf32, #tpu.memory_space<hbm>> -> memref<1x4096xf32, #tpu.memory_space<hbm>>
      %dma_start3A_244 = tpu.memref_squeeze %dma_start3A_243 : memref<1x4096xf32, #tpu.memory_space<hbm>> -> memref<4096xf32, #tpu.memory_space<hbm>>
      tpu.enqueue_dma source(%arg10 : memref<4096xf32, #tpu.memory_space<vmem>>) target(%dma_start3A_244 : memref<4096xf32, #tpu.memory_space<hbm>>) target_semaphore(%arg12 : memref<!tpu.dma_semaphore, #tpu.memory_space<semaphore_mem>>)
      %dma_wait3A_245 = arith.constant 4096 : i32
      %dma_wait3A_246 = tpu.memref_slice %arg7[%add3A_199, %dma_wait3A_245] : memref<64x16384xf32, #tpu.memory_space<hbm>> -> memref<1x4096xf32, #tpu.memory_space<hbm>>
      %dma_wait3A_247 = tpu.memref_squeeze %dma_wait3A_246 : memref<1x4096xf32, #tpu.memory_space<hbm>> -> memref<4096xf32, #tpu.memory_space<hbm>>
      %dma_wait3A_248 = arith.constant 4096 : i32
      %dma_wait3A_249 = tpu.memref_slice %arg7[%add3A_199, %dma_wait3A_248] : memref<64x16384xf32, #tpu.memory_space<hbm>> -> memref<1x4096xf32, #tpu.memory_space<hbm>>
      %dma_wait3A_250 = tpu.memref_squeeze %dma_wait3A_249 : memref<1x4096xf32, #tpu.memory_space<hbm>> -> memref<4096xf32, #tpu.memory_space<hbm>>
      tpu.wait_dma2 semaphore(%arg13 : memref<!tpu.dma_semaphore, #tpu.memory_space<semaphore_mem>>) src(%arg11 : memref<4096xf32, #tpu.memory_space<vmem>>) dst(%dma_wait3A_250 : memref<4096xf32, #tpu.memory_space<hbm>>)
      %parallel_loop3A_251 = arith.constant 0 : i32
      %parallel_loop3A_252 = arith.constant 4096 : i32
      %parallel_loop3A_253 = arith.constant 16 : i32
      scf.for %parallel_loop3A_272 = %parallel_loop3A_251 to %parallel_loop3A_252 step %parallel_loop3A_253  : i32 {
        %parallel_loop3A_273 = arith.constant 12288 : i32
        %parallel_loop3A_274 = arith.addi %parallel_loop3A_273, %parallel_loop3A_272 : i32
        %parallel_loop3A_275 = arith.index_cast %parallel_loop3A_274 : i32 to index
        %parallel_loop3A_276 = tpu.vector_load %arg8[%parallel_loop3A_275] {strides = array<i32>} : memref<16384xi32, #tpu.memory_space<vmem>>, vector<16xi32>,
        %parallel_loop3A_277 = tpu.vector_load_idx %arg9[%parallel_loop3A_276] : memref<100000xf32, #tpu.memory_space<vmem>>[vector<16xi32>], vector<16xf32>,
        %parallel_loop3A_278 = arith.index_cast %parallel_loop3A_272 : i32 to index
        %parallel_loop3A_279 = tpu.vector_load %arg11[%parallel_loop3A_278] {strides = array<i32>} : memref<4096xf32, #tpu.memory_space<vmem>>, vector<16xf32>,
        tpu.vector_store %arg11[%parallel_loop3A_278], %parallel_loop3A_277 {strides = array<i32>} : memref<4096xf32, #tpu.memory_space<vmem>>, vector<16xf32>,
      } {sc.loop_unroll_factor = 4 : i64, sc.parallel_access}
      %dma_start3A_254 = arith.constant 12288 : i32
      %dma_start3A_255 = tpu.memref_slice %arg7[%add3A_199, %dma_start3A_254] : memref<64x16384xf32, #tpu.memory_space<hbm>> -> memref<1x4096xf32, #tpu.memory_space<hbm>>
      %dma_start3A_256 = tpu.memref_squeeze %dma_start3A_255 : memref<1x4096xf32, #tpu.memory_space<hbm>> -> memref<4096xf32, #tpu.memory_space<hbm>>
      %dma_start3A_257 = arith.constant 12288 : i32
      %dma_start3A_258 = tpu.memref_slice %arg7[%add3A_199, %dma_start3A_257] : memref<64x16384xf32, #tpu.memory_space<hbm>> -> memref<1x4096xf32, #tpu.memory_space<hbm>>
      %dma_start3A_259 = tpu.memref_squeeze %dma_start3A_258 : memref<1x4096xf32, #tpu.memory_space<hbm>> -> memref<4096xf32, #tpu.memory_space<hbm>>
      tpu.enqueue_dma source(%arg11 : memref<4096xf32, #tpu.memory_space<vmem>>) target(%dma_start3A_259 : memref<4096xf32, #tpu.memory_space<hbm>>) target_semaphore(%arg13 : memref<!tpu.dma_semaphore, #tpu.memory_space<semaphore_mem>>)
      %dma_wait3A_260 = arith.constant 8192 : i32
      %dma_wait3A_261 = tpu.memref_slice %arg7[%add3A_199, %dma_wait3A_260] : memref<64x16384xf32, #tpu.memory_space<hbm>> -> memref<1x4096xf32, #tpu.memory_space<hbm>>
      %dma_wait3A_262 = tpu.memref_squeeze %dma_wait3A_261 : memref<1x4096xf32, #tpu.memory_space<hbm>> -> memref<4096xf32, #tpu.memory_space<hbm>>
      %dma_wait3A_263 = arith.constant 8192 : i32
      %dma_wait3A_264 = tpu.memref_slice %arg7[%add3A_199, %dma_wait3A_263] : memref<64x16384xf32, #tpu.memory_space<hbm>> -> memref<1x4096xf32, #tpu.memory_space<hbm>>
      %dma_wait3A_265 = tpu.memref_squeeze %dma_wait3A_264 : memref<1x4096xf32, #tpu.memory_space<hbm>> -> memref<4096xf32, #tpu.memory_space<hbm>>
      tpu.wait_dma2 semaphore(%arg12 : memref<!tpu.dma_semaphore, #tpu.memory_space<semaphore_mem>>) src(%arg10 : memref<4096xf32, #tpu.memory_space<vmem>>) dst(%dma_wait3A_265 : memref<4096xf32, #tpu.memory_space<hbm>>)
      %dma_wait3A_266 = arith.constant 12288 : i32
      %dma_wait3A_267 = tpu.memref_slice %arg7[%add3A_199, %dma_wait3A_266] : memref<64x16384xf32, #tpu.memory_space<hbm>> -> memref<1x4096xf32, #tpu.memory_space<hbm>>
      %dma_wait3A_268 = tpu.memref_squeeze %dma_wait3A_267 : memref<1x4096xf32, #tpu.memory_space<hbm>> -> memref<4096xf32, #tpu.memory_space<hbm>>
      %dma_wait3A_269 = arith.constant 12288 : i32
      %dma_wait3A_270 = tpu.memref_slice %arg7[%add3A_199, %dma_wait3A_269] : memref<64x16384xf32, #tpu.memory_space<hbm>> -> memref<1x4096xf32, #tpu.memory_space<hbm>>
      %dma_wait3A_271 = tpu.memref_squeeze %dma_wait3A_270 : memref<1x4096xf32, #tpu.memory_space<hbm>> -> memref<4096xf32, #tpu.memory_space<hbm>>
      tpu.wait_dma2 semaphore(%arg13 : memref<!tpu.dma_semaphore, #tpu.memory_space<semaphore_mem>>) src(%arg11 : memref<4096xf32, #tpu.memory_space<vmem>>) dst(%dma_wait3A_271 : memref<4096xf32, #tpu.memory_space<hbm>>)
    } else {
    }
    return
  }
}

</mosaic_0001>

<sc_bundles>
// kernel: kernel.3.cloned.1.call-start
scs
__scs_entry_jumppad:
0x0: {  	(pc) =	sbr.rel $0x88, $3  }
0x1: {  	(tag) =	ssettag $0x0;
	lr =	simm.s32 $0x1  }
0x2: {  	[smem:$0x3F9D] =	sst lr;
	_ =	strace $0xD0000000  }
0x3: {  	_ = 	snop  }
0x4: {  	_ = 	snop  }
0x5: {  	_ = 	snop  }
0x6: {  	_ = 	snop  }
0x7: {  	_ = 	snop  }
__scs_overlays_trampoline_lowered:
0x8: {  	[smem:$0x3FAC] =	sst s0  }
0x9: {  	[smem:$0x3FAD] =	sst s1  }
0xa: {  	[smem:$0x3FAE] =	sst s2  }
0xb: {  	[smem:$0x3FAF] =	sst s3  }
0xc: {  	[smem:$0x3FB0] =	sst s4  }
0xd: {  	[smem:$0x3FB1] =	sst s5  }
0xe: {  	[smem:$0x3FB2] =	sst s6  }
0xf: {  	[smem:$0x3FB3] =	sst s7  }
0x10: {  	[smem:$0x3FB4] =	sst s8  }
0x11: {  	[smem:$0x3FB5] =	sst s9;
	s0 =	simm.s32 @!p0 $0x0  }
0x12: {  	s1 =	sld [smem:$0x3F9B];
	s0 =	simm.s32 @p0 $0x1  }
0x13: {  	[smem:$0x3FB6] =	sst s0;
	s0 =	simm.s32 @!p1 $0x0  }
0x14: {  	s2 =	sld [smem:$0x3F9A];
	s0 =	simm.s32 @p1 $0x1  }
0x15: {  	[smem:$0x3FB7] =	sst s0;
	s0 =	simm.s32 @!p2 $0x0  }
0x16: {  	s3 =	sld [smem:$0x3FDB];
	s0 =	simm.s32 @p2 $0x1  }
0x17: {  	s4 =	simm.s32 $0x1BF5;
	[smem:$0x3FB9] =	sst s0  }
0x18: {  	s0 =	sld [smem:$0x3F9C];
	_ =	swait.ge [sflag:s4], $0x0  }
0x19: {  	s7 =	sld [smem:$0x3F9D]  }
0x1a: {  	s8 =	sadd.s32 $0xFFFFE003, lr  }
0x1b: {  	s9 =	sadd.s32 $0xFFFFFEF7, lr;
	s5 =	simm.s32 $0xFFFFFFFF;
	p2 =	slt.u32 s8, $0xFFFFF086  }
0x1c: {  	p1 =	slt.u32 s9, $0xF7A;
	s5 =	simm.s32 @!p2 $0x0  }
0x1d: {  	s5 =	simm.s32 @p1 $0x1;
	p0 =	seq.s32 s7, s2  }
0x1e: {  	s7 =	smul.u32 @!p0 $0xF7A, s2;
	p2 =	seq.s32 @!p0 s5, $0x0  }
0x1f: {  	s9 =	smul.u32 $0xF7A, s1;
	s8 =	simm.s32 @!p0 $0x1BF5;
	p2 =	por !p2, p0  }
0x20: {  	[sflag:s8] =	ssyncset.s32 @!p0 $0xFFFFF086;
	s6 =	sadd.s32 @!p0 s3, s7;
	s7 =	simm.s32 @!p0 $0x108  }
0x21: {  	s3 =	sadd.s32 s3, s9;
	s6 =	sadd.s32 @!p0 $0x88, s6;
	s7 =	simm.s32 @p2 $0x1082  }
0x22: {  	[simem:s7], [sflag:s8] =	dma.local @!p0 [hbm:s6], $0xF7A  }
0x23: {  	s9 =	sor.u32 $0xD0000000, s2;
	s6 =	simm.s32 $0x108;
	_ =	swait.ge @!p0 [sflag:s8], $0x0  }
0x24: {  	s3 =	sadd.s32 $0x88, s3;
	s6 =	simm.s32 @!p1 $0x1082;
	[sflag:s4] =	ssyncset.s32 $0xFFFFF086  }
0x25: {  	[simem:s6], [sflag:s4] =	dma.local [hbm:s3], $0xF7A  }
0x26: {  	[smem:$0x3F9D] =	sst s1;
	(tag) =	ssettag s2;
	_ =	strace s9  }
0x27: {  	s1 =	sld [smem:$0x3FAD]  }
0x28: {  	s2 =	sld [smem:$0x3FAE]  }
0x29: {  	s4 =	sld [smem:$0x3FB0]  }
0x2a: {  	p0 =	seq.s32 s5, $0x0;
	s5 =	sld [smem:$0x3FB1]  }
0x2b: {  	s6 =	sld [smem:$0x3FB2]  }
0x2c: {  	s7 =	sld [smem:$0x3FB3]  }
0x2d: {  	s3 =	simm.s32 $0x108;
	s8 =	sld [smem:$0x3FB4]  }
0x2e: {  	s3 =	simm.s32 @!p0 $0x1082;
	s9 =	sld [smem:$0x3FB5]  }
0x2f: {  	lr =	sadd.s32 s0, s3;
	s0 =	sld [smem:$0x3FAC]  }
0x30: {  	s3 =	sld [smem:$0x3FAF]  }
0x31: {  	[smem:$0x3FB8] =	sst s10  }
0x32: {  	s10 =	sld [smem:$0x3FB6];
	_ =	sdelay $0x3  }
0x33: {  	p0 =	seq.s32 s10, $0x1;
	s10 =	sld [smem:$0x3FB8];
	_ =	sdelay $0x3  }
0x34: {  	[smem:$0x3FB8] =	sst s10  }
0x35: {  	s10 =	sld [smem:$0x3FB7];
	_ =	sdelay $0x3  }
0x36: {  	p1 =	seq.s32 s10, $0x1;
	s10 =	sld [smem:$0x3FB8];
	_ =	sdelay $0x3  }
0x37: {  	[smem:$0x3FB8] =	sst s10  }
0x38: {  	s10 =	sld [smem:$0x3FB9]  }
0x39: {  	_ = 	snop;
	(pc) =	sbr.ind lr, $3  }
0x3a: {  	_ = 	snop  }
0x3b: {  	_ = 	snop  }
0x3c: {  	p2 =	seq.s32 s10, $0x1;
	s10 =	sld [smem:$0x3FB8]  }
0x3d: {  	_ =	shalt  }
0x3e: {  	_ =	shalt  }
0x3f: {  	_ =	shalt  }
0x40: {  	_ =	shalt  }
0x41: {  	_ =	shalt  }
0x42: {  	_ =	shalt  }
0x43: {  	_ =	shalt  }
0x44: {  	_ =	shalt  }
0x45: {  	_ =	shalt  }
0x46: {  	_ =	shalt  }
0x47: {  	_ =	shalt  }
0x48: {  	_ =	shalt  }
0x49: {  	_ =	shalt  }
0x4a: {  	_ =	shalt  }
0x4b: {  	_ =	shalt  }
0x4c: {  	_ =	shalt  }
0x4d: {  	_ =	shalt  }
0x4e: {  	_ =	shalt  }
0x4f: {  	_ =	shalt  }
0x50: {  	_ =	shalt  }
0x51: {  	_ =	shalt  }
0x52: {  	_ =	shalt  }
0x53: {  	_ =	shalt  }
0x54: {  	_ =	shalt  }
0x55: {  	_ =	shalt  }
0x56: {  	_ =	shalt  }
0x57: {  	_ =	shalt  }
0x58: {  	_ =	shalt  }
0x59: {  	_ =	shalt  }
0x5a: {  	_ =	shalt  }
0x5b: {  	_ =	shalt  }
0x5c: {  	_ =	shalt  }
0x5d: {  	_ =	shalt  }
0x5e: {  	_ =	shalt  }
0x5f: {  	_ =	shalt  }
0x60: {  	_ =	shalt  }
0x61: {  	_ =	shalt  }
0x62: {  	_ =	shalt  }
0x63: {  	_ =	shalt  }
0x64: {  	_ =	shalt  }
0x65: {  	_ =	shalt  }
0x66: {  	_ =	shalt  }
0x67: {  	_ =	shalt  }
0x68: {  	_ =	shalt  }
0x69: {  	_ =	shalt  }
0x6a: {  	_ =	shalt  }
0x6b: {  	_ =	shalt  }
0x6c: {  	_ =	shalt  }
0x6d: {  	_ =	shalt  }
0x6e: {  	_ =	shalt  }
0x6f: {  	_ =	shalt  }
0x70: {  	_ =	shalt  }
0x71: {  	_ =	shalt  }
0x72: {  	_ =	shalt  }
0x73: {  	_ =	shalt  }
0x74: {  	_ =	shalt  }
0x75: {  	_ =	shalt  }
0x76: {  	_ =	shalt  }
0x77: {  	_ =	shalt  }
0x78: {  	_ =	shalt  }
0x79: {  	_ =	shalt  }
0x7a: {  	_ =	shalt  }
0x7b: {  	_ =	shalt  }
0x7c: {  	_ =	shalt  }
0x7d: {  	_ =	shalt  }
0x7e: {  	_ =	shalt  }
0x7f: {  	_ =	shalt  }
0x80: {  	_ =	shalt  }
0x81: {  	_ =	shalt  }
0x82: {  	_ =	shalt  }
0x83: {  	_ =	shalt  }
0x84: {  	_ =	shalt  }
0x85: {  	_ =	shalt  }
0x86: {  	_ =	shalt  }
0x87: {  	_ =	shalt  }
.Lfunc_end0:
.L_simem_size_0:
called_computation_lowered:
.L_overlay_start_0:
0x88: {  	s2 =	sld [smem:$0x3FD9]  }
0x89: {  	s3 =	sld [smem:$0x3FFE];
	_ =	sdelay $0x1  }
0x8a: {  	s1 =	srdreg.scid  }
0x8b: {  	s0 =	sand.u32 $0x1, s1  }
0x8c: {  	s15 =	sshll.u32 s0, $0xA;
	s2 =	sadd.s32 s3, s2  }
0x8d: {  	s2 =	sadd.s32 s2, s15  }
0x8e: {  	[smem:$0x3FC4] =	sst s2  }
0x8f: {  	_ = 	snop  }
0x90: {  	s2 =	sld [smem:$0x3FC9]  }
0x91: {  	s16 =	sld [smem:$0x3FD0]  }
0x92: {  	s4 =	sld [smem:$0x3FC8]  }
0x93: {  	s5 =	sld [smem:$0x3FC7]  }
0x94: {  	s7 =	simm.s32 $0xA;
	s8 =	simm.s32 $0x10;
	s6 =	sld [smem:$0x3FC6]  }
0x95: {  	[smem:s8], [sflag:s7] =	dma.local [hbm:s16], $0x1  }
0x96: {  	_ =	swait.eq [sflag:s7], $0x1  }
0x97: {  	[sflag:s7] =	ssyncset.done $0x0  }
0x98: {  	s17 =	sld [smem:$0x10];
	[sflag:s7] =	ssyncadd.s32 $0xFFFFFFFF  }
0x99: {  	s18 =	sld [smem:$0x11];
	(tm) =	ssettm $0x1  }
0x9a: {  	s19 =	sld [smem:$0x3FFB];
	_ =	sdelay $0x3  }
0x9b: {  	_ =	strace s19  }
0x9c: {  	s8 =	sld [smem:$0x3FFC];
	_ =	sdelay $0x3  }
0x9d: {  	_ =	strace s8  }
0x9e: {  	s8 =	sld [smem:$0x3FFD];
	_ =	sdelay $0x3  }
0x9f: {  	_ =	strace s8  }
0xa0: {  	_ =	strace $0x8FFFFFFF  }
0xa1: {  	s20 =	sld [smem:$0x3FDB];
	_ =	sdelay $0x1  }
0xa2: {  	s9 =	simm.s32 $_scs_section_size  }
0xa3: {  	s10 =	simm.s32 $_size__tile_overlayer_lowered;
	s11 =	simm.s32 $_tile_overlayer_lowered  }
0xa4: {  	s23 =	simm.s32 $0x1BFF;
	s22 =	sshll.u32 s11, $0x1;
	s8 =	sadd.s32 s9, s20  }
0xa5: {  	s12 =	simm.s32 $0x0;
	s21 =	sshll.u32 s10, $0x1;
	s10 =	sadd.s32 s22, s8  }
0xa6: {  	[timem:s12], [sflag:s23] =	dma.local [hbm:s10], s21  }
0xa7: {  	_ =	swait.ge [sflag:s23], s21  }
0xa8: {  	s9 =	ssub.s32 $0x0, s21;
	[sflag:s23] =	ssyncset.done $0x0  }
0xa9: {  	[sflag:s23] =	ssyncadd.s32 s9;
	_ =	sdelay $0x1  }
0xaa: {  	s24 =	simm.s32 $0x1B8B  }
0xab: {  	_ =	swait.ge [sflag:s24], $0x1  }
0xac: {  	[sflag:s24] =	ssyncset.done $0x0  }
0xad: {  	s25 =	simm.s32 $0x1B8E;
	[sflag:s24] =	ssyncadd.s32 $0xFFFFFFFF  }
0xae: {  	s26 =	simm.s32 $execute0_lowered;
	[smem:$0x3FD2] =	sst s25  }
0xaf: {  	s9 =	sshll.u32 s26, $0x1;
	_ =	strace $0x80000046;
	[dreg:$0x1] =	wrdreg $0xFFFFFFFF  }
0xb0: {  	s28 =	simm.s32 $_size_execute0_lowered;
	s8 =	sadd.s32 s8, s9;
	[dreg:$0x0] =	wrdreg $0x0  }
0xb1: {  	s9 =	sshll.u32 s28, $0x1;
	[dreg:$0x2] =	wrdreg s8  }
0xb2: {  	[dreg:$0x3] =	wrdreg s9  }
0xb3: {  	[dreg:$0x4] =	wrdreg $0xC0  }
0xb4: {  	_ =	task [dreg:s12], $0x5FFFF  }
0xb5: {  	[dreg:$0x1] =	wrdreg $0xFFFFFFFF  }
0xb6: {  	[dreg:$0x0] =	wrdreg $0x60  }
0xb7: {  	[dreg:$0x2] =	wrdreg s2  }
0xb8: {  	[dreg:$0x3] =	wrdreg s4  }
0xb9: {  	[dreg:$0x4] =	wrdreg s5  }
0xba: {  	[dreg:$0x5] =	wrdreg s6  }
0xbb: {  	[dreg:$0x6] =	wrdreg s17  }
0xbc: {  	[dreg:$0x7] =	wrdreg s18  }
0xbd: {  	[dreg:$0x8] =	wrdreg $0x9  }
0xbe: {  	_ =	task.clear_ibuf [dreg:s12], $0x9FFFF;
	_ =	strace $0x90000046  }
0xbf: {  	s29 =	simm.s32 $0x9;
	_ =	strace $0x80000048  }
0xc0: {  	_ =	swait.ge [sflag:s29], $0x1  }
0xc1: {  	[sflag:s29] =	ssyncadd.s32 $0xFFFFFFFF  }
0xc2: {  	_ =	strace $0x90000048  }
0xc3: {  	_ =	sfence  }
0xc4: {  	s30 =	sld [smem:$0x0];
	_ =	sdelay $0x2  }
0xc5: {  	s31 =	sshll.u32 s1, $0xD;
	s1 =	sshrl.u32 s1, $0x2  }
0xc6: {  	s3 =	sand.u32 $0x4000, s31;
	s1 =	sadd.s32 s1, s30  }
0xc7: {  	s0 =	sor.u32 s3, s0;
	s1 =	sshll.u32 s1, $0x11  }
0xc8: {  	s0 =	sor.u32 s1, s0  }
0xc9: {  	s0 =	sadd.s32 $0x8F2B, s0  }
0xca: {  	[sflag:s0] =	ssyncadd.remote.s32 $0x1  }
0xcb: {  	_ =	sfence.sel $0xFFFF  }
0xcc: {  	[dreg:$0x0] =	wrdreg $0xFFFFFFFF;
	(pc) =	sbr.abs _section_cstart, $3  }
0xcd: {  	[dreg:$0x1] =	wrdreg $0xFFFFFFFF  }
0xce: {  	_ =	task.clear_ibuf [dreg:s12], $0x2FFFF;
	_ =	strace $0x9FFFFFFF  }
0xcf: {  	(tm) =	ssettm $0x7FFFFFFF  }
tec
execute0_lowered:
.L_overlay_start_1:
0x0: {  	(tag) =	ssettag $0x1  }
0x1: {  	s0 =	rddreg [dreg:$0x0]  }
0x2: {  	s1 =	rddreg [dreg:$0x1]  }
0x3: {  	s2 =	rddreg [dreg:$0x4]  }
0x4: {  	s13 =	rddreg [dreg:$0x5]  }
0x5: {  	s4 =	simm.s32 $0x0;
	s3 =	srdreg.scid;
	s6 =	stileid.u32  }
0x6: {  	s28 =	simm.s32 $0x5;
	s29 =	simm.s32 $0x0;
	[smem:$0x7FF] =	sst s4  }
0x7: {  	s3 =	sand.u32 $0x1, s3;
	s15 =	sshrl.u32 s6, $0x1;
	s6 =	sshll.u32 s6, $0x9  }
0x8: {  	s10 =	sadd.s32 $0x1000, s2;
	s12 =	sadd.s32 $0x2000, s2;
	s31 =	sadd.s32 $0x3000, s13  }
0x9: {  	s5 =	ssub.s32 $0x2, s3;
	s8 =	smul.u32 $0xC3800, s15;
	_ =	strace $0x80000047  }
0xa: {  	s6 =	sand.u32 $0x200, s6;
	s4 =	sshll.u32 s15, $0x11;
	p0 =	seq.s32 s3, $0x1  }
0xb: {  	s7 =	sshrl.u32 s5, $0x1;
	s19 =	sor.u32 s6, s4;
	s9 =	sor.u32 $0x80, s6  }
0xc: {  	s22 =	sor.u32 $0x100, s6;
	s16 =	ssub.s32 s5, s7;
	s17 =	sor.u32 s6, s8  }
0xd: {  	s5 =	sshrl.u32 s19, $0x3;
	s11 =	sor.u32 s8, s9;
	s7 =	sadd.s32 $0x3000, s2  }
0xe: {  	s9 =	sor.u32 s4, s9;
	s15 =	sor.u32 s8, s22;
	s6 =	sor.u32 $0x180, s6  }
0xf: {  	s18 =	sshrl.u32 s17, $0x3;
	s21 =	sadd.s32 s2, s5;
	s11 =	sshrl.u32 s11, $0x3  }
0x10: {  	s9 =	sshrl.u32 s9, $0x3;
	s20 =	sadd.s32 s0, s18;
	[dreg:$0x8] =	wrdreg s21  }
0x11: {  	s15 =	sshrl.u32 s15, $0x3;
	s14 =	sadd.s32 s0, s11;
	[dreg:$0x7] =	wrdreg s20  }
0x12: {  	s8 =	sor.u32 s8, s6;
	s17 =	sadd.s32 s2, s9;
	[dreg:$0x9] =	wrdreg s14  }
0x13: {  	s16 =	smax.u32 s16, $0x1;
	s23 =	sadd.s32 s0, s15;
	[dreg:$0xa] =	wrdreg s17  }
0x14: {  	s8 =	sshrl.u32 s8, $0x3;
	s24 =	sadd.s32 s1, s18;
	[dreg:$0xb] =	wrdreg s23  }
0x15: {  	s25 =	sadd.s32 s1, s11;
	s26 =	sadd.s32 s1, s15;
	[dreg:$0xd] =	wrdreg s24  }
0x16: {  	s11 =	sadd.s32 s5, s12;
	s15 =	sadd.s32 s9, s12;
	[dreg:$0xe] =	wrdreg s25  }
0x17: {  	s21 =	sadd.s32 s13, s5;
	s14 =	sor.u32 s4, s22;
	[dreg:$0xf] =	wrdreg s26  }
0x18: {  	s4 =	sor.u32 s4, s6;
	s0 =	sadd.s32 s0, s8;
	[dreg:$0x17] =	wrdreg s11  }
0x19: {  	s30 =	sadd.s32 s1, s8;
	s6 =	sadd.s32 s9, s10;
	[dreg:$0x18] =	wrdreg s15  }
0x1a: {  	s20 =	sadd.s32 s5, s7;
	[dreg:$0x1c] =	wrdreg s21;
	s22 =	sadd.s32 $0x1000, s13  }
0x1b: {  	s24 =	sadd.s32 $0x2000, s13;
	s26 =	sadd.s32 s5, s31;
	[dreg:$0xc] =	wrdreg s0  }
0x1c: {  	s21 =	simm.s32 $0x3;
	s14 =	sshrl.u32 s14, $0x3;
	[dreg:$0x10] =	wrdreg s30  }
0x1d: {  	s17 =	sshrl.u32 s4, $0x3;
	s4 =	sadd.s32 s5, s10;
	[dreg:$0x14] =	wrdreg s6  }
0x1e: {  	[dreg:$0x1b] =	wrdreg s20;
	s23 =	sadd.s32 s5, s22;
	s25 =	sadd.s32 s5, s24  }
0x1f: {  	[dreg:$0x1f] =	wrdreg s26;
	s30 =	sadd.s32 s9, s7;
	s5 =	sadd.s32 s9, s24  }
0x20: {  	s6 =	sadd.s32 s9, s31;
	s20 =	simm.s32 $0x4000;
	[dreg:$0x13] =	wrdreg s4  }
0x21: {  	s26 =	simm.s32 $0x2;
	s1 =	sadd.s32 s2, s14;
	[dreg:$0x1d] =	wrdreg s23  }
0x22: {  	s3 =	sadd.s32 s2, s17;
	s8 =	sadd.s32 s14, s10;
	[dreg:$0x1e] =	wrdreg s25  }
0x23: {  	s10 =	sadd.s32 s17, s10;
	s18 =	sadd.s32 s14, s12;
	[smem:$0x7FD] =	sst s30  }
0x24: {  	s19 =	sadd.s32 s17, s12;
	s2 =	sadd.s32 s13, s9;
	[dreg:$0x11] =	wrdreg s1  }
0x25: {  	s4 =	sadd.s32 s9, s22;
	s9 =	sadd.s32 s13, s14;
	[dreg:$0x12] =	wrdreg s3  }
0x26: {  	s11 =	sadd.s32 s14, s24;
	s12 =	sadd.s32 s14, s31;
	[dreg:$0x15] =	wrdreg s8  }
.Ltmp0:
0x27: {  	s13 =	sadd.s32 s13, s17;
	[dreg:$0x16] =	wrdreg s10;
	(pc) =	sbr.rel .LBB2_1-.Ltmp0, $4  }
0x28: {  	s15 =	sadd.s32 s17, s24;
	s23 =	simm.s32 $0x1C700;
	[dreg:$0x19] =	wrdreg s18  }
0x29: {  	s24 =	simm.s32 $0x1D700;
	s25 =	simm.s32 $0x1;
	[dreg:$0x1a] =	wrdreg s19  }
0x2a: {  	s8 =	sadd.s32 s14, s7;
	s10 =	sadd.s32 s14, s22;
	s14 =	sadd.s32 s17, s22  }
0x2b: {  	s18 =	simm.s32 $0x80;
	s19 =	simm.s32 $0x400;
	s22 =	simm.s32 $0x4  }
.LBB2_67:
0x2c: {  	_ =	sdelay $0x3  }
0x2d: {  	v5 =	vld.idx.msk [tilespmem:v5+s20+$0x0], $0xffff  }
0x2e: {  	[tilespmem:s30+$0xFFFFFFE0] =	vst v7;
	v4 =	vld.idx.msk [tilespmem:v4+s20+$0x0], $0xffff  }
0x2f: {  	[tilespmem:s30+$0xFFFFFFF0] =	vst v1;
	v0 =	vld.idx.msk [tilespmem:v0+s20+$0x0], $0xffff  }
0x30: {  	[tilespmem:s30+$0x0] =	vst v6;
	v63 =	vld.idx.msk [tilespmem:v2+s20+$0x0], $0xffff  }
0x31: {  	[tilespmem:s30+$0x10] =	vst v3;
	s0 =	sadd.s32 $0x40, s30  }
0x32: {  	[tilespmem:s0+$0xFFFFFFE0] =	vst v5  }
0x33: {  	[tilespmem:s0+$0xFFFFFFF0] =	vst v4  }
0x34: {  	[tilespmem:s0+$0x0] =	vst v0  }
0x35: {  	[tilespmem:s0+$0x10] =	vst v63;
	s0 =	smov.u32 s31  }
.LBB2_68:
0x36: {  	s0 =	sadd.s32 s17, s0;
	s29 =	sadd.s32 $0x1, s29  }
0x37: {  	[hbm4b:s0+s18] =	stream.strided.scatter [tilespmem:s24], [sflag:$0x2], $0x1000, s19, s18, $0x38;
	[tilespmem:$0x1E700] =	vst v63  }
0x38: {  	p1 =	sne.s32 s29, s16;
	_ =	swait.ge [sflag:s25], $0x1000  }
.Ltmp1:
0x39: {  	[sflag:s25] =	ssyncset.done $0x0;
	(pc) =	sbr.rel @!p1 .LBB2_69-.Ltmp1, $4  }
0x3a: {  	[sflag:s25] =	ssyncadd.s32 $0xFFFFF000  }
0x3b: {  	_ =	swait.ge [sflag:s26], $0x1000  }
0x3c: {  	[sflag:s26] =	ssyncset.done $0x0  }
0x3d: {  	[sflag:s26] =	ssyncadd.s32 $0xFFFFF000  }
.LBB2_1:
.Ltmp2:
0x3e: {  	(pc) =	sbr.rel @!p0 .LBB2_2-.Ltmp2, $1  }
0x3f: {  	_ =	sdelay $0x3  }
0x40: {  	s0 =	rddreg [dreg:$0x3];
	s1 =	simm.s32 $0x0  }
0x41: {  	[tilespmem:s1], [sflag:$0x3] =	stream.linear.gather [hbm4b:s0+s1], $0x4000, $0x38;
	[tilespmem:$0x1E700] =	vst v63  }
0x42: {  	s3 =	rddreg [dreg:$0xd]  }
0x43: {  	[tilespmem:s20], [sflag:$0x4] =	stream.strided.gather [hbm4b:s3+s18], $0x18700, s19, s18, $0x38;
	[tilespmem:$0x1E700] =	vst v63  }
0x44: {  	_ =	swait.ge [sflag:s21], $0x4000  }
0x45: {  	[sflag:s21] =	ssyncset.done $0x0  }
0x46: {  	[sflag:s21] =	ssyncadd.s32 $0xFFFFC000  }
0x47: {  	_ =	swait.ge [sflag:s22], $0x18700  }
0x48: {  	[sflag:s22] =	ssyncset.done $0x0  }
0x49: {  	s1 =	simm.s32 $0x20;
	[sflag:s22] =	ssyncadd.s32 $0xFFFE7900  }
0x4a: {  	v0 =	vld [tilespmem:s1+$0x10];
	_ =	sdelay $0x1  }
0x4b: {  	v2 =	vld [tilespmem:s1+$0xFFFFFFE0]  }
0x4c: {  	v3 =	vld [tilespmem:s1+$0xFFFFFFF0]  }
0x4d: {  	s3 =	simm.s32 $0x60;
	v4 =	vld [tilespmem:s1+$0x0]  }
0x4e: {  	v7 =	vld [tilespmem:s3+$0x10]  }
0x4f: {  	v1 =	vld [tilespmem:s3+$0xFFFFFFF0]  }
0x50: {  	v6 =	vld [tilespmem:s3+$0xFFFFFFE0]  }
0x51: {  	v8 =	vld.idx.msk [tilespmem:v0+s20+$0x0], $0xffff  }
0x52: {  	v0 =	vld [tilespmem:s3+$0x0]  }
0x53: {  	v5 =	vld.idx.msk [tilespmem:v2+s20+$0x0], $0xffff  }
0x54: {  	v2 =	vld.idx.msk [tilespmem:v3+s20+$0x0], $0xffff  }
0x55: {  	s30 =	simm.s32 $0x1C720;
	v3 =	vld.idx.msk [tilespmem:v4+s20+$0x0], $0xffff  }
0x56: {  	s0 =	simm.s32 $0x40;
	v4 =	vld.idx.msk [tilespmem:v7+s20+$0x0], $0xffff;
	s3 =	simm.s32 $0xA0;
	[tilespmem:s30+$0x10] =	vst v8  }
.LBB2_36:
0x57: {  	v7 =	vld [tilespmem:s3+$0x10];
	s0 =	sadd.s32 $0x40, s0  }
0x58: {  	v8 =	vld [tilespmem:s3+$0xFFFFFFF0];
	p1 =	slt.u32 s0, $0xFC0;
	[tilespmem:s30+$0xFFFFFFE0] =	vst v5  }
0x59: {  	v9 =	vld [tilespmem:s3+$0x0];
	[tilespmem:s30+$0xFFFFFFF0] =	vst v2  }
0x5a: {  	v10 =	vld [tilespmem:s3+$0xFFFFFFE0];
	[tilespmem:s30+$0x0] =	vst v3  }
.Ltmp3:
0x5b: {  	s30 =	sadd.s32 $0x40, s30;
	v5 =	vld.idx.msk [tilespmem:v6+s20+$0x0], $0xffff;
	(pc) =	sbr.rel @p1 .LBB2_36-.Ltmp3, $4  }
0x5c: {  	v2 =	vld.idx.msk [tilespmem:v1+s20+$0x0], $0xffff;
	[tilespmem:s30+$0x10] =	vst v4  }
0x5d: {  	v3 =	vld.idx.msk [tilespmem:v0+s20+$0x0], $0xffff;
	v1 =	vmov v8  }
0x5e: {  	v0 =	vmov v9  }
0x5f: {  	s3 =	sadd.s32 $0x40, s3;
	v4 =	vld.idx.msk [tilespmem:v7+s20+$0x0], $0xffff;
	v6 =	vmov v10  }
0x60: {  	_ =	sdelay $0x3  }
0x61: {  	v6 =	vld.idx.msk [tilespmem:v6+s20+$0x0], $0xffff  }
0x62: {  	[tilespmem:s30+$0xFFFFFFE0] =	vst v5;
	v1 =	vld.idx.msk [tilespmem:v1+s20+$0x0], $0xffff  }
0x63: {  	v0 =	vld.idx.msk [tilespmem:v0+s20+$0x0], $0xffff;
	[tilespmem:s30+$0xFFFFFFF0] =	vst v2  }
0x64: {  	s0 =	sadd.s32 $0x40, s30;
	[tilespmem:s30+$0x0] =	vst v3  }
0x65: {  	[tilespmem:s0+$0x10] =	vst v4  }
0x66: {  	[tilespmem:s0+$0xFFFFFFE0] =	vst v6  }
0x67: {  	[tilespmem:s0+$0xFFFFFFF0] =	vst v1  }
0x68: {  	[tilespmem:s0+$0x0] =	vst v0  }
0x69: {  	s3 =	simm.s32 $0x1030;
	s1 =	simm.s32 $0x0;
	s0 =	rddreg [dreg:$0x1c]  }
0x6a: {  	[hbm4b:s0+s18] =	stream.strided.scatter [tilespmem:s23], [sflag:$0x1], $0x1000, s19, s18, $0x38;
	[tilespmem:$0x1E700] =	vst v63  }
0x6b: {  	s1 =	sand.u32 $0xFC0, s1;
	v1 =	vld [tilespmem:s3+$0xFFFFFFE0]  }
0x6c: {  	v2 =	vld [tilespmem:s1+$0x1000]  }
0x6d: {  	v3 =	vld [tilespmem:s3+$0xFFFFFFF0]  }
0x6e: {  	v8 =	vld [tilespmem:s3+$0x0]  }
0x6f: {  	s1 =	simm.s32 $0x1070  }
0x70: {  	s0 =	simm.s32 $0x40;
	v4 =	vld [tilespmem:s1+$0xFFFFFFE0]  }
0x71: {  	s3 =	sand.u32 $0xFC0, s0;
	v0 =	vld [tilespmem:s1+$0xFFFFFFF0]  }
0x72: {  	v5 =	vld [tilespmem:s3+$0x1000]  }
0x73: {  	v1 =	vld.idx.msk [tilespmem:v1+s20+$0x0], $0xffff  }
0x74: {  	v7 =	vld.idx.msk [tilespmem:v2+s20+$0x0], $0xffff  }
0x75: {  	v6 =	vld.idx.msk [tilespmem:v3+s20+$0x0], $0xffff  }
0x76: {  	v3 =	vld.idx.msk [tilespmem:v8+s20+$0x0], $0xffff  }
0x77: {  	v2 =	vld [tilespmem:s1+$0x0]  }
0x78: {  	s30 =	simm.s32 $0x1D720;
	s3 =	simm.s32 $0x10B0  }
.LBB2_38:
0x79: {  	v8 =	vld [tilespmem:s3+$0xFFFFFFE0];
	[tilespmem:s30+$0xFFFFFFE0] =	vst v7  }
0x7a: {  	v9 =	vld [tilespmem:s3+$0xFFFFFFF0];
	[tilespmem:s30+$0xFFFFFFF0] =	vst v1  }
0x7b: {  	s0 =	sadd.s32 $0x40, s0;
	v1 =	vld.idx.msk [tilespmem:v4+s20+$0x0], $0xffff;
	[tilespmem:s30+$0x0] =	vst v6  }
0x7c: {  	s1 =	sand.u32 $0xFC0, s0;
	p1 =	slt.u32 s0, $0xFC0;
	v7 =	vld.idx.msk [tilespmem:v5+s20+$0x0], $0xffff;
	[tilespmem:s30+$0x10] =	vst v3  }
.Ltmp4:
0x7d: {  	v5 =	vld [tilespmem:s1+$0x1000];
	(pc) =	sbr.rel @p1 .LBB2_38-.Ltmp4, $4  }
0x7e: {  	v6 =	vld.idx.msk [tilespmem:v0+s20+$0x0], $0xffff;
	v4 =	vmov v8  }
0x7f: {  	v3 =	vld.idx.msk [tilespmem:v2+s20+$0x0], $0xffff;
	v0 =	vmov v9  }
0x80: {  	v2 =	vld [tilespmem:s3+$0x0]  }
0x81: {  	s30 =	sadd.s32 $0x40, s30;
	s3 =	sadd.s32 $0x40, s3  }
0x82: {  	_ =	sdelay $0x3  }
0x83: {  	v5 =	vld.idx.msk [tilespmem:v5+s20+$0x0], $0xffff  }
0x84: {  	[tilespmem:s30+$0xFFFFFFE0] =	vst v7;
	v4 =	vld.idx.msk [tilespmem:v4+s20+$0x0], $0xffff  }
0x85: {  	[tilespmem:s30+$0xFFFFFFF0] =	vst v1;
	v0 =	vld.idx.msk [tilespmem:v0+s20+$0x0], $0xffff  }
0x86: {  	[tilespmem:s30+$0x0] =	vst v6;
	v1 =	vld.idx.msk [tilespmem:v2+s20+$0x0], $0xffff  }
0x87: {  	s0 =	sadd.s32 $0x40, s30;
	[tilespmem:s30+$0x10] =	vst v3  }
0x88: {  	[tilespmem:s0+$0xFFFFFFE0] =	vst v5  }
0x89: {  	[tilespmem:s0+$0xFFFFFFF0] =	vst v4  }
0x8a: {  	[tilespmem:s0+$0x0] =	vst v0  }
0x8b: {  	[tilespmem:s0+$0x10] =	vst v1  }
0x8c: {  	s0 =	rddreg [dreg:$0x1d]  }
0x8d: {  	[hbm4b:s0+s18] =	stream.strided.scatter [tilespmem:s24], [sflag:$0x2], $0x1000, s19, s18, $0x38;
	[tilespmem:$0x1E700] =	vst v63  }
0x8e: {  	_ =	swait.ge [sflag:s25], $0x1000  }
0x8f: {  	[sflag:s25] =	ssyncset.done $0x0  }
0x90: {  	s3 =	simm.s32 $0x2030;
	s1 =	simm.s32 $0x0;
	[sflag:s25] =	ssyncadd.s32 $0xFFFFF000  }
0x91: {  	s1 =	sand.u32 $0xFC0, s1;
	v1 =	vld [tilespmem:s3+$0xFFFFFFE0]  }
0x92: {  	v2 =	vld [tilespmem:s1+$0x2000]  }
0x93: {  	v3 =	vld [tilespmem:s3+$0xFFFFFFF0]  }
0x94: {  	v8 =	vld [tilespmem:s3+$0x0]  }
0x95: {  	s1 =	simm.s32 $0x2070  }
0x96: {  	s0 =	simm.s32 $0x40;
	v4 =	vld [tilespmem:s1+$0xFFFFFFE0]  }
0x97: {  	s3 =	sand.u32 $0xFC0, s0;
	v0 =	vld [tilespmem:s1+$0xFFFFFFF0]  }
0x98: {  	v5 =	vld [tilespmem:s3+$0x2000]  }
0x99: {  	v1 =	vld.idx.msk [tilespmem:v1+s20+$0x0], $0xffff  }
0x9a: {  	v7 =	vld.idx.msk [tilespmem:v2+s20+$0x0], $0xffff  }
0x9b: {  	v6 =	vld.idx.msk [tilespmem:v3+s20+$0x0], $0xffff  }
0x9c: {  	v3 =	vld.idx.msk [tilespmem:v8+s20+$0x0], $0xffff  }
0x9d: {  	v2 =	vld [tilespmem:s1+$0x0]  }
0x9e: {  	s30 =	simm.s32 $0x1C720;
	s3 =	simm.s32 $0x20B0  }
.LBB2_40:
0x9f: {  	v8 =	vld [tilespmem:s3+$0xFFFFFFE0];
	[tilespmem:s30+$0xFFFFFFE0] =	vst v7  }
0xa0: {  	v9 =	vld [tilespmem:s3+$0xFFFFFFF0];
	[tilespmem:s30+$0xFFFFFFF0] =	vst v1  }
0xa1: {  	s0 =	sadd.s32 $0x40, s0;
	v1 =	vld.idx.msk [tilespmem:v4+s20+$0x0], $0xffff;
	[tilespmem:s30+$0x0] =	vst v6  }
0xa2: {  	s1 =	sand.u32 $0xFC0, s0;
	p1 =	slt.u32 s0, $0xFC0;
	v7 =	vld.idx.msk [tilespmem:v5+s20+$0x0], $0xffff;
	[tilespmem:s30+$0x10] =	vst v3  }
.Ltmp5:
0xa3: {  	v5 =	vld [tilespmem:s1+$0x2000];
	(pc) =	sbr.rel @p1 .LBB2_40-.Ltmp5, $4  }
0xa4: {  	v6 =	vld.idx.msk [tilespmem:v0+s20+$0x0], $0xffff;
	v4 =	vmov v8  }
0xa5: {  	v3 =	vld.idx.msk [tilespmem:v2+s20+$0x0], $0xffff;
	v0 =	vmov v9  }
0xa6: {  	v2 =	vld [tilespmem:s3+$0x0]  }
0xa7: {  	s30 =	sadd.s32 $0x40, s30;
	s3 =	sadd.s32 $0x40, s3  }
0xa8: {  	_ =	sdelay $0x3  }
0xa9: {  	v5 =	vld.idx.msk [tilespmem:v5+s20+$0x0], $0xffff  }
0xaa: {  	[tilespmem:s30+$0xFFFFFFE0] =	vst v7;
	v4 =	vld.idx.msk [tilespmem:v4+s20+$0x0], $0xffff  }
0xab: {  	[tilespmem:s30+$0xFFFFFFF0] =	vst v1;
	v0 =	vld.idx.msk [tilespmem:v0+s20+$0x0], $0xffff  }
0xac: {  	[tilespmem:s30+$0x0] =	vst v6;
	v1 =	vld.idx.msk [tilespmem:v2+s20+$0x0], $0xffff  }
0xad: {  	s0 =	sadd.s32 $0x40, s30;
	[tilespmem:s30+$0x10] =	vst v3  }
0xae: {  	[tilespmem:s0+$0xFFFFFFE0] =	vst v5  }
0xaf: {  	[tilespmem:s0+$0xFFFFFFF0] =	vst v4  }
0xb0: {  	[tilespmem:s0+$0x0] =	vst v0  }
0xb1: {  	[tilespmem:s0+$0x10] =	vst v1  }
0xb2: {  	s0 =	rddreg [dreg:$0x1e]  }
0xb3: {  	[hbm4b:s0+s18] =	stream.strided.scatter [tilespmem:s23], [sflag:$0x1], $0x1000, s19, s18, $0x38;
	[tilespmem:$0x1E700] =	vst v63  }
0xb4: {  	_ =	swait.ge [sflag:s26], $0x1000  }
0xb5: {  	[sflag:s26] =	ssyncset.done $0x0  }
0xb6: {  	s3 =	simm.s32 $0x3030;
	s1 =	simm.s32 $0x0;
	[sflag:s26] =	ssyncadd.s32 $0xFFFFF000  }
0xb7: {  	s1 =	sand.u32 $0xFC0, s1;
	v1 =	vld [tilespmem:s3+$0xFFFFFFE0]  }
0xb8: {  	v2 =	vld [tilespmem:s1+$0x3000]  }
0xb9: {  	v3 =	vld [tilespmem:s3+$0xFFFFFFF0]  }
0xba: {  	v8 =	vld [tilespmem:s3+$0x0]  }
0xbb: {  	s1 =	simm.s32 $0x3070  }
0xbc: {  	s0 =	simm.s32 $0x40;
	v4 =	vld [tilespmem:s1+$0xFFFFFFE0]  }
0xbd: {  	s3 =	sand.u32 $0xFC0, s0;
	v0 =	vld [tilespmem:s1+$0xFFFFFFF0]  }
0xbe: {  	v5 =	vld [tilespmem:s3+$0x3000]  }
0xbf: {  	v1 =	vld.idx.msk [tilespmem:v1+s20+$0x0], $0xffff  }
0xc0: {  	v7 =	vld.idx.msk [tilespmem:v2+s20+$0x0], $0xffff  }
0xc1: {  	v6 =	vld.idx.msk [tilespmem:v3+s20+$0x0], $0xffff  }
0xc2: {  	v3 =	vld.idx.msk [tilespmem:v8+s20+$0x0], $0xffff  }
0xc3: {  	v2 =	vld [tilespmem:s1+$0x0]  }
0xc4: {  	s30 =	simm.s32 $0x1D720;
	s3 =	simm.s32 $0x30B0  }
.LBB2_42:
0xc5: {  	v8 =	vld [tilespmem:s3+$0xFFFFFFE0];
	[tilespmem:s30+$0xFFFFFFE0] =	vst v7  }
0xc6: {  	v9 =	vld [tilespmem:s3+$0xFFFFFFF0];
	[tilespmem:s30+$0xFFFFFFF0] =	vst v1  }
0xc7: {  	s0 =	sadd.s32 $0x40, s0;
	v1 =	vld.idx.msk [tilespmem:v4+s20+$0x0], $0xffff;
	[tilespmem:s30+$0x0] =	vst v6  }
0xc8: {  	s1 =	sand.u32 $0xFC0, s0;
	p1 =	slt.u32 s0, $0xFC0;
	v7 =	vld.idx.msk [tilespmem:v5+s20+$0x0], $0xffff;
	[tilespmem:s30+$0x10] =	vst v3  }
.Ltmp6:
0xc9: {  	v5 =	vld [tilespmem:s1+$0x3000];
	(pc) =	sbr.rel @p1 .LBB2_42-.Ltmp6, $4  }
0xca: {  	v6 =	vld.idx.msk [tilespmem:v0+s20+$0x0], $0xffff;
	v4 =	vmov v8  }
0xcb: {  	v3 =	vld.idx.msk [tilespmem:v2+s20+$0x0], $0xffff;
	v0 =	vmov v9  }
0xcc: {  	v2 =	vld [tilespmem:s3+$0x0]  }
0xcd: {  	s30 =	sadd.s32 $0x40, s30;
	s3 =	sadd.s32 $0x40, s3  }
0xce: {  	_ =	sdelay $0x3  }
0xcf: {  	v5 =	vld.idx.msk [tilespmem:v5+s20+$0x0], $0xffff  }
0xd0: {  	[tilespmem:s30+$0xFFFFFFE0] =	vst v7;
	v4 =	vld.idx.msk [tilespmem:v4+s20+$0x0], $0xffff  }
0xd1: {  	[tilespmem:s30+$0xFFFFFFF0] =	vst v1;
	v0 =	vld.idx.msk [tilespmem:v0+s20+$0x0], $0xffff  }
0xd2: {  	[tilespmem:s30+$0x0] =	vst v6;
	v1 =	vld.idx.msk [tilespmem:v2+s20+$0x0], $0xffff  }
0xd3: {  	s0 =	sadd.s32 $0x40, s30;
	[tilespmem:s30+$0x10] =	vst v3  }
0xd4: {  	[tilespmem:s0+$0xFFFFFFE0] =	vst v5  }
0xd5: {  	[tilespmem:s0+$0xFFFFFFF0] =	vst v4  }
0xd6: {  	[tilespmem:s0+$0x0] =	vst v0  }
0xd7: {  	[tilespmem:s0+$0x10] =	vst v1  }
0xd8: {  	s0 =	rddreg [dreg:$0x1f]  }
0xd9: {  	[hbm4b:s0+s18] =	stream.strided.scatter [tilespmem:s24], [sflag:$0x2], $0x1000, s19, s18, $0x38;
	[tilespmem:$0x1E700] =	vst v63  }
0xda: {  	s3 =	rddreg [dreg:$0xe]  }
0xdb: {  	[tilespmem:s20], [sflag:$0x5] =	stream.strided.gather [hbm4b:s3+s18], $0x18700, s19, s18, $0x38;
	[tilespmem:$0x1E700] =	vst v63  }
0xdc: {  	_ =	swait.ge [sflag:s28], $0x18700  }
0xdd: {  	[sflag:s28] =	ssyncset.done $0x0  }
0xde: {  	[sflag:s28] =	ssyncadd.s32 $0xFFFE7900  }
0xdf: {  	_ =	swait.ge [sflag:s25], $0x1000  }
0xe0: {  	[sflag:s25] =	ssyncset.done $0x0  }
0xe1: {  	s1 =	simm.s32 $0x20;
	[sflag:s25] =	ssyncadd.s32 $0xFFFFF000  }
0xe2: {  	v0 =	vld [tilespmem:s1+$0x10];
	_ =	sdelay $0x1  }
0xe3: {  	v2 =	vld [tilespmem:s1+$0xFFFFFFE0]  }
0xe4: {  	v3 =	vld [tilespmem:s1+$0xFFFFFFF0]  }
0xe5: {  	s3 =	simm.s32 $0x60;
	v4 =	vld [tilespmem:s1+$0x0]  }
0xe6: {  	v7 =	vld [tilespmem:s3+$0x10]  }
0xe7: {  	v1 =	vld [tilespmem:s3+$0xFFFFFFF0]  }
0xe8: {  	v6 =	vld [tilespmem:s3+$0xFFFFFFE0]  }
0xe9: {  	v8 =	vld.idx.msk [tilespmem:v0+s20+$0x0], $0xffff  }
0xea: {  	v0 =	vld [tilespmem:s3+$0x0]  }
0xeb: {  	v5 =	vld.idx.msk [tilespmem:v2+s20+$0x0], $0xffff  }
0xec: {  	v2 =	vld.idx.msk [tilespmem:v3+s20+$0x0], $0xffff  }
0xed: {  	s30 =	simm.s32 $0x1C720;
	v3 =	vld.idx.msk [tilespmem:v4+s20+$0x0], $0xffff  }
0xee: {  	s0 =	simm.s32 $0x40;
	v4 =	vld.idx.msk [tilespmem:v7+s20+$0x0], $0xffff;
	s3 =	simm.s32 $0xA0;
	[tilespmem:s30+$0x10] =	vst v8  }
.LBB2_44:
0xef: {  	v7 =	vld [tilespmem:s3+$0x10];
	s0 =	sadd.s32 $0x40, s0  }
0xf0: {  	v8 =	vld [tilespmem:s3+$0xFFFFFFF0];
	p1 =	slt.u32 s0, $0xFC0;
	[tilespmem:s30+$0xFFFFFFE0] =	vst v5  }
0xf1: {  	v9 =	vld [tilespmem:s3+$0x0];
	[tilespmem:s30+$0xFFFFFFF0] =	vst v2  }
0xf2: {  	v10 =	vld [tilespmem:s3+$0xFFFFFFE0];
	[tilespmem:s30+$0x0] =	vst v3  }
.Ltmp7:
0xf3: {  	s30 =	sadd.s32 $0x40, s30;
	v5 =	vld.idx.msk [tilespmem:v6+s20+$0x0], $0xffff;
	(pc) =	sbr.rel @p1 .LBB2_44-.Ltmp7, $4  }
0xf4: {  	v2 =	vld.idx.msk [tilespmem:v1+s20+$0x0], $0xffff;
	[tilespmem:s30+$0x10] =	vst v4  }
0xf5: {  	v3 =	vld.idx.msk [tilespmem:v0+s20+$0x0], $0xffff;
	v1 =	vmov v8  }
0xf6: {  	v0 =	vmov v9  }
0xf7: {  	s3 =	sadd.s32 $0x40, s3;
	v4 =	vld.idx.msk [tilespmem:v7+s20+$0x0], $0xffff;
	v6 =	vmov v10  }
0xf8: {  	_ =	sdelay $0x3  }
0xf9: {  	v6 =	vld.idx.msk [tilespmem:v6+s20+$0x0], $0xffff  }
0xfa: {  	[tilespmem:s30+$0xFFFFFFE0] =	vst v5;
	v1 =	vld.idx.msk [tilespmem:v1+s20+$0x0], $0xffff  }
0xfb: {  	v0 =	vld.idx.msk [tilespmem:v0+s20+$0x0], $0xffff;
	[tilespmem:s30+$0xFFFFFFF0] =	vst v2  }
0xfc: {  	s0 =	sadd.s32 $0x40, s30;
	[tilespmem:s30+$0x0] =	vst v3  }
0xfd: {  	[tilespmem:s0+$0x10] =	vst v4  }
0xfe: {  	[tilespmem:s0+$0xFFFFFFE0] =	vst v6  }
0xff: {  	[tilespmem:s0+$0xFFFFFFF0] =	vst v1  }
0x100: {  	[tilespmem:s0+$0x0] =	vst v0  }
0x101: {  	[hbm4b:s2+s18] =	stream.strided.scatter [tilespmem:s23], [sflag:$0x1], $0x1000, s19, s18, $0x38;
	[tilespmem:$0x1E700] =	vst v63  }
0x102: {  	_ =	swait.ge [sflag:s26], $0x1000  }
0x103: {  	[sflag:s26] =	ssyncset.done $0x0  }
0x104: {  	s3 =	simm.s32 $0x1030;
	s1 =	simm.s32 $0x0;
	[sflag:s26] =	ssyncadd.s32 $0xFFFFF000  }
0x105: {  	s1 =	sand.u32 $0xFC0, s1;
	v1 =	vld [tilespmem:s3+$0xFFFFFFE0]  }
0x106: {  	v2 =	vld [tilespmem:s1+$0x1000]  }
0x107: {  	v3 =	vld [tilespmem:s3+$0xFFFFFFF0]  }
0x108: {  	v8 =	vld [tilespmem:s3+$0x0]  }
0x109: {  	s1 =	simm.s32 $0x1070  }
0x10a: {  	s0 =	simm.s32 $0x40;
	v4 =	vld [tilespmem:s1+$0xFFFFFFE0]  }
0x10b: {  	s3 =	sand.u32 $0xFC0, s0;
	v0 =	vld [tilespmem:s1+$0xFFFFFFF0]  }
0x10c: {  	v5 =	vld [tilespmem:s3+$0x1000]  }
0x10d: {  	v1 =	vld.idx.msk [tilespmem:v1+s20+$0x0], $0xffff  }
0x10e: {  	v7 =	vld.idx.msk [tilespmem:v2+s20+$0x0], $0xffff  }
0x10f: {  	v6 =	vld.idx.msk [tilespmem:v3+s20+$0x0], $0xffff  }
0x110: {  	v3 =	vld.idx.msk [tilespmem:v8+s20+$0x0], $0xffff  }
0x111: {  	v2 =	vld [tilespmem:s1+$0x0]  }
0x112: {  	s30 =	simm.s32 $0x1D720;
	s3 =	simm.s32 $0x10B0  }
.LBB2_46:
0x113: {  	v8 =	vld [tilespmem:s3+$0xFFFFFFE0];
	[tilespmem:s30+$0xFFFFFFE0] =	vst v7  }
0x114: {  	v9 =	vld [tilespmem:s3+$0xFFFFFFF0];
	[tilespmem:s30+$0xFFFFFFF0] =	vst v1  }
0x115: {  	s0 =	sadd.s32 $0x40, s0;
	v1 =	vld.idx.msk [tilespmem:v4+s20+$0x0], $0xffff;
	[tilespmem:s30+$0x0] =	vst v6  }
0x116: {  	s1 =	sand.u32 $0xFC0, s0;
	p1 =	slt.u32 s0, $0xFC0;
	v7 =	vld.idx.msk [tilespmem:v5+s20+$0x0], $0xffff;
	[tilespmem:s30+$0x10] =	vst v3  }
.Ltmp8:
0x117: {  	v5 =	vld [tilespmem:s1+$0x1000];
	(pc) =	sbr.rel @p1 .LBB2_46-.Ltmp8, $4  }
0x118: {  	v6 =	vld.idx.msk [tilespmem:v0+s20+$0x0], $0xffff;
	v4 =	vmov v8  }
0x119: {  	v3 =	vld.idx.msk [tilespmem:v2+s20+$0x0], $0xffff;
	v0 =	vmov v9  }
0x11a: {  	v2 =	vld [tilespmem:s3+$0x0]  }
0x11b: {  	s30 =	sadd.s32 $0x40, s30;
	s3 =	sadd.s32 $0x40, s3  }
0x11c: {  	_ =	sdelay $0x3  }
0x11d: {  	v5 =	vld.idx.msk [tilespmem:v5+s20+$0x0], $0xffff  }
0x11e: {  	[tilespmem:s30+$0xFFFFFFE0] =	vst v7;
	v4 =	vld.idx.msk [tilespmem:v4+s20+$0x0], $0xffff  }
0x11f: {  	[tilespmem:s30+$0xFFFFFFF0] =	vst v1;
	v0 =	vld.idx.msk [tilespmem:v0+s20+$0x0], $0xffff  }
0x120: {  	[tilespmem:s30+$0x0] =	vst v6;
	v1 =	vld.idx.msk [tilespmem:v2+s20+$0x0], $0xffff  }
0x121: {  	s0 =	sadd.s32 $0x40, s30;
	[tilespmem:s30+$0x10] =	vst v3  }
0x122: {  	[tilespmem:s0+$0xFFFFFFE0] =	vst v5  }
0x123: {  	[tilespmem:s0+$0xFFFFFFF0] =	vst v4  }
0x124: {  	[tilespmem:s0+$0x0] =	vst v0  }
0x125: {  	[tilespmem:s0+$0x10] =	vst v1  }
0x126: {  	[hbm4b:s4+s18] =	stream.strided.scatter [tilespmem:s24], [sflag:$0x2], $0x1000, s19, s18, $0x38;
	[tilespmem:$0x1E700] =	vst v63  }
0x127: {  	_ =	swait.ge [sflag:s25], $0x1000  }
0x128: {  	[sflag:s25] =	ssyncset.done $0x0  }
0x129: {  	s3 =	simm.s32 $0x2030;
	s1 =	simm.s32 $0x0;
	[sflag:s25] =	ssyncadd.s32 $0xFFFFF000  }
0x12a: {  	s1 =	sand.u32 $0xFC0, s1;
	v1 =	vld [tilespmem:s3+$0xFFFFFFE0]  }
0x12b: {  	v2 =	vld [tilespmem:s1+$0x2000]  }
0x12c: {  	v3 =	vld [tilespmem:s3+$0xFFFFFFF0]  }
0x12d: {  	v8 =	vld [tilespmem:s3+$0x0]  }
0x12e: {  	s1 =	simm.s32 $0x2070  }
0x12f: {  	s0 =	simm.s32 $0x40;
	v4 =	vld [tilespmem:s1+$0xFFFFFFE0]  }
0x130: {  	s3 =	sand.u32 $0xFC0, s0;
	v0 =	vld [tilespmem:s1+$0xFFFFFFF0]  }
0x131: {  	v5 =	vld [tilespmem:s3+$0x2000]  }
0x132: {  	v1 =	vld.idx.msk [tilespmem:v1+s20+$0x0], $0xffff  }
0x133: {  	v7 =	vld.idx.msk [tilespmem:v2+s20+$0x0], $0xffff  }
0x134: {  	v6 =	vld.idx.msk [tilespmem:v3+s20+$0x0], $0xffff  }
0x135: {  	v3 =	vld.idx.msk [tilespmem:v8+s20+$0x0], $0xffff  }
0x136: {  	v2 =	vld [tilespmem:s1+$0x0]  }
0x137: {  	s30 =	simm.s32 $0x1C720;
	s3 =	simm.s32 $0x20B0  }
.LBB2_48:
0x138: {  	v8 =	vld [tilespmem:s3+$0xFFFFFFE0];
	[tilespmem:s30+$0xFFFFFFE0] =	vst v7  }
0x139: {  	v9 =	vld [tilespmem:s3+$0xFFFFFFF0];
	[tilespmem:s30+$0xFFFFFFF0] =	vst v1  }
0x13a: {  	s0 =	sadd.s32 $0x40, s0;
	v1 =	vld.idx.msk [tilespmem:v4+s20+$0x0], $0xffff;
	[tilespmem:s30+$0x0] =	vst v6  }
0x13b: {  	s1 =	sand.u32 $0xFC0, s0;
	p1 =	slt.u32 s0, $0xFC0;
	v7 =	vld.idx.msk [tilespmem:v5+s20+$0x0], $0xffff;
	[tilespmem:s30+$0x10] =	vst v3  }
.Ltmp9:
0x13c: {  	v5 =	vld [tilespmem:s1+$0x2000];
	(pc) =	sbr.rel @p1 .LBB2_48-.Ltmp9, $4  }
0x13d: {  	v6 =	vld.idx.msk [tilespmem:v0+s20+$0x0], $0xffff;
	v4 =	vmov v8  }
0x13e: {  	v3 =	vld.idx.msk [tilespmem:v2+s20+$0x0], $0xffff;
	v0 =	vmov v9  }
0x13f: {  	v2 =	vld [tilespmem:s3+$0x0]  }
0x140: {  	s30 =	sadd.s32 $0x40, s30;
	s3 =	sadd.s32 $0x40, s3  }
0x141: {  	_ =	sdelay $0x3  }
0x142: {  	v5 =	vld.idx.msk [tilespmem:v5+s20+$0x0], $0xffff  }
0x143: {  	[tilespmem:s30+$0xFFFFFFE0] =	vst v7;
	v4 =	vld.idx.msk [tilespmem:v4+s20+$0x0], $0xffff  }
0x144: {  	[tilespmem:s30+$0xFFFFFFF0] =	vst v1;
	v0 =	vld.idx.msk [tilespmem:v0+s20+$0x0], $0xffff  }
0x145: {  	[tilespmem:s30+$0x0] =	vst v6;
	v1 =	vld.idx.msk [tilespmem:v2+s20+$0x0], $0xffff  }
0x146: {  	s0 =	sadd.s32 $0x40, s30;
	[tilespmem:s30+$0x10] =	vst v3  }
0x147: {  	[tilespmem:s0+$0xFFFFFFE0] =	vst v5  }
0x148: {  	[tilespmem:s0+$0xFFFFFFF0] =	vst v4  }
0x149: {  	[tilespmem:s0+$0x0] =	vst v0  }
0x14a: {  	[tilespmem:s0+$0x10] =	vst v1  }
0x14b: {  	[hbm4b:s5+s18] =	stream.strided.scatter [tilespmem:s23], [sflag:$0x1], $0x1000, s19, s18, $0x38;
	[tilespmem:$0x1E700] =	vst v63  }
0x14c: {  	_ =	swait.ge [sflag:s26], $0x1000  }
0x14d: {  	[sflag:s26] =	ssyncset.done $0x0  }
0x14e: {  	s3 =	simm.s32 $0x3030;
	s1 =	simm.s32 $0x0;
	[sflag:s26] =	ssyncadd.s32 $0xFFFFF000  }
0x14f: {  	s1 =	sand.u32 $0xFC0, s1;
	v1 =	vld [tilespmem:s3+$0xFFFFFFE0]  }
0x150: {  	v2 =	vld [tilespmem:s1+$0x3000]  }
0x151: {  	v3 =	vld [tilespmem:s3+$0xFFFFFFF0]  }
0x152: {  	v8 =	vld [tilespmem:s3+$0x0]  }
0x153: {  	s1 =	simm.s32 $0x3070  }
0x154: {  	s0 =	simm.s32 $0x40;
	v4 =	vld [tilespmem:s1+$0xFFFFFFE0]  }
0x155: {  	s3 =	sand.u32 $0xFC0, s0;
	v0 =	vld [tilespmem:s1+$0xFFFFFFF0]  }
0x156: {  	v5 =	vld [tilespmem:s3+$0x3000]  }
0x157: {  	v1 =	vld.idx.msk [tilespmem:v1+s20+$0x0], $0xffff  }
0x158: {  	v7 =	vld.idx.msk [tilespmem:v2+s20+$0x0], $0xffff  }
0x159: {  	v6 =	vld.idx.msk [tilespmem:v3+s20+$0x0], $0xffff  }
0x15a: {  	v3 =	vld.idx.msk [tilespmem:v8+s20+$0x0], $0xffff  }
0x15b: {  	v2 =	vld [tilespmem:s1+$0x0]  }
0x15c: {  	s30 =	simm.s32 $0x1D720;
	s3 =	simm.s32 $0x30B0  }
.LBB2_50:
0x15d: {  	v8 =	vld [tilespmem:s3+$0xFFFFFFE0];
	[tilespmem:s30+$0xFFFFFFE0] =	vst v7  }
0x15e: {  	v9 =	vld [tilespmem:s3+$0xFFFFFFF0];
	[tilespmem:s30+$0xFFFFFFF0] =	vst v1  }
0x15f: {  	s0 =	sadd.s32 $0x40, s0;
	v1 =	vld.idx.msk [tilespmem:v4+s20+$0x0], $0xffff;
	[tilespmem:s30+$0x0] =	vst v6  }
0x160: {  	s1 =	sand.u32 $0xFC0, s0;
	p1 =	slt.u32 s0, $0xFC0;
	v7 =	vld.idx.msk [tilespmem:v5+s20+$0x0], $0xffff;
	[tilespmem:s30+$0x10] =	vst v3  }
.Ltmp10:
0x161: {  	v5 =	vld [tilespmem:s1+$0x3000];
	(pc) =	sbr.rel @p1 .LBB2_50-.Ltmp10, $4  }
0x162: {  	v6 =	vld.idx.msk [tilespmem:v0+s20+$0x0], $0xffff;
	v4 =	vmov v8  }
0x163: {  	v3 =	vld.idx.msk [tilespmem:v2+s20+$0x0], $0xffff;
	v0 =	vmov v9  }
0x164: {  	v2 =	vld [tilespmem:s3+$0x0]  }
0x165: {  	s30 =	sadd.s32 $0x40, s30;
	s3 =	sadd.s32 $0x40, s3  }
0x166: {  	_ =	sdelay $0x3  }
0x167: {  	v5 =	vld.idx.msk [tilespmem:v5+s20+$0x0], $0xffff  }
0x168: {  	[tilespmem:s30+$0xFFFFFFE0] =	vst v7;
	v4 =	vld.idx.msk [tilespmem:v4+s20+$0x0], $0xffff  }
0x169: {  	[tilespmem:s30+$0xFFFFFFF0] =	vst v1;
	v0 =	vld.idx.msk [tilespmem:v0+s20+$0x0], $0xffff  }
0x16a: {  	[tilespmem:s30+$0x0] =	vst v6;
	v1 =	vld.idx.msk [tilespmem:v2+s20+$0x0], $0xffff  }
0x16b: {  	s0 =	sadd.s32 $0x40, s30;
	[tilespmem:s30+$0x10] =	vst v3  }
0x16c: {  	[tilespmem:s0+$0xFFFFFFE0] =	vst v5  }
0x16d: {  	[tilespmem:s0+$0xFFFFFFF0] =	vst v4  }
0x16e: {  	[tilespmem:s0+$0x0] =	vst v0  }
0x16f: {  	[tilespmem:s0+$0x10] =	vst v1  }
0x170: {  	[hbm4b:s6+s18] =	stream.strided.scatter [tilespmem:s24], [sflag:$0x2], $0x1000, s19, s18, $0x38;
	[tilespmem:$0x1E700] =	vst v63  }
0x171: {  	s0 =	rddreg [dreg:$0xf]  }
0x172: {  	[tilespmem:s20], [sflag:$0x5] =	stream.strided.gather [hbm4b:s0+s18], $0x18700, s19, s18, $0x38;
	[tilespmem:$0x1E700] =	vst v63  }
0x173: {  	_ =	swait.ge [sflag:s28], $0x18700  }
0x174: {  	[sflag:s28] =	ssyncset.done $0x0  }
0x175: {  	[sflag:s28] =	ssyncadd.s32 $0xFFFE7900  }
0x176: {  	_ =	swait.ge [sflag:s25], $0x1000  }
0x177: {  	[sflag:s25] =	ssyncset.done $0x0  }
0x178: {  	s1 =	simm.s32 $0x20;
	[sflag:s25] =	ssyncadd.s32 $0xFFFFF000  }
0x179: {  	v0 =	vld [tilespmem:s1+$0x10];
	_ =	sdelay $0x1  }
0x17a: {  	v2 =	vld [tilespmem:s1+$0xFFFFFFE0]  }
0x17b: {  	v3 =	vld [tilespmem:s1+$0xFFFFFFF0]  }
0x17c: {  	s3 =	simm.s32 $0x60;
	v4 =	vld [tilespmem:s1+$0x0]  }
0x17d: {  	v7 =	vld [tilespmem:s3+$0x10]  }
0x17e: {  	v1 =	vld [tilespmem:s3+$0xFFFFFFF0]  }
0x17f: {  	v6 =	vld [tilespmem:s3+$0xFFFFFFE0]  }
0x180: {  	v8 =	vld.idx.msk [tilespmem:v0+s20+$0x0], $0xffff  }
0x181: {  	v0 =	vld [tilespmem:s3+$0x0]  }
0x182: {  	v5 =	vld.idx.msk [tilespmem:v2+s20+$0x0], $0xffff  }
0x183: {  	v2 =	vld.idx.msk [tilespmem:v3+s20+$0x0], $0xffff  }
0x184: {  	s30 =	simm.s32 $0x1C720;
	v3 =	vld.idx.msk [tilespmem:v4+s20+$0x0], $0xffff  }
0x185: {  	s0 =	simm.s32 $0x40;
	v4 =	vld.idx.msk [tilespmem:v7+s20+$0x0], $0xffff;
	s3 =	simm.s32 $0xA0;
	[tilespmem:s30+$0x10] =	vst v8  }
.LBB2_52:
0x186: {  	v7 =	vld [tilespmem:s3+$0x10];
	s0 =	sadd.s32 $0x40, s0  }
0x187: {  	v8 =	vld [tilespmem:s3+$0xFFFFFFF0];
	p1 =	slt.u32 s0, $0xFC0;
	[tilespmem:s30+$0xFFFFFFE0] =	vst v5  }
0x188: {  	v9 =	vld [tilespmem:s3+$0x0];
	[tilespmem:s30+$0xFFFFFFF0] =	vst v2  }
0x189: {  	v10 =	vld [tilespmem:s3+$0xFFFFFFE0];
	[tilespmem:s30+$0x0] =	vst v3  }
.Ltmp11:
0x18a: {  	s30 =	sadd.s32 $0x40, s30;
	v5 =	vld.idx.msk [tilespmem:v6+s20+$0x0], $0xffff;
	(pc) =	sbr.rel @p1 .LBB2_52-.Ltmp11, $4  }
0x18b: {  	v2 =	vld.idx.msk [tilespmem:v1+s20+$0x0], $0xffff;
	[tilespmem:s30+$0x10] =	vst v4  }
0x18c: {  	v3 =	vld.idx.msk [tilespmem:v0+s20+$0x0], $0xffff;
	v1 =	vmov v8  }
0x18d: {  	v0 =	vmov v9  }
0x18e: {  	s3 =	sadd.s32 $0x40, s3;
	v4 =	vld.idx.msk [tilespmem:v7+s20+$0x0], $0xffff;
	v6 =	vmov v10  }
0x18f: {  	_ =	sdelay $0x3  }
0x190: {  	v6 =	vld.idx.msk [tilespmem:v6+s20+$0x0], $0xffff  }
0x191: {  	[tilespmem:s30+$0xFFFFFFE0] =	vst v5;
	v1 =	vld.idx.msk [tilespmem:v1+s20+$0x0], $0xffff  }
0x192: {  	v0 =	vld.idx.msk [tilespmem:v0+s20+$0x0], $0xffff;
	[tilespmem:s30+$0xFFFFFFF0] =	vst v2  }
0x193: {  	s0 =	sadd.s32 $0x40, s30;
	[tilespmem:s30+$0x0] =	vst v3  }
0x194: {  	[tilespmem:s0+$0x10] =	vst v4  }
0x195: {  	[tilespmem:s0+$0xFFFFFFE0] =	vst v6  }
0x196: {  	[tilespmem:s0+$0xFFFFFFF0] =	vst v1  }
0x197: {  	[tilespmem:s0+$0x0] =	vst v0  }
0x198: {  	[hbm4b:s9+s18] =	stream.strided.scatter [tilespmem:s23], [sflag:$0x1], $0x1000, s19, s18, $0x38;
	[tilespmem:$0x1E700] =	vst v63  }
0x199: {  	_ =	swait.ge [sflag:s26], $0x1000  }
0x19a: {  	[sflag:s26] =	ssyncset.done $0x0  }
0x19b: {  	s3 =	simm.s32 $0x1030;
	s1 =	simm.s32 $0x0;
	[sflag:s26] =	ssyncadd.s32 $0xFFFFF000  }
0x19c: {  	s1 =	sand.u32 $0xFC0, s1;
	v1 =	vld [tilespmem:s3+$0xFFFFFFE0]  }
0x19d: {  	v2 =	vld [tilespmem:s1+$0x1000]  }
0x19e: {  	v3 =	vld [tilespmem:s3+$0xFFFFFFF0]  }
0x19f: {  	v8 =	vld [tilespmem:s3+$0x0]  }
0x1a0: {  	s1 =	simm.s32 $0x1070  }
0x1a1: {  	s0 =	simm.s32 $0x40;
	v4 =	vld [tilespmem:s1+$0xFFFFFFE0]  }
0x1a2: {  	s3 =	sand.u32 $0xFC0, s0;
	v0 =	vld [tilespmem:s1+$0xFFFFFFF0]  }
0x1a3: {  	v5 =	vld [tilespmem:s3+$0x1000]  }
0x1a4: {  	v1 =	vld.idx.msk [tilespmem:v1+s20+$0x0], $0xffff  }
0x1a5: {  	v7 =	vld.idx.msk [tilespmem:v2+s20+$0x0], $0xffff  }
0x1a6: {  	v6 =	vld.idx.msk [tilespmem:v3+s20+$0x0], $0xffff  }
0x1a7: {  	v3 =	vld.idx.msk [tilespmem:v8+s20+$0x0], $0xffff  }
0x1a8: {  	v2 =	vld [tilespmem:s1+$0x0]  }
0x1a9: {  	s30 =	simm.s32 $0x1D720;
	s3 =	simm.s32 $0x10B0  }
.LBB2_54:
0x1aa: {  	v8 =	vld [tilespmem:s3+$0xFFFFFFE0];
	[tilespmem:s30+$0xFFFFFFE0] =	vst v7  }
0x1ab: {  	v9 =	vld [tilespmem:s3+$0xFFFFFFF0];
	[tilespmem:s30+$0xFFFFFFF0] =	vst v1  }
0x1ac: {  	s0 =	sadd.s32 $0x40, s0;
	v1 =	vld.idx.msk [tilespmem:v4+s20+$0x0], $0xffff;
	[tilespmem:s30+$0x0] =	vst v6  }
0x1ad: {  	s1 =	sand.u32 $0xFC0, s0;
	p1 =	slt.u32 s0, $0xFC0;
	v7 =	vld.idx.msk [tilespmem:v5+s20+$0x0], $0xffff;
	[tilespmem:s30+$0x10] =	vst v3  }
.Ltmp12:
0x1ae: {  	v5 =	vld [tilespmem:s1+$0x1000];
	(pc) =	sbr.rel @p1 .LBB2_54-.Ltmp12, $4  }
0x1af: {  	v6 =	vld.idx.msk [tilespmem:v0+s20+$0x0], $0xffff;
	v4 =	vmov v8  }
0x1b0: {  	v3 =	vld.idx.msk [tilespmem:v2+s20+$0x0], $0xffff;
	v0 =	vmov v9  }
0x1b1: {  	v2 =	vld [tilespmem:s3+$0x0]  }
0x1b2: {  	s30 =	sadd.s32 $0x40, s30;
	s3 =	sadd.s32 $0x40, s3  }
0x1b3: {  	_ =	sdelay $0x3  }
0x1b4: {  	v5 =	vld.idx.msk [tilespmem:v5+s20+$0x0], $0xffff  }
0x1b5: {  	[tilespmem:s30+$0xFFFFFFE0] =	vst v7;
	v4 =	vld.idx.msk [tilespmem:v4+s20+$0x0], $0xffff  }
0x1b6: {  	[tilespmem:s30+$0xFFFFFFF0] =	vst v1;
	v0 =	vld.idx.msk [tilespmem:v0+s20+$0x0], $0xffff  }
0x1b7: {  	[tilespmem:s30+$0x0] =	vst v6;
	v1 =	vld.idx.msk [tilespmem:v2+s20+$0x0], $0xffff  }
0x1b8: {  	s0 =	sadd.s32 $0x40, s30;
	[tilespmem:s30+$0x10] =	vst v3  }
0x1b9: {  	[tilespmem:s0+$0xFFFFFFE0] =	vst v5  }
0x1ba: {  	[tilespmem:s0+$0xFFFFFFF0] =	vst v4  }
0x1bb: {  	[tilespmem:s0+$0x0] =	vst v0  }
0x1bc: {  	[tilespmem:s0+$0x10] =	vst v1  }
0x1bd: {  	[hbm4b:s10+s18] =	stream.strided.scatter [tilespmem:s24], [sflag:$0x2], $0x1000, s19, s18, $0x38;
	[tilespmem:$0x1E700] =	vst v63  }
0x1be: {  	_ =	swait.ge [sflag:s25], $0x1000  }
0x1bf: {  	[sflag:s25] =	ssyncset.done $0x0  }
0x1c0: {  	s3 =	simm.s32 $0x2030;
	s1 =	simm.s32 $0x0;
	[sflag:s25] =	ssyncadd.s32 $0xFFFFF000  }
0x1c1: {  	s1 =	sand.u32 $0xFC0, s1;
	v1 =	vld [tilespmem:s3+$0xFFFFFFE0]  }
0x1c2: {  	v2 =	vld [tilespmem:s1+$0x2000]  }
0x1c3: {  	v3 =	vld [tilespmem:s3+$0xFFFFFFF0]  }
0x1c4: {  	v8 =	vld [tilespmem:s3+$0x0]  }
0x1c5: {  	s1 =	simm.s32 $0x2070  }
0x1c6: {  	s0 =	simm.s32 $0x40;
	v4 =	vld [tilespmem:s1+$0xFFFFFFE0]  }
0x1c7: {  	s3 =	sand.u32 $0xFC0, s0;
	v0 =	vld [tilespmem:s1+$0xFFFFFFF0]  }
0x1c8: {  	v5 =	vld [tilespmem:s3+$0x2000]  }
0x1c9: {  	v1 =	vld.idx.msk [tilespmem:v1+s20+$0x0], $0xffff  }
0x1ca: {  	v7 =	vld.idx.msk [tilespmem:v2+s20+$0x0], $0xffff  }
0x1cb: {  	v6 =	vld.idx.msk [tilespmem:v3+s20+$0x0], $0xffff  }
0x1cc: {  	v3 =	vld.idx.msk [tilespmem:v8+s20+$0x0], $0xffff  }
0x1cd: {  	v2 =	vld [tilespmem:s1+$0x0]  }
0x1ce: {  	s30 =	simm.s32 $0x1C720;
	s3 =	simm.s32 $0x20B0  }
.LBB2_56:
0x1cf: {  	v8 =	vld [tilespmem:s3+$0xFFFFFFE0];
	[tilespmem:s30+$0xFFFFFFE0] =	vst v7  }
0x1d0: {  	v9 =	vld [tilespmem:s3+$0xFFFFFFF0];
	[tilespmem:s30+$0xFFFFFFF0] =	vst v1  }
0x1d1: {  	s0 =	sadd.s32 $0x40, s0;
	v1 =	vld.idx.msk [tilespmem:v4+s20+$0x0], $0xffff;
	[tilespmem:s30+$0x0] =	vst v6  }
0x1d2: {  	s1 =	sand.u32 $0xFC0, s0;
	p1 =	slt.u32 s0, $0xFC0;
	v7 =	vld.idx.msk [tilespmem:v5+s20+$0x0], $0xffff;
	[tilespmem:s30+$0x10] =	vst v3  }
.Ltmp13:
0x1d3: {  	v5 =	vld [tilespmem:s1+$0x2000];
	(pc) =	sbr.rel @p1 .LBB2_56-.Ltmp13, $4  }
0x1d4: {  	v6 =	vld.idx.msk [tilespmem:v0+s20+$0x0], $0xffff;
	v4 =	vmov v8  }
0x1d5: {  	v3 =	vld.idx.msk [tilespmem:v2+s20+$0x0], $0xffff;
	v0 =	vmov v9  }
0x1d6: {  	v2 =	vld [tilespmem:s3+$0x0]  }
0x1d7: {  	s30 =	sadd.s32 $0x40, s30;
	s3 =	sadd.s32 $0x40, s3  }
0x1d8: {  	_ =	sdelay $0x3  }
0x1d9: {  	v5 =	vld.idx.msk [tilespmem:v5+s20+$0x0], $0xffff  }
0x1da: {  	[tilespmem:s30+$0xFFFFFFE0] =	vst v7;
	v4 =	vld.idx.msk [tilespmem:v4+s20+$0x0], $0xffff  }
0x1db: {  	[tilespmem:s30+$0xFFFFFFF0] =	vst v1;
	v0 =	vld.idx.msk [tilespmem:v0+s20+$0x0], $0xffff  }
0x1dc: {  	[tilespmem:s30+$0x0] =	vst v6;
	v1 =	vld.idx.msk [tilespmem:v2+s20+$0x0], $0xffff  }
0x1dd: {  	s0 =	sadd.s32 $0x40, s30;
	[tilespmem:s30+$0x10] =	vst v3  }
0x1de: {  	[tilespmem:s0+$0xFFFFFFE0] =	vst v5  }
0x1df: {  	[tilespmem:s0+$0xFFFFFFF0] =	vst v4  }
0x1e0: {  	[tilespmem:s0+$0x0] =	vst v0  }
0x1e1: {  	[tilespmem:s0+$0x10] =	vst v1  }
0x1e2: {  	[hbm4b:s11+s18] =	stream.strided.scatter [tilespmem:s23], [sflag:$0x1], $0x1000, s19, s18, $0x38;
	[tilespmem:$0x1E700] =	vst v63  }
0x1e3: {  	_ =	swait.ge [sflag:s26], $0x1000  }
0x1e4: {  	[sflag:s26] =	ssyncset.done $0x0  }
0x1e5: {  	s3 =	simm.s32 $0x3030;
	s1 =	simm.s32 $0x0;
	[sflag:s26] =	ssyncadd.s32 $0xFFFFF000  }
0x1e6: {  	s1 =	sand.u32 $0xFC0, s1;
	v1 =	vld [tilespmem:s3+$0xFFFFFFE0]  }
0x1e7: {  	v2 =	vld [tilespmem:s1+$0x3000]  }
0x1e8: {  	v3 =	vld [tilespmem:s3+$0xFFFFFFF0]  }
0x1e9: {  	v8 =	vld [tilespmem:s3+$0x0]  }
0x1ea: {  	s1 =	simm.s32 $0x3070  }
0x1eb: {  	s0 =	simm.s32 $0x40;
	v4 =	vld [tilespmem:s1+$0xFFFFFFE0]  }
0x1ec: {  	s3 =	sand.u32 $0xFC0, s0;
	v0 =	vld [tilespmem:s1+$0xFFFFFFF0]  }
0x1ed: {  	v5 =	vld [tilespmem:s3+$0x3000]  }
0x1ee: {  	v1 =	vld.idx.msk [tilespmem:v1+s20+$0x0], $0xffff  }
0x1ef: {  	v7 =	vld.idx.msk [tilespmem:v2+s20+$0x0], $0xffff  }
0x1f0: {  	v6 =	vld.idx.msk [tilespmem:v3+s20+$0x0], $0xffff  }
0x1f1: {  	v3 =	vld.idx.msk [tilespmem:v8+s20+$0x0], $0xffff  }
0x1f2: {  	v2 =	vld [tilespmem:s1+$0x0]  }
0x1f3: {  	s30 =	simm.s32 $0x1D720;
	s3 =	simm.s32 $0x30B0  }
.LBB2_58:
0x1f4: {  	v8 =	vld [tilespmem:s3+$0xFFFFFFE0];
	[tilespmem:s30+$0xFFFFFFE0] =	vst v7  }
0x1f5: {  	v9 =	vld [tilespmem:s3+$0xFFFFFFF0];
	[tilespmem:s30+$0xFFFFFFF0] =	vst v1  }
0x1f6: {  	s0 =	sadd.s32 $0x40, s0;
	v1 =	vld.idx.msk [tilespmem:v4+s20+$0x0], $0xffff;
	[tilespmem:s30+$0x0] =	vst v6  }
0x1f7: {  	s1 =	sand.u32 $0xFC0, s0;
	p1 =	slt.u32 s0, $0xFC0;
	v7 =	vld.idx.msk [tilespmem:v5+s20+$0x0], $0xffff;
	[tilespmem:s30+$0x10] =	vst v3  }
.Ltmp14:
0x1f8: {  	v5 =	vld [tilespmem:s1+$0x3000];
	(pc) =	sbr.rel @p1 .LBB2_58-.Ltmp14, $4  }
0x1f9: {  	v6 =	vld.idx.msk [tilespmem:v0+s20+$0x0], $0xffff;
	v4 =	vmov v8  }
0x1fa: {  	v3 =	vld.idx.msk [tilespmem:v2+s20+$0x0], $0xffff;
	v0 =	vmov v9  }
0x1fb: {  	v2 =	vld [tilespmem:s3+$0x0]  }
0x1fc: {  	s30 =	sadd.s32 $0x40, s30;
	s3 =	sadd.s32 $0x40, s3  }
0x1fd: {  	_ =	sdelay $0x3  }
0x1fe: {  	v5 =	vld.idx.msk [tilespmem:v5+s20+$0x0], $0xffff  }
0x1ff: {  	[tilespmem:s30+$0xFFFFFFE0] =	vst v7;
	v4 =	vld.idx.msk [tilespmem:v4+s20+$0x0], $0xffff  }
0x200: {  	[tilespmem:s30+$0xFFFFFFF0] =	vst v1;
	v0 =	vld.idx.msk [tilespmem:v0+s20+$0x0], $0xffff  }
0x201: {  	[tilespmem:s30+$0x0] =	vst v6;
	v1 =	vld.idx.msk [tilespmem:v2+s20+$0x0], $0xffff  }
0x202: {  	s0 =	sadd.s32 $0x40, s30;
	[tilespmem:s30+$0x10] =	vst v3  }
0x203: {  	[tilespmem:s0+$0xFFFFFFE0] =	vst v5  }
0x204: {  	[tilespmem:s0+$0xFFFFFFF0] =	vst v4  }
0x205: {  	[tilespmem:s0+$0x0] =	vst v0  }
0x206: {  	[tilespmem:s0+$0x10] =	vst v1  }
0x207: {  	[hbm4b:s12+s18] =	stream.strided.scatter [tilespmem:s24], [sflag:$0x2], $0x1000, s19, s18, $0x38;
	[tilespmem:$0x1E700] =	vst v63  }
0x208: {  	s0 =	rddreg [dreg:$0x10]  }
0x209: {  	[tilespmem:s20], [sflag:$0x5] =	stream.strided.gather [hbm4b:s0+s18], $0x18700, s19, s18, $0x38;
	[tilespmem:$0x1E700] =	vst v63  }
0x20a: {  	_ =	swait.ge [sflag:s28], $0x18700  }
0x20b: {  	[sflag:s28] =	ssyncset.done $0x0  }
0x20c: {  	[sflag:s28] =	ssyncadd.s32 $0xFFFE7900  }
0x20d: {  	_ =	swait.ge [sflag:s25], $0x1000  }
0x20e: {  	[sflag:s25] =	ssyncset.done $0x0  }
0x20f: {  	s1 =	simm.s32 $0x20;
	[sflag:s25] =	ssyncadd.s32 $0xFFFFF000  }
0x210: {  	v0 =	vld [tilespmem:s1+$0x10];
	_ =	sdelay $0x1  }
0x211: {  	v2 =	vld [tilespmem:s1+$0xFFFFFFE0]  }
0x212: {  	v3 =	vld [tilespmem:s1+$0xFFFFFFF0]  }
0x213: {  	s3 =	simm.s32 $0x60;
	v4 =	vld [tilespmem:s1+$0x0]  }
0x214: {  	v7 =	vld [tilespmem:s3+$0x10]  }
0x215: {  	v1 =	vld [tilespmem:s3+$0xFFFFFFF0]  }
0x216: {  	v6 =	vld [tilespmem:s3+$0xFFFFFFE0]  }
0x217: {  	v8 =	vld.idx.msk [tilespmem:v0+s20+$0x0], $0xffff  }
0x218: {  	v0 =	vld [tilespmem:s3+$0x0]  }
0x219: {  	v5 =	vld.idx.msk [tilespmem:v2+s20+$0x0], $0xffff  }
0x21a: {  	v2 =	vld.idx.msk [tilespmem:v3+s20+$0x0], $0xffff  }
0x21b: {  	s30 =	simm.s32 $0x1C720;
	v3 =	vld.idx.msk [tilespmem:v4+s20+$0x0], $0xffff  }
0x21c: {  	s0 =	simm.s32 $0x40;
	v4 =	vld.idx.msk [tilespmem:v7+s20+$0x0], $0xffff;
	s3 =	simm.s32 $0xA0;
	[tilespmem:s30+$0x10] =	vst v8  }
.LBB2_60:
0x21d: {  	v7 =	vld [tilespmem:s3+$0x10];
	s0 =	sadd.s32 $0x40, s0  }
0x21e: {  	v8 =	vld [tilespmem:s3+$0xFFFFFFF0];
	p1 =	slt.u32 s0, $0xFC0;
	[tilespmem:s30+$0xFFFFFFE0] =	vst v5  }
0x21f: {  	v9 =	vld [tilespmem:s3+$0x0];
	[tilespmem:s30+$0xFFFFFFF0] =	vst v2  }
0x220: {  	v10 =	vld [tilespmem:s3+$0xFFFFFFE0];
	[tilespmem:s30+$0x0] =	vst v3  }
.Ltmp15:
0x221: {  	s30 =	sadd.s32 $0x40, s30;
	v5 =	vld.idx.msk [tilespmem:v6+s20+$0x0], $0xffff;
	(pc) =	sbr.rel @p1 .LBB2_60-.Ltmp15, $4  }
0x222: {  	v2 =	vld.idx.msk [tilespmem:v1+s20+$0x0], $0xffff;
	[tilespmem:s30+$0x10] =	vst v4  }
0x223: {  	v3 =	vld.idx.msk [tilespmem:v0+s20+$0x0], $0xffff;
	v1 =	vmov v8  }
0x224: {  	v0 =	vmov v9  }
0x225: {  	s3 =	sadd.s32 $0x40, s3;
	v4 =	vld.idx.msk [tilespmem:v7+s20+$0x0], $0xffff;
	v6 =	vmov v10  }
0x226: {  	_ =	sdelay $0x3  }
0x227: {  	v6 =	vld.idx.msk [tilespmem:v6+s20+$0x0], $0xffff  }
0x228: {  	[tilespmem:s30+$0xFFFFFFE0] =	vst v5;
	v1 =	vld.idx.msk [tilespmem:v1+s20+$0x0], $0xffff  }
0x229: {  	v0 =	vld.idx.msk [tilespmem:v0+s20+$0x0], $0xffff;
	[tilespmem:s30+$0xFFFFFFF0] =	vst v2  }
0x22a: {  	s0 =	sadd.s32 $0x40, s30;
	[tilespmem:s30+$0x0] =	vst v3  }
0x22b: {  	[tilespmem:s0+$0x10] =	vst v4  }
0x22c: {  	[tilespmem:s0+$0xFFFFFFE0] =	vst v6  }
0x22d: {  	[tilespmem:s0+$0xFFFFFFF0] =	vst v1  }
0x22e: {  	[tilespmem:s0+$0x0] =	vst v0  }
0x22f: {  	[hbm4b:s13+s18] =	stream.strided.scatter [tilespmem:s23], [sflag:$0x1], $0x1000, s19, s18, $0x38;
	[tilespmem:$0x1E700] =	vst v63  }
0x230: {  	_ =	swait.ge [sflag:s26], $0x1000  }
0x231: {  	[sflag:s26] =	ssyncset.done $0x0  }
0x232: {  	s3 =	simm.s32 $0x1030;
	s1 =	simm.s32 $0x0;
	[sflag:s26] =	ssyncadd.s32 $0xFFFFF000  }
0x233: {  	s1 =	sand.u32 $0xFC0, s1;
	v1 =	vld [tilespmem:s3+$0xFFFFFFE0]  }
0x234: {  	v2 =	vld [tilespmem:s1+$0x1000]  }
0x235: {  	v3 =	vld [tilespmem:s3+$0xFFFFFFF0]  }
0x236: {  	v8 =	vld [tilespmem:s3+$0x0]  }
0x237: {  	s1 =	simm.s32 $0x1070  }
0x238: {  	s0 =	simm.s32 $0x40;
	v4 =	vld [tilespmem:s1+$0xFFFFFFE0]  }
0x239: {  	s3 =	sand.u32 $0xFC0, s0;
	v0 =	vld [tilespmem:s1+$0xFFFFFFF0]  }
0x23a: {  	v5 =	vld [tilespmem:s3+$0x1000]  }
0x23b: {  	v1 =	vld.idx.msk [tilespmem:v1+s20+$0x0], $0xffff  }
0x23c: {  	v7 =	vld.idx.msk [tilespmem:v2+s20+$0x0], $0xffff  }
0x23d: {  	v6 =	vld.idx.msk [tilespmem:v3+s20+$0x0], $0xffff  }
0x23e: {  	v3 =	vld.idx.msk [tilespmem:v8+s20+$0x0], $0xffff  }
0x23f: {  	v2 =	vld [tilespmem:s1+$0x0]  }
0x240: {  	s30 =	simm.s32 $0x1D720;
	s3 =	simm.s32 $0x10B0  }
.LBB2_62:
0x241: {  	v8 =	vld [tilespmem:s3+$0xFFFFFFE0];
	[tilespmem:s30+$0xFFFFFFE0] =	vst v7  }
0x242: {  	v9 =	vld [tilespmem:s3+$0xFFFFFFF0];
	[tilespmem:s30+$0xFFFFFFF0] =	vst v1  }
0x243: {  	s0 =	sadd.s32 $0x40, s0;
	v1 =	vld.idx.msk [tilespmem:v4+s20+$0x0], $0xffff;
	[tilespmem:s30+$0x0] =	vst v6  }
0x244: {  	s1 =	sand.u32 $0xFC0, s0;
	p1 =	slt.u32 s0, $0xFC0;
	v7 =	vld.idx.msk [tilespmem:v5+s20+$0x0], $0xffff;
	[tilespmem:s30+$0x10] =	vst v3  }
.Ltmp16:
0x245: {  	v5 =	vld [tilespmem:s1+$0x1000];
	(pc) =	sbr.rel @p1 .LBB2_62-.Ltmp16, $4  }
0x246: {  	v6 =	vld.idx.msk [tilespmem:v0+s20+$0x0], $0xffff;
	v4 =	vmov v8  }
0x247: {  	v3 =	vld.idx.msk [tilespmem:v2+s20+$0x0], $0xffff;
	v0 =	vmov v9  }
0x248: {  	v2 =	vld [tilespmem:s3+$0x0]  }
0x249: {  	s30 =	sadd.s32 $0x40, s30;
	s3 =	sadd.s32 $0x40, s3  }
0x24a: {  	_ =	sdelay $0x3  }
0x24b: {  	v5 =	vld.idx.msk [tilespmem:v5+s20+$0x0], $0xffff  }
0x24c: {  	[tilespmem:s30+$0xFFFFFFE0] =	vst v7;
	v4 =	vld.idx.msk [tilespmem:v4+s20+$0x0], $0xffff  }
0x24d: {  	[tilespmem:s30+$0xFFFFFFF0] =	vst v1;
	v0 =	vld.idx.msk [tilespmem:v0+s20+$0x0], $0xffff  }
0x24e: {  	[tilespmem:s30+$0x0] =	vst v6;
	v1 =	vld.idx.msk [tilespmem:v2+s20+$0x0], $0xffff  }
0x24f: {  	s0 =	sadd.s32 $0x40, s30;
	[tilespmem:s30+$0x10] =	vst v3  }
0x250: {  	[tilespmem:s0+$0xFFFFFFE0] =	vst v5  }
0x251: {  	[tilespmem:s0+$0xFFFFFFF0] =	vst v4  }
0x252: {  	[tilespmem:s0+$0x0] =	vst v0  }
0x253: {  	[tilespmem:s0+$0x10] =	vst v1  }
0x254: {  	[hbm4b:s14+s18] =	stream.strided.scatter [tilespmem:s24], [sflag:$0x2], $0x1000, s19, s18, $0x38;
	[tilespmem:$0x1E700] =	vst v63  }
0x255: {  	_ =	swait.ge [sflag:s25], $0x1000  }
0x256: {  	[sflag:s25] =	ssyncset.done $0x0  }
0x257: {  	s3 =	simm.s32 $0x2030;
	s1 =	simm.s32 $0x0;
	[sflag:s25] =	ssyncadd.s32 $0xFFFFF000  }
0x258: {  	s1 =	sand.u32 $0xFC0, s1;
	v1 =	vld [tilespmem:s3+$0xFFFFFFE0]  }
0x259: {  	v2 =	vld [tilespmem:s1+$0x2000]  }
0x25a: {  	v3 =	vld [tilespmem:s3+$0xFFFFFFF0]  }
0x25b: {  	v8 =	vld [tilespmem:s3+$0x0]  }
0x25c: {  	s1 =	simm.s32 $0x2070  }
0x25d: {  	s0 =	simm.s32 $0x40;
	v4 =	vld [tilespmem:s1+$0xFFFFFFE0]  }
0x25e: {  	s3 =	sand.u32 $0xFC0, s0;
	v0 =	vld [tilespmem:s1+$0xFFFFFFF0]  }
0x25f: {  	v5 =	vld [tilespmem:s3+$0x2000]  }
0x260: {  	v1 =	vld.idx.msk [tilespmem:v1+s20+$0x0], $0xffff  }
0x261: {  	v7 =	vld.idx.msk [tilespmem:v2+s20+$0x0], $0xffff  }
0x262: {  	v6 =	vld.idx.msk [tilespmem:v3+s20+$0x0], $0xffff  }
0x263: {  	v3 =	vld.idx.msk [tilespmem:v8+s20+$0x0], $0xffff  }
0x264: {  	v2 =	vld [tilespmem:s1+$0x0]  }
0x265: {  	s30 =	simm.s32 $0x1C720;
	s3 =	simm.s32 $0x20B0  }
.LBB2_64:
0x266: {  	v8 =	vld [tilespmem:s3+$0xFFFFFFE0];
	[tilespmem:s30+$0xFFFFFFE0] =	vst v7  }
0x267: {  	v9 =	vld [tilespmem:s3+$0xFFFFFFF0];
	[tilespmem:s30+$0xFFFFFFF0] =	vst v1  }
0x268: {  	s0 =	sadd.s32 $0x40, s0;
	v1 =	vld.idx.msk [tilespmem:v4+s20+$0x0], $0xffff;
	[tilespmem:s30+$0x0] =	vst v6  }
0x269: {  	s1 =	sand.u32 $0xFC0, s0;
	p1 =	slt.u32 s0, $0xFC0;
	v7 =	vld.idx.msk [tilespmem:v5+s20+$0x0], $0xffff;
	[tilespmem:s30+$0x10] =	vst v3  }
.Ltmp17:
0x26a: {  	v5 =	vld [tilespmem:s1+$0x2000];
	(pc) =	sbr.rel @p1 .LBB2_64-.Ltmp17, $4  }
0x26b: {  	v6 =	vld.idx.msk [tilespmem:v0+s20+$0x0], $0xffff;
	v4 =	vmov v8  }
0x26c: {  	v3 =	vld.idx.msk [tilespmem:v2+s20+$0x0], $0xffff;
	v0 =	vmov v9  }
0x26d: {  	v2 =	vld [tilespmem:s3+$0x0]  }
0x26e: {  	s30 =	sadd.s32 $0x40, s30;
	s3 =	sadd.s32 $0x40, s3  }
0x26f: {  	_ =	sdelay $0x3  }
0x270: {  	v5 =	vld.idx.msk [tilespmem:v5+s20+$0x0], $0xffff  }
0x271: {  	[tilespmem:s30+$0xFFFFFFE0] =	vst v7;
	v4 =	vld.idx.msk [tilespmem:v4+s20+$0x0], $0xffff  }
0x272: {  	[tilespmem:s30+$0xFFFFFFF0] =	vst v1;
	v0 =	vld.idx.msk [tilespmem:v0+s20+$0x0], $0xffff  }
0x273: {  	[tilespmem:s30+$0x0] =	vst v6;
	v1 =	vld.idx.msk [tilespmem:v2+s20+$0x0], $0xffff  }
0x274: {  	s0 =	sadd.s32 $0x40, s30;
	[tilespmem:s30+$0x10] =	vst v3  }
0x275: {  	[tilespmem:s0+$0xFFFFFFE0] =	vst v5  }
0x276: {  	[tilespmem:s0+$0xFFFFFFF0] =	vst v4  }
0x277: {  	[tilespmem:s0+$0x0] =	vst v0  }
0x278: {  	[tilespmem:s0+$0x10] =	vst v1  }
0x279: {  	[hbm4b:s15+s18] =	stream.strided.scatter [tilespmem:s23], [sflag:$0x1], $0x1000, s19, s18, $0x38;
	[tilespmem:$0x1E700] =	vst v63  }
0x27a: {  	_ =	swait.ge [sflag:s26], $0x1000  }
0x27b: {  	[sflag:s26] =	ssyncset.done $0x0  }
0x27c: {  	s3 =	simm.s32 $0x3030;
	s1 =	simm.s32 $0x0;
	[sflag:s26] =	ssyncadd.s32 $0xFFFFF000  }
0x27d: {  	s1 =	sand.u32 $0xFC0, s1;
	v1 =	vld [tilespmem:s3+$0xFFFFFFE0]  }
0x27e: {  	v2 =	vld [tilespmem:s1+$0x3000]  }
0x27f: {  	v3 =	vld [tilespmem:s3+$0xFFFFFFF0]  }
0x280: {  	v8 =	vld [tilespmem:s3+$0x0]  }
0x281: {  	s1 =	simm.s32 $0x3070  }
0x282: {  	s0 =	simm.s32 $0x40;
	v4 =	vld [tilespmem:s1+$0xFFFFFFE0]  }
0x283: {  	s3 =	sand.u32 $0xFC0, s0;
	v0 =	vld [tilespmem:s1+$0xFFFFFFF0]  }
0x284: {  	v5 =	vld [tilespmem:s3+$0x3000]  }
0x285: {  	v1 =	vld.idx.msk [tilespmem:v1+s20+$0x0], $0xffff  }
0x286: {  	v7 =	vld.idx.msk [tilespmem:v2+s20+$0x0], $0xffff  }
0x287: {  	v6 =	vld.idx.msk [tilespmem:v3+s20+$0x0], $0xffff  }
0x288: {  	v3 =	vld.idx.msk [tilespmem:v8+s20+$0x0], $0xffff  }
0x289: {  	v2 =	vld [tilespmem:s1+$0x0]  }
0x28a: {  	s30 =	simm.s32 $0x1D720;
	s3 =	simm.s32 $0x30B0  }
.LBB2_66:
0x28b: {  	v8 =	vld [tilespmem:s3+$0xFFFFFFE0];
	[tilespmem:s30+$0xFFFFFFE0] =	vst v7  }
0x28c: {  	v9 =	vld [tilespmem:s3+$0xFFFFFFF0];
	[tilespmem:s30+$0xFFFFFFF0] =	vst v1  }
0x28d: {  	s0 =	sadd.s32 $0x40, s0;
	v1 =	vld.idx.msk [tilespmem:v4+s20+$0x0], $0xffff;
	[tilespmem:s30+$0x0] =	vst v6  }
0x28e: {  	s1 =	sand.u32 $0xFC0, s0;
	p1 =	slt.u32 s0, $0xFC0;
	v7 =	vld.idx.msk [tilespmem:v5+s20+$0x0], $0xffff;
	[tilespmem:s30+$0x10] =	vst v3  }
.Ltmp18:
0x28f: {  	v5 =	vld [tilespmem:s1+$0x3000];
	(pc) =	sbr.rel @p1 .LBB2_66-.Ltmp18, $4  }
0x290: {  	v6 =	vld.idx.msk [tilespmem:v0+s20+$0x0], $0xffff;
	v4 =	vmov v8  }
0x291: {  	v3 =	vld.idx.msk [tilespmem:v2+s20+$0x0], $0xffff;
	v0 =	vmov v9  }
0x292: {  	v2 =	vld [tilespmem:s3+$0x0]  }
0x293: {  	s30 =	sadd.s32 $0x40, s30;
	s3 =	sadd.s32 $0x40, s3  }
.Ltmp19:
0x294: {  	_ = 	snop;
	(pc) =	sbr.rel .LBB2_67-.Ltmp19, $1  }
0x295: {  	_ =	sdelay $0x3  }
.LBB2_2:
0x296: {  	s0 =	rddreg [dreg:$0x2];
	s1 =	simm.s32 $0x0  }
0x297: {  	[tilespmem:s1], [sflag:$0x3] =	stream.linear.gather [hbm4b:s0+s1], $0x4000, $0x38;
	[tilespmem:$0x1E700] =	vst v63  }
0x298: {  	s3 =	rddreg [dreg:$0x7]  }
0x299: {  	[tilespmem:s20], [sflag:$0x4] =	stream.strided.gather [hbm4b:s3+s18], $0x18700, s19, s18, $0x38;
	[tilespmem:$0x1E700] =	vst v63  }
0x29a: {  	_ =	swait.ge [sflag:s21], $0x4000  }
0x29b: {  	[sflag:s21] =	ssyncset.done $0x0  }
0x29c: {  	[sflag:s21] =	ssyncadd.s32 $0xFFFFC000  }
0x29d: {  	_ =	swait.ge [sflag:s22], $0x18700  }
0x29e: {  	[sflag:s22] =	ssyncset.done $0x0  }
0x29f: {  	s1 =	simm.s32 $0x20;
	[sflag:s22] =	ssyncadd.s32 $0xFFFE7900  }
0x2a0: {  	v0 =	vld [tilespmem:s1+$0x10];
	_ =	sdelay $0x1  }
0x2a1: {  	v2 =	vld [tilespmem:s1+$0xFFFFFFE0]  }
0x2a2: {  	v3 =	vld [tilespmem:s1+$0xFFFFFFF0]  }
0x2a3: {  	s3 =	simm.s32 $0x60;
	v4 =	vld [tilespmem:s1+$0x0]  }
0x2a4: {  	v7 =	vld [tilespmem:s3+$0x10]  }
0x2a5: {  	v1 =	vld [tilespmem:s3+$0xFFFFFFF0]  }
0x2a6: {  	v6 =	vld [tilespmem:s3+$0xFFFFFFE0]  }
0x2a7: {  	v8 =	vld.idx.msk [tilespmem:v0+s20+$0x0], $0xffff  }
0x2a8: {  	v0 =	vld [tilespmem:s3+$0x0]  }
0x2a9: {  	v5 =	vld.idx.msk [tilespmem:v2+s20+$0x0], $0xffff  }
0x2aa: {  	v2 =	vld.idx.msk [tilespmem:v3+s20+$0x0], $0xffff  }
0x2ab: {  	s30 =	simm.s32 $0x1C720;
	v3 =	vld.idx.msk [tilespmem:v4+s20+$0x0], $0xffff  }
0x2ac: {  	s0 =	simm.s32 $0x40;
	v4 =	vld.idx.msk [tilespmem:v7+s20+$0x0], $0xffff;
	s3 =	simm.s32 $0xA0;
	[tilespmem:s30+$0x10] =	vst v8  }
.LBB2_3:
0x2ad: {  	v7 =	vld [tilespmem:s3+$0x10];
	s0 =	sadd.s32 $0x40, s0  }
0x2ae: {  	v8 =	vld [tilespmem:s3+$0xFFFFFFF0];
	p1 =	slt.u32 s0, $0xFC0;
	[tilespmem:s30+$0xFFFFFFE0] =	vst v5  }
0x2af: {  	v9 =	vld [tilespmem:s3+$0x0];
	[tilespmem:s30+$0xFFFFFFF0] =	vst v2  }
0x2b0: {  	v10 =	vld [tilespmem:s3+$0xFFFFFFE0];
	[tilespmem:s30+$0x0] =	vst v3  }
.Ltmp20:
0x2b1: {  	s30 =	sadd.s32 $0x40, s30;
	v5 =	vld.idx.msk [tilespmem:v6+s20+$0x0], $0xffff;
	(pc) =	sbr.rel @p1 .LBB2_3-.Ltmp20, $4  }
0x2b2: {  	v2 =	vld.idx.msk [tilespmem:v1+s20+$0x0], $0xffff;
	[tilespmem:s30+$0x10] =	vst v4  }
0x2b3: {  	v3 =	vld.idx.msk [tilespmem:v0+s20+$0x0], $0xffff;
	v1 =	vmov v8  }
0x2b4: {  	v0 =	vmov v9  }
0x2b5: {  	s3 =	sadd.s32 $0x40, s3;
	v4 =	vld.idx.msk [tilespmem:v7+s20+$0x0], $0xffff;
	v6 =	vmov v10  }
0x2b6: {  	_ =	sdelay $0x3  }
0x2b7: {  	v6 =	vld.idx.msk [tilespmem:v6+s20+$0x0], $0xffff  }
0x2b8: {  	[tilespmem:s30+$0xFFFFFFE0] =	vst v5;
	v1 =	vld.idx.msk [tilespmem:v1+s20+$0x0], $0xffff  }
0x2b9: {  	v0 =	vld.idx.msk [tilespmem:v0+s20+$0x0], $0xffff;
	[tilespmem:s30+$0xFFFFFFF0] =	vst v2  }
0x2ba: {  	s0 =	sadd.s32 $0x40, s30;
	[tilespmem:s30+$0x0] =	vst v3  }
0x2bb: {  	[tilespmem:s0+$0x10] =	vst v4  }
0x2bc: {  	[tilespmem:s0+$0xFFFFFFE0] =	vst v6  }
0x2bd: {  	[tilespmem:s0+$0xFFFFFFF0] =	vst v1  }
0x2be: {  	[tilespmem:s0+$0x0] =	vst v0  }
0x2bf: {  	s1 =	simm.s32 $0x1030;
	s3 =	simm.s32 $0x0;
	s0 =	rddreg [dreg:$0x8]  }
0x2c0: {  	[hbm4b:s0+s18] =	stream.strided.scatter [tilespmem:s23], [sflag:$0x1], $0x1000, s19, s18, $0x38;
	[tilespmem:$0x1E700] =	vst v63  }
0x2c1: {  	s3 =	sand.u32 $0xFC0, s3;
	v1 =	vld [tilespmem:s1+$0xFFFFFFE0]  }
0x2c2: {  	v2 =	vld [tilespmem:s3+$0x1000]  }
0x2c3: {  	v3 =	vld [tilespmem:s1+$0xFFFFFFF0]  }
0x2c4: {  	v8 =	vld [tilespmem:s1+$0x0]  }
0x2c5: {  	s1 =	simm.s32 $0x1070  }
0x2c6: {  	s0 =	simm.s32 $0x40;
	v4 =	vld [tilespmem:s1+$0xFFFFFFE0]  }
0x2c7: {  	s30 =	sand.u32 $0xFC0, s0;
	v0 =	vld [tilespmem:s1+$0xFFFFFFF0]  }
0x2c8: {  	v5 =	vld [tilespmem:s30+$0x1000]  }
0x2c9: {  	v1 =	vld.idx.msk [tilespmem:v1+s20+$0x0], $0xffff  }
0x2ca: {  	v7 =	vld.idx.msk [tilespmem:v2+s20+$0x0], $0xffff  }
0x2cb: {  	v6 =	vld.idx.msk [tilespmem:v3+s20+$0x0], $0xffff  }
0x2cc: {  	v3 =	vld.idx.msk [tilespmem:v8+s20+$0x0], $0xffff  }
0x2cd: {  	v2 =	vld [tilespmem:s1+$0x0]  }
0x2ce: {  	s3 =	simm.s32 $0x10B0;
	s30 =	simm.s32 $0x1D720  }
.LBB2_5:
0x2cf: {  	v8 =	vld [tilespmem:s3+$0xFFFFFFE0];
	[tilespmem:s30+$0xFFFFFFE0] =	vst v7  }
0x2d0: {  	v9 =	vld [tilespmem:s3+$0xFFFFFFF0];
	[tilespmem:s30+$0xFFFFFFF0] =	vst v1  }
0x2d1: {  	s0 =	sadd.s32 $0x40, s0;
	v1 =	vld.idx.msk [tilespmem:v4+s20+$0x0], $0xffff;
	[tilespmem:s30+$0x0] =	vst v6  }
0x2d2: {  	s1 =	sand.u32 $0xFC0, s0;
	p1 =	slt.u32 s0, $0xFC0;
	v7 =	vld.idx.msk [tilespmem:v5+s20+$0x0], $0xffff;
	[tilespmem:s30+$0x10] =	vst v3  }
.Ltmp21:
0x2d3: {  	v5 =	vld [tilespmem:s1+$0x1000];
	(pc) =	sbr.rel @p1 .LBB2_5-.Ltmp21, $4  }
0x2d4: {  	v6 =	vld.idx.msk [tilespmem:v0+s20+$0x0], $0xffff;
	v4 =	vmov v8  }
0x2d5: {  	v3 =	vld.idx.msk [tilespmem:v2+s20+$0x0], $0xffff;
	v0 =	vmov v9  }
0x2d6: {  	v2 =	vld [tilespmem:s3+$0x0]  }
0x2d7: {  	s30 =	sadd.s32 $0x40, s30;
	s3 =	sadd.s32 $0x40, s3  }
0x2d8: {  	_ =	sdelay $0x3  }
0x2d9: {  	v5 =	vld.idx.msk [tilespmem:v5+s20+$0x0], $0xffff  }
0x2da: {  	[tilespmem:s30+$0xFFFFFFE0] =	vst v7;
	v4 =	vld.idx.msk [tilespmem:v4+s20+$0x0], $0xffff  }
0x2db: {  	[tilespmem:s30+$0xFFFFFFF0] =	vst v1;
	v0 =	vld.idx.msk [tilespmem:v0+s20+$0x0], $0xffff  }
0x2dc: {  	[tilespmem:s30+$0x0] =	vst v6;
	v1 =	vld.idx.msk [tilespmem:v2+s20+$0x0], $0xffff  }
0x2dd: {  	s0 =	sadd.s32 $0x40, s30;
	[tilespmem:s30+$0x10] =	vst v3  }
0x2de: {  	[tilespmem:s0+$0xFFFFFFE0] =	vst v5  }
0x2df: {  	[tilespmem:s0+$0xFFFFFFF0] =	vst v4  }
0x2e0: {  	[tilespmem:s0+$0x0] =	vst v0  }
0x2e1: {  	[tilespmem:s0+$0x10] =	vst v1  }
0x2e2: {  	s0 =	rddreg [dreg:$0x13]  }
0x2e3: {  	[hbm4b:s0+s18] =	stream.strided.scatter [tilespmem:s24], [sflag:$0x2], $0x1000, s19, s18, $0x38;
	[tilespmem:$0x1E700] =	vst v63  }
0x2e4: {  	_ =	swait.ge [sflag:s25], $0x1000  }
0x2e5: {  	[sflag:s25] =	ssyncset.done $0x0  }
0x2e6: {  	s3 =	simm.s32 $0x2030;
	s1 =	simm.s32 $0x0;
	[sflag:s25] =	ssyncadd.s32 $0xFFFFF000  }
0x2e7: {  	s1 =	sand.u32 $0xFC0, s1;
	v1 =	vld [tilespmem:s3+$0xFFFFFFE0]  }
0x2e8: {  	v2 =	vld [tilespmem:s1+$0x2000]  }
0x2e9: {  	v3 =	vld [tilespmem:s3+$0xFFFFFFF0]  }
0x2ea: {  	v8 =	vld [tilespmem:s3+$0x0]  }
0x2eb: {  	s1 =	simm.s32 $0x2070  }
0x2ec: {  	s0 =	simm.s32 $0x40;
	v4 =	vld [tilespmem:s1+$0xFFFFFFE0]  }
0x2ed: {  	s3 =	sand.u32 $0xFC0, s0;
	v0 =	vld [tilespmem:s1+$0xFFFFFFF0]  }
0x2ee: {  	v5 =	vld [tilespmem:s3+$0x2000]  }
0x2ef: {  	v1 =	vld.idx.msk [tilespmem:v1+s20+$0x0], $0xffff  }
0x2f0: {  	v7 =	vld.idx.msk [tilespmem:v2+s20+$0x0], $0xffff  }
0x2f1: {  	v6 =	vld.idx.msk [tilespmem:v3+s20+$0x0], $0xffff  }
0x2f2: {  	v3 =	vld.idx.msk [tilespmem:v8+s20+$0x0], $0xffff  }
0x2f3: {  	v2 =	vld [tilespmem:s1+$0x0]  }
0x2f4: {  	s30 =	simm.s32 $0x1C720;
	s3 =	simm.s32 $0x20B0  }
.LBB2_7:
0x2f5: {  	v8 =	vld [tilespmem:s3+$0xFFFFFFE0];
	[tilespmem:s30+$0xFFFFFFE0] =	vst v7  }
0x2f6: {  	v9 =	vld [tilespmem:s3+$0xFFFFFFF0];
	[tilespmem:s30+$0xFFFFFFF0] =	vst v1  }
0x2f7: {  	s0 =	sadd.s32 $0x40, s0;
	v1 =	vld.idx.msk [tilespmem:v4+s20+$0x0], $0xffff;
	[tilespmem:s30+$0x0] =	vst v6  }
0x2f8: {  	s1 =	sand.u32 $0xFC0, s0;
	p1 =	slt.u32 s0, $0xFC0;
	v7 =	vld.idx.msk [tilespmem:v5+s20+$0x0], $0xffff;
	[tilespmem:s30+$0x10] =	vst v3  }
.Ltmp22:
0x2f9: {  	v5 =	vld [tilespmem:s1+$0x2000];
	(pc) =	sbr.rel @p1 .LBB2_7-.Ltmp22, $4  }
0x2fa: {  	v6 =	vld.idx.msk [tilespmem:v0+s20+$0x0], $0xffff;
	v4 =	vmov v8  }
0x2fb: {  	v3 =	vld.idx.msk [tilespmem:v2+s20+$0x0], $0xffff;
	v0 =	vmov v9  }
0x2fc: {  	v2 =	vld [tilespmem:s3+$0x0]  }
0x2fd: {  	s30 =	sadd.s32 $0x40, s30;
	s3 =	sadd.s32 $0x40, s3  }
0x2fe: {  	_ =	sdelay $0x3  }
0x2ff: {  	v5 =	vld.idx.msk [tilespmem:v5+s20+$0x0], $0xffff  }
0x300: {  	[tilespmem:s30+$0xFFFFFFE0] =	vst v7;
	v4 =	vld.idx.msk [tilespmem:v4+s20+$0x0], $0xffff  }
0x301: {  	[tilespmem:s30+$0xFFFFFFF0] =	vst v1;
	v0 =	vld.idx.msk [tilespmem:v0+s20+$0x0], $0xffff  }
0x302: {  	[tilespmem:s30+$0x0] =	vst v6;
	v1 =	vld.idx.msk [tilespmem:v2+s20+$0x0], $0xffff  }
0x303: {  	s0 =	sadd.s32 $0x40, s30;
	[tilespmem:s30+$0x10] =	vst v3  }
0x304: {  	[tilespmem:s0+$0xFFFFFFE0] =	vst v5  }
0x305: {  	[tilespmem:s0+$0xFFFFFFF0] =	vst v4  }
0x306: {  	[tilespmem:s0+$0x0] =	vst v0  }
0x307: {  	[tilespmem:s0+$0x10] =	vst v1  }
0x308: {  	s0 =	rddreg [dreg:$0x17]  }
0x309: {  	[hbm4b:s0+s18] =	stream.strided.scatter [tilespmem:s23], [sflag:$0x1], $0x1000, s19, s18, $0x38;
	[tilespmem:$0x1E700] =	vst v63  }
0x30a: {  	_ =	swait.ge [sflag:s26], $0x1000  }
0x30b: {  	[sflag:s26] =	ssyncset.done $0x0  }
0x30c: {  	s3 =	simm.s32 $0x3030;
	s1 =	simm.s32 $0x0;
	[sflag:s26] =	ssyncadd.s32 $0xFFFFF000  }
0x30d: {  	s1 =	sand.u32 $0xFC0, s1;
	v1 =	vld [tilespmem:s3+$0xFFFFFFE0]  }
0x30e: {  	v2 =	vld [tilespmem:s1+$0x3000]  }
0x30f: {  	v3 =	vld [tilespmem:s3+$0xFFFFFFF0]  }
0x310: {  	v8 =	vld [tilespmem:s3+$0x0]  }
0x311: {  	s1 =	simm.s32 $0x3070  }
0x312: {  	s0 =	simm.s32 $0x40;
	v4 =	vld [tilespmem:s1+$0xFFFFFFE0]  }
0x313: {  	s3 =	sand.u32 $0xFC0, s0;
	v0 =	vld [tilespmem:s1+$0xFFFFFFF0]  }
0x314: {  	v5 =	vld [tilespmem:s3+$0x3000]  }
0x315: {  	v1 =	vld.idx.msk [tilespmem:v1+s20+$0x0], $0xffff  }
0x316: {  	v7 =	vld.idx.msk [tilespmem:v2+s20+$0x0], $0xffff  }
0x317: {  	v6 =	vld.idx.msk [tilespmem:v3+s20+$0x0], $0xffff  }
0x318: {  	v3 =	vld.idx.msk [tilespmem:v8+s20+$0x0], $0xffff  }
0x319: {  	v2 =	vld [tilespmem:s1+$0x0]  }
0x31a: {  	s30 =	simm.s32 $0x1D720;
	s3 =	simm.s32 $0x30B0  }
.LBB2_9:
0x31b: {  	v8 =	vld [tilespmem:s3+$0xFFFFFFE0];
	[tilespmem:s30+$0xFFFFFFE0] =	vst v7  }
0x31c: {  	v9 =	vld [tilespmem:s3+$0xFFFFFFF0];
	[tilespmem:s30+$0xFFFFFFF0] =	vst v1  }
0x31d: {  	s0 =	sadd.s32 $0x40, s0;
	v1 =	vld.idx.msk [tilespmem:v4+s20+$0x0], $0xffff;
	[tilespmem:s30+$0x0] =	vst v6  }
0x31e: {  	s1 =	sand.u32 $0xFC0, s0;
	p1 =	slt.u32 s0, $0xFC0;
	v7 =	vld.idx.msk [tilespmem:v5+s20+$0x0], $0xffff;
	[tilespmem:s30+$0x10] =	vst v3  }
.Ltmp23:
0x31f: {  	v5 =	vld [tilespmem:s1+$0x3000];
	(pc) =	sbr.rel @p1 .LBB2_9-.Ltmp23, $4  }
0x320: {  	v6 =	vld.idx.msk [tilespmem:v0+s20+$0x0], $0xffff;
	v4 =	vmov v8  }
0x321: {  	v3 =	vld.idx.msk [tilespmem:v2+s20+$0x0], $0xffff;
	v0 =	vmov v9  }
0x322: {  	v2 =	vld [tilespmem:s3+$0x0]  }
0x323: {  	s30 =	sadd.s32 $0x40, s30;
	s3 =	sadd.s32 $0x40, s3  }
0x324: {  	_ =	sdelay $0x3  }
0x325: {  	v5 =	vld.idx.msk [tilespmem:v5+s20+$0x0], $0xffff  }
0x326: {  	[tilespmem:s30+$0xFFFFFFE0] =	vst v7;
	v4 =	vld.idx.msk [tilespmem:v4+s20+$0x0], $0xffff  }
0x327: {  	[tilespmem:s30+$0xFFFFFFF0] =	vst v1;
	v0 =	vld.idx.msk [tilespmem:v0+s20+$0x0], $0xffff  }
0x328: {  	[tilespmem:s30+$0x0] =	vst v6;
	v1 =	vld.idx.msk [tilespmem:v2+s20+$0x0], $0xffff  }
0x329: {  	s0 =	sadd.s32 $0x40, s30;
	[tilespmem:s30+$0x10] =	vst v3  }
0x32a: {  	[tilespmem:s0+$0xFFFFFFE0] =	vst v5  }
0x32b: {  	[tilespmem:s0+$0xFFFFFFF0] =	vst v4  }
0x32c: {  	[tilespmem:s0+$0x0] =	vst v0  }
0x32d: {  	[tilespmem:s0+$0x10] =	vst v1  }
0x32e: {  	s0 =	rddreg [dreg:$0x1b]  }
0x32f: {  	[hbm4b:s0+s18] =	stream.strided.scatter [tilespmem:s24], [sflag:$0x2], $0x1000, s19, s18, $0x38;
	[tilespmem:$0x1E700] =	vst v63  }
0x330: {  	s3 =	rddreg [dreg:$0x9]  }
0x331: {  	[tilespmem:s20], [sflag:$0x5] =	stream.strided.gather [hbm4b:s3+s18], $0x18700, s19, s18, $0x38;
	[tilespmem:$0x1E700] =	vst v63  }
0x332: {  	_ =	swait.ge [sflag:s28], $0x18700  }
0x333: {  	[sflag:s28] =	ssyncset.done $0x0  }
0x334: {  	[sflag:s28] =	ssyncadd.s32 $0xFFFE7900  }
0x335: {  	_ =	swait.ge [sflag:s25], $0x1000  }
0x336: {  	[sflag:s25] =	ssyncset.done $0x0  }
0x337: {  	s1 =	simm.s32 $0x20;
	[sflag:s25] =	ssyncadd.s32 $0xFFFFF000  }
0x338: {  	v0 =	vld [tilespmem:s1+$0x10];
	_ =	sdelay $0x1  }
0x339: {  	v2 =	vld [tilespmem:s1+$0xFFFFFFE0]  }
0x33a: {  	v3 =	vld [tilespmem:s1+$0xFFFFFFF0]  }
0x33b: {  	s3 =	simm.s32 $0x60;
	v4 =	vld [tilespmem:s1+$0x0]  }
0x33c: {  	v7 =	vld [tilespmem:s3+$0x10]  }
0x33d: {  	v1 =	vld [tilespmem:s3+$0xFFFFFFF0]  }
0x33e: {  	v6 =	vld [tilespmem:s3+$0xFFFFFFE0]  }
0x33f: {  	v8 =	vld.idx.msk [tilespmem:v0+s20+$0x0], $0xffff  }
0x340: {  	v0 =	vld [tilespmem:s3+$0x0]  }
0x341: {  	v5 =	vld.idx.msk [tilespmem:v2+s20+$0x0], $0xffff  }
0x342: {  	v2 =	vld.idx.msk [tilespmem:v3+s20+$0x0], $0xffff  }
0x343: {  	s30 =	simm.s32 $0x1C720;
	v3 =	vld.idx.msk [tilespmem:v4+s20+$0x0], $0xffff  }
0x344: {  	s0 =	simm.s32 $0x40;
	v4 =	vld.idx.msk [tilespmem:v7+s20+$0x0], $0xffff;
	s3 =	simm.s32 $0xA0;
	[tilespmem:s30+$0x10] =	vst v8  }
.LBB2_11:
0x345: {  	v7 =	vld [tilespmem:s3+$0x10];
	s0 =	sadd.s32 $0x40, s0  }
0x346: {  	v8 =	vld [tilespmem:s3+$0xFFFFFFF0];
	p1 =	slt.u32 s0, $0xFC0;
	[tilespmem:s30+$0xFFFFFFE0] =	vst v5  }
0x347: {  	v9 =	vld [tilespmem:s3+$0x0];
	[tilespmem:s30+$0xFFFFFFF0] =	vst v2  }
0x348: {  	v10 =	vld [tilespmem:s3+$0xFFFFFFE0];
	[tilespmem:s30+$0x0] =	vst v3  }
.Ltmp24:
0x349: {  	s30 =	sadd.s32 $0x40, s30;
	v5 =	vld.idx.msk [tilespmem:v6+s20+$0x0], $0xffff;
	(pc) =	sbr.rel @p1 .LBB2_11-.Ltmp24, $4  }
0x34a: {  	v2 =	vld.idx.msk [tilespmem:v1+s20+$0x0], $0xffff;
	[tilespmem:s30+$0x10] =	vst v4  }
0x34b: {  	v3 =	vld.idx.msk [tilespmem:v0+s20+$0x0], $0xffff;
	v1 =	vmov v8  }
0x34c: {  	v0 =	vmov v9  }
0x34d: {  	s3 =	sadd.s32 $0x40, s3;
	v4 =	vld.idx.msk [tilespmem:v7+s20+$0x0], $0xffff;
	v6 =	vmov v10  }
0x34e: {  	_ =	sdelay $0x3  }
0x34f: {  	v6 =	vld.idx.msk [tilespmem:v6+s20+$0x0], $0xffff  }
0x350: {  	[tilespmem:s30+$0xFFFFFFE0] =	vst v5;
	v1 =	vld.idx.msk [tilespmem:v1+s20+$0x0], $0xffff  }
0x351: {  	v0 =	vld.idx.msk [tilespmem:v0+s20+$0x0], $0xffff;
	[tilespmem:s30+$0xFFFFFFF0] =	vst v2  }
0x352: {  	s0 =	sadd.s32 $0x40, s30;
	[tilespmem:s30+$0x0] =	vst v3  }
0x353: {  	[tilespmem:s0+$0x10] =	vst v4  }
0x354: {  	[tilespmem:s0+$0xFFFFFFE0] =	vst v6  }
0x355: {  	[tilespmem:s0+$0xFFFFFFF0] =	vst v1  }
0x356: {  	[tilespmem:s0+$0x0] =	vst v0  }
0x357: {  	s0 =	rddreg [dreg:$0xa]  }
0x358: {  	[hbm4b:s0+s18] =	stream.strided.scatter [tilespmem:s23], [sflag:$0x1], $0x1000, s19, s18, $0x38;
	[tilespmem:$0x1E700] =	vst v63  }
0x359: {  	_ =	swait.ge [sflag:s26], $0x1000  }
0x35a: {  	[sflag:s26] =	ssyncset.done $0x0  }
0x35b: {  	s3 =	simm.s32 $0x1030;
	s1 =	simm.s32 $0x0;
	[sflag:s26] =	ssyncadd.s32 $0xFFFFF000  }
0x35c: {  	s1 =	sand.u32 $0xFC0, s1;
	v1 =	vld [tilespmem:s3+$0xFFFFFFE0]  }
0x35d: {  	v2 =	vld [tilespmem:s1+$0x1000]  }
0x35e: {  	v3 =	vld [tilespmem:s3+$0xFFFFFFF0]  }
0x35f: {  	v8 =	vld [tilespmem:s3+$0x0]  }
0x360: {  	s1 =	simm.s32 $0x1070  }
0x361: {  	s0 =	simm.s32 $0x40;
	v4 =	vld [tilespmem:s1+$0xFFFFFFE0]  }
0x362: {  	s3 =	sand.u32 $0xFC0, s0;
	v0 =	vld [tilespmem:s1+$0xFFFFFFF0]  }
0x363: {  	v5 =	vld [tilespmem:s3+$0x1000]  }
0x364: {  	v1 =	vld.idx.msk [tilespmem:v1+s20+$0x0], $0xffff  }
0x365: {  	v7 =	vld.idx.msk [tilespmem:v2+s20+$0x0], $0xffff  }
0x366: {  	v6 =	vld.idx.msk [tilespmem:v3+s20+$0x0], $0xffff  }
0x367: {  	v3 =	vld.idx.msk [tilespmem:v8+s20+$0x0], $0xffff  }
0x368: {  	v2 =	vld [tilespmem:s1+$0x0]  }
0x369: {  	s30 =	simm.s32 $0x1D720;
	s3 =	simm.s32 $0x10B0  }
.LBB2_13:
0x36a: {  	v8 =	vld [tilespmem:s3+$0xFFFFFFE0];
	[tilespmem:s30+$0xFFFFFFE0] =	vst v7  }
0x36b: {  	v9 =	vld [tilespmem:s3+$0xFFFFFFF0];
	[tilespmem:s30+$0xFFFFFFF0] =	vst v1  }
0x36c: {  	s0 =	sadd.s32 $0x40, s0;
	v1 =	vld.idx.msk [tilespmem:v4+s20+$0x0], $0xffff;
	[tilespmem:s30+$0x0] =	vst v6  }
0x36d: {  	s1 =	sand.u32 $0xFC0, s0;
	p1 =	slt.u32 s0, $0xFC0;
	v7 =	vld.idx.msk [tilespmem:v5+s20+$0x0], $0xffff;
	[tilespmem:s30+$0x10] =	vst v3  }
.Ltmp25:
0x36e: {  	v5 =	vld [tilespmem:s1+$0x1000];
	(pc) =	sbr.rel @p1 .LBB2_13-.Ltmp25, $4  }
0x36f: {  	v6 =	vld.idx.msk [tilespmem:v0+s20+$0x0], $0xffff;
	v4 =	vmov v8  }
0x370: {  	v3 =	vld.idx.msk [tilespmem:v2+s20+$0x0], $0xffff;
	v0 =	vmov v9  }
0x371: {  	v2 =	vld [tilespmem:s3+$0x0]  }
0x372: {  	s30 =	sadd.s32 $0x40, s30;
	s3 =	sadd.s32 $0x40, s3  }
0x373: {  	_ =	sdelay $0x3  }
0x374: {  	v5 =	vld.idx.msk [tilespmem:v5+s20+$0x0], $0xffff  }
0x375: {  	[tilespmem:s30+$0xFFFFFFE0] =	vst v7;
	v4 =	vld.idx.msk [tilespmem:v4+s20+$0x0], $0xffff  }
0x376: {  	[tilespmem:s30+$0xFFFFFFF0] =	vst v1;
	v0 =	vld.idx.msk [tilespmem:v0+s20+$0x0], $0xffff  }
0x377: {  	[tilespmem:s30+$0x0] =	vst v6;
	v1 =	vld.idx.msk [tilespmem:v2+s20+$0x0], $0xffff  }
0x378: {  	s0 =	sadd.s32 $0x40, s30;
	[tilespmem:s30+$0x10] =	vst v3  }
0x379: {  	[tilespmem:s0+$0xFFFFFFE0] =	vst v5  }
0x37a: {  	[tilespmem:s0+$0xFFFFFFF0] =	vst v4  }
0x37b: {  	[tilespmem:s0+$0x0] =	vst v0  }
0x37c: {  	[tilespmem:s0+$0x10] =	vst v1  }
0x37d: {  	s0 =	rddreg [dreg:$0x14]  }
0x37e: {  	[hbm4b:s0+s18] =	stream.strided.scatter [tilespmem:s24], [sflag:$0x2], $0x1000, s19, s18, $0x38;
	[tilespmem:$0x1E700] =	vst v63  }
0x37f: {  	_ =	swait.ge [sflag:s25], $0x1000  }
0x380: {  	[sflag:s25] =	ssyncset.done $0x0  }
0x381: {  	s3 =	simm.s32 $0x2030;
	s1 =	simm.s32 $0x0;
	[sflag:s25] =	ssyncadd.s32 $0xFFFFF000  }
0x382: {  	s1 =	sand.u32 $0xFC0, s1;
	v1 =	vld [tilespmem:s3+$0xFFFFFFE0]  }
0x383: {  	v2 =	vld [tilespmem:s1+$0x2000]  }
0x384: {  	v3 =	vld [tilespmem:s3+$0xFFFFFFF0]  }
0x385: {  	v8 =	vld [tilespmem:s3+$0x0]  }
0x386: {  	s1 =	simm.s32 $0x2070  }
0x387: {  	s0 =	simm.s32 $0x40;
	v4 =	vld [tilespmem:s1+$0xFFFFFFE0]  }
0x388: {  	s3 =	sand.u32 $0xFC0, s0;
	v0 =	vld [tilespmem:s1+$0xFFFFFFF0]  }
0x389: {  	v5 =	vld [tilespmem:s3+$0x2000]  }
0x38a: {  	v1 =	vld.idx.msk [tilespmem:v1+s20+$0x0], $0xffff  }
0x38b: {  	v7 =	vld.idx.msk [tilespmem:v2+s20+$0x0], $0xffff  }
0x38c: {  	v6 =	vld.idx.msk [tilespmem:v3+s20+$0x0], $0xffff  }
0x38d: {  	v3 =	vld.idx.msk [tilespmem:v8+s20+$0x0], $0xffff  }
0x38e: {  	v2 =	vld [tilespmem:s1+$0x0]  }
0x38f: {  	s30 =	simm.s32 $0x1C720;
	s3 =	simm.s32 $0x20B0  }
.LBB2_15:
0x390: {  	v8 =	vld [tilespmem:s3+$0xFFFFFFE0];
	[tilespmem:s30+$0xFFFFFFE0] =	vst v7  }
0x391: {  	v9 =	vld [tilespmem:s3+$0xFFFFFFF0];
	[tilespmem:s30+$0xFFFFFFF0] =	vst v1  }
0x392: {  	s0 =	sadd.s32 $0x40, s0;
	v1 =	vld.idx.msk [tilespmem:v4+s20+$0x0], $0xffff;
	[tilespmem:s30+$0x0] =	vst v6  }
0x393: {  	s1 =	sand.u32 $0xFC0, s0;
	p1 =	slt.u32 s0, $0xFC0;
	v7 =	vld.idx.msk [tilespmem:v5+s20+$0x0], $0xffff;
	[tilespmem:s30+$0x10] =	vst v3  }
.Ltmp26:
0x394: {  	v5 =	vld [tilespmem:s1+$0x2000];
	(pc) =	sbr.rel @p1 .LBB2_15-.Ltmp26, $4  }
0x395: {  	v6 =	vld.idx.msk [tilespmem:v0+s20+$0x0], $0xffff;
	v4 =	vmov v8  }
0x396: {  	v3 =	vld.idx.msk [tilespmem:v2+s20+$0x0], $0xffff;
	v0 =	vmov v9  }
0x397: {  	v2 =	vld [tilespmem:s3+$0x0]  }
0x398: {  	s30 =	sadd.s32 $0x40, s30;
	s3 =	sadd.s32 $0x40, s3  }
0x399: {  	_ =	sdelay $0x3  }
0x39a: {  	v5 =	vld.idx.msk [tilespmem:v5+s20+$0x0], $0xffff  }
0x39b: {  	[tilespmem:s30+$0xFFFFFFE0] =	vst v7;
	v4 =	vld.idx.msk [tilespmem:v4+s20+$0x0], $0xffff  }
0x39c: {  	[tilespmem:s30+$0xFFFFFFF0] =	vst v1;
	v0 =	vld.idx.msk [tilespmem:v0+s20+$0x0], $0xffff  }
0x39d: {  	[tilespmem:s30+$0x0] =	vst v6;
	v1 =	vld.idx.msk [tilespmem:v2+s20+$0x0], $0xffff  }
0x39e: {  	s0 =	sadd.s32 $0x40, s30;
	[tilespmem:s30+$0x10] =	vst v3  }
0x39f: {  	[tilespmem:s0+$0xFFFFFFE0] =	vst v5  }
0x3a0: {  	[tilespmem:s0+$0xFFFFFFF0] =	vst v4  }
0x3a1: {  	[tilespmem:s0+$0x0] =	vst v0  }
0x3a2: {  	[tilespmem:s0+$0x10] =	vst v1  }
0x3a3: {  	s0 =	rddreg [dreg:$0x18]  }
0x3a4: {  	[hbm4b:s0+s18] =	stream.strided.scatter [tilespmem:s23], [sflag:$0x1], $0x1000, s19, s18, $0x38;
	[tilespmem:$0x1E700] =	vst v63  }
0x3a5: {  	_ =	swait.ge [sflag:s26], $0x1000  }
0x3a6: {  	[sflag:s26] =	ssyncset.done $0x0  }
0x3a7: {  	s3 =	simm.s32 $0x3030;
	s1 =	simm.s32 $0x0;
	[sflag:s26] =	ssyncadd.s32 $0xFFFFF000  }
0x3a8: {  	s1 =	sand.u32 $0xFC0, s1;
	v1 =	vld [tilespmem:s3+$0xFFFFFFE0]  }
0x3a9: {  	v2 =	vld [tilespmem:s1+$0x3000]  }
0x3aa: {  	v3 =	vld [tilespmem:s3+$0xFFFFFFF0]  }
0x3ab: {  	v8 =	vld [tilespmem:s3+$0x0]  }
0x3ac: {  	s1 =	simm.s32 $0x3070  }
0x3ad: {  	s0 =	simm.s32 $0x40;
	v4 =	vld [tilespmem:s1+$0xFFFFFFE0]  }
0x3ae: {  	s3 =	sand.u32 $0xFC0, s0;
	v0 =	vld [tilespmem:s1+$0xFFFFFFF0]  }
0x3af: {  	v5 =	vld [tilespmem:s3+$0x3000]  }
0x3b0: {  	v1 =	vld.idx.msk [tilespmem:v1+s20+$0x0], $0xffff  }
0x3b1: {  	v7 =	vld.idx.msk [tilespmem:v2+s20+$0x0], $0xffff  }
0x3b2: {  	v6 =	vld.idx.msk [tilespmem:v3+s20+$0x0], $0xffff  }
0x3b3: {  	v3 =	vld.idx.msk [tilespmem:v8+s20+$0x0], $0xffff  }
0x3b4: {  	v2 =	vld [tilespmem:s1+$0x0]  }
0x3b5: {  	s30 =	simm.s32 $0x1D720;
	s3 =	simm.s32 $0x30B0  }
.LBB2_17:
0x3b6: {  	v8 =	vld [tilespmem:s3+$0xFFFFFFE0];
	[tilespmem:s30+$0xFFFFFFE0] =	vst v7  }
0x3b7: {  	v9 =	vld [tilespmem:s3+$0xFFFFFFF0];
	[tilespmem:s30+$0xFFFFFFF0] =	vst v1  }
0x3b8: {  	s0 =	sadd.s32 $0x40, s0;
	v1 =	vld.idx.msk [tilespmem:v4+s20+$0x0], $0xffff;
	[tilespmem:s30+$0x0] =	vst v6  }
0x3b9: {  	s1 =	sand.u32 $0xFC0, s0;
	p1 =	slt.u32 s0, $0xFC0;
	v7 =	vld.idx.msk [tilespmem:v5+s20+$0x0], $0xffff;
	[tilespmem:s30+$0x10] =	vst v3  }
.Ltmp27:
0x3ba: {  	v5 =	vld [tilespmem:s1+$0x3000];
	(pc) =	sbr.rel @p1 .LBB2_17-.Ltmp27, $4  }
0x3bb: {  	v6 =	vld.idx.msk [tilespmem:v0+s20+$0x0], $0xffff;
	v4 =	vmov v8  }
0x3bc: {  	v3 =	vld.idx.msk [tilespmem:v2+s20+$0x0], $0xffff;
	v0 =	vmov v9  }
0x3bd: {  	v2 =	vld [tilespmem:s3+$0x0]  }
0x3be: {  	s30 =	sadd.s32 $0x40, s30;
	s3 =	sadd.s32 $0x40, s3  }
0x3bf: {  	_ =	sdelay $0x3  }
0x3c0: {  	v5 =	vld.idx.msk [tilespmem:v5+s20+$0x0], $0xffff  }
0x3c1: {  	[tilespmem:s30+$0xFFFFFFE0] =	vst v7;
	v4 =	vld.idx.msk [tilespmem:v4+s20+$0x0], $0xffff  }
0x3c2: {  	[tilespmem:s30+$0xFFFFFFF0] =	vst v1;
	v0 =	vld.idx.msk [tilespmem:v0+s20+$0x0], $0xffff  }
0x3c3: {  	[tilespmem:s30+$0x0] =	vst v6;
	v1 =	vld.idx.msk [tilespmem:v2+s20+$0x0], $0xffff  }
0x3c4: {  	s0 =	sadd.s32 $0x40, s30;
	[tilespmem:s30+$0x10] =	vst v3  }
0x3c5: {  	[tilespmem:s0+$0xFFFFFFE0] =	vst v5  }
0x3c6: {  	[tilespmem:s0+$0xFFFFFFF0] =	vst v4  }
0x3c7: {  	[tilespmem:s0+$0x0] =	vst v0  }
0x3c8: {  	[tilespmem:s0+$0x10] =	vst v1  }
0x3c9: {  	s0 =	sld [smem:$0x7FD];
	_ =	sdelay $0x2  }
0x3ca: {  	[hbm4b:s0+s18] =	stream.strided.scatter [tilespmem:s24], [sflag:$0x2], $0x1000, s19, s18, $0x38;
	[tilespmem:$0x1E700] =	vst v63  }
0x3cb: {  	s3 =	rddreg [dreg:$0xb]  }
0x3cc: {  	[tilespmem:s20], [sflag:$0x5] =	stream.strided.gather [hbm4b:s3+s18], $0x18700, s19, s18, $0x38;
	[tilespmem:$0x1E700] =	vst v63  }
0x3cd: {  	_ =	swait.ge [sflag:s28], $0x18700  }
0x3ce: {  	[sflag:s28] =	ssyncset.done $0x0  }
0x3cf: {  	[sflag:s28] =	ssyncadd.s32 $0xFFFE7900  }
0x3d0: {  	_ =	swait.ge [sflag:s25], $0x1000  }
0x3d1: {  	[sflag:s25] =	ssyncset.done $0x0  }
0x3d2: {  	s1 =	simm.s32 $0x20;
	[sflag:s25] =	ssyncadd.s32 $0xFFFFF000  }
0x3d3: {  	v0 =	vld [tilespmem:s1+$0x10];
	_ =	sdelay $0x1  }
0x3d4: {  	v2 =	vld [tilespmem:s1+$0xFFFFFFE0]  }
0x3d5: {  	v3 =	vld [tilespmem:s1+$0xFFFFFFF0]  }
0x3d6: {  	s3 =	simm.s32 $0x60;
	v4 =	vld [tilespmem:s1+$0x0]  }
0x3d7: {  	v7 =	vld [tilespmem:s3+$0x10]  }
0x3d8: {  	v1 =	vld [tilespmem:s3+$0xFFFFFFF0]  }
0x3d9: {  	v6 =	vld [tilespmem:s3+$0xFFFFFFE0]  }
0x3da: {  	v8 =	vld.idx.msk [tilespmem:v0+s20+$0x0], $0xffff  }
0x3db: {  	v0 =	vld [tilespmem:s3+$0x0]  }
0x3dc: {  	v5 =	vld.idx.msk [tilespmem:v2+s20+$0x0], $0xffff  }
0x3dd: {  	v2 =	vld.idx.msk [tilespmem:v3+s20+$0x0], $0xffff  }
0x3de: {  	s30 =	simm.s32 $0x1C720;
	v3 =	vld.idx.msk [tilespmem:v4+s20+$0x0], $0xffff  }
0x3df: {  	s0 =	simm.s32 $0x40;
	v4 =	vld.idx.msk [tilespmem:v7+s20+$0x0], $0xffff;
	s3 =	simm.s32 $0xA0;
	[tilespmem:s30+$0x10] =	vst v8  }
.LBB2_19:
0x3e0: {  	v7 =	vld [tilespmem:s3+$0x10];
	s0 =	sadd.s32 $0x40, s0  }
0x3e1: {  	v8 =	vld [tilespmem:s3+$0xFFFFFFF0];
	p1 =	slt.u32 s0, $0xFC0;
	[tilespmem:s30+$0xFFFFFFE0] =	vst v5  }
0x3e2: {  	v9 =	vld [tilespmem:s3+$0x0];
	[tilespmem:s30+$0xFFFFFFF0] =	vst v2  }
0x3e3: {  	v10 =	vld [tilespmem:s3+$0xFFFFFFE0];
	[tilespmem:s30+$0x0] =	vst v3  }
.Ltmp28:
0x3e4: {  	s30 =	sadd.s32 $0x40, s30;
	v5 =	vld.idx.msk [tilespmem:v6+s20+$0x0], $0xffff;
	(pc) =	sbr.rel @p1 .LBB2_19-.Ltmp28, $4  }
0x3e5: {  	v2 =	vld.idx.msk [tilespmem:v1+s20+$0x0], $0xffff;
	[tilespmem:s30+$0x10] =	vst v4  }
0x3e6: {  	v3 =	vld.idx.msk [tilespmem:v0+s20+$0x0], $0xffff;
	v1 =	vmov v8  }
0x3e7: {  	v0 =	vmov v9  }
0x3e8: {  	s3 =	sadd.s32 $0x40, s3;
	v4 =	vld.idx.msk [tilespmem:v7+s20+$0x0], $0xffff;
	v6 =	vmov v10  }
0x3e9: {  	_ =	sdelay $0x3  }
0x3ea: {  	v6 =	vld.idx.msk [tilespmem:v6+s20+$0x0], $0xffff  }
0x3eb: {  	[tilespmem:s30+$0xFFFFFFE0] =	vst v5;
	v1 =	vld.idx.msk [tilespmem:v1+s20+$0x0], $0xffff  }
0x3ec: {  	v0 =	vld.idx.msk [tilespmem:v0+s20+$0x0], $0xffff;
	[tilespmem:s30+$0xFFFFFFF0] =	vst v2  }
0x3ed: {  	s0 =	sadd.s32 $0x40, s30;
	[tilespmem:s30+$0x0] =	vst v3  }
0x3ee: {  	[tilespmem:s0+$0x10] =	vst v4  }
0x3ef: {  	[tilespmem:s0+$0xFFFFFFE0] =	vst v6  }
0x3f0: {  	[tilespmem:s0+$0xFFFFFFF0] =	vst v1  }
0x3f1: {  	[tilespmem:s0+$0x0] =	vst v0  }
0x3f2: {  	s0 =	rddreg [dreg:$0x11]  }
0x3f3: {  	[hbm4b:s0+s18] =	stream.strided.scatter [tilespmem:s23], [sflag:$0x1], $0x1000, s19, s18, $0x38;
	[tilespmem:$0x1E700] =	vst v63  }
0x3f4: {  	_ =	swait.ge [sflag:s26], $0x1000  }
0x3f5: {  	[sflag:s26] =	ssyncset.done $0x0  }
0x3f6: {  	s3 =	simm.s32 $0x1030;
	s1 =	simm.s32 $0x0;
	[sflag:s26] =	ssyncadd.s32 $0xFFFFF000  }
0x3f7: {  	s1 =	sand.u32 $0xFC0, s1;
	v1 =	vld [tilespmem:s3+$0xFFFFFFE0]  }
0x3f8: {  	v2 =	vld [tilespmem:s1+$0x1000]  }
0x3f9: {  	v3 =	vld [tilespmem:s3+$0xFFFFFFF0]  }
0x3fa: {  	v8 =	vld [tilespmem:s3+$0x0]  }
0x3fb: {  	s1 =	simm.s32 $0x1070  }
0x3fc: {  	s0 =	simm.s32 $0x40;
	v4 =	vld [tilespmem:s1+$0xFFFFFFE0]  }
0x3fd: {  	s3 =	sand.u32 $0xFC0, s0;
	v0 =	vld [tilespmem:s1+$0xFFFFFFF0]  }
0x3fe: {  	v5 =	vld [tilespmem:s3+$0x1000]  }
0x3ff: {  	v1 =	vld.idx.msk [tilespmem:v1+s20+$0x0], $0xffff  }
0x400: {  	v7 =	vld.idx.msk [tilespmem:v2+s20+$0x0], $0xffff  }
0x401: {  	v6 =	vld.idx.msk [tilespmem:v3+s20+$0x0], $0xffff  }
0x402: {  	v3 =	vld.idx.msk [tilespmem:v8+s20+$0x0], $0xffff  }
0x403: {  	v2 =	vld [tilespmem:s1+$0x0]  }
0x404: {  	s30 =	simm.s32 $0x1D720;
	s3 =	simm.s32 $0x10B0  }
.LBB2_21:
0x405: {  	v8 =	vld [tilespmem:s3+$0xFFFFFFE0];
	[tilespmem:s30+$0xFFFFFFE0] =	vst v7  }
0x406: {  	v9 =	vld [tilespmem:s3+$0xFFFFFFF0];
	[tilespmem:s30+$0xFFFFFFF0] =	vst v1  }
0x407: {  	s0 =	sadd.s32 $0x40, s0;
	v1 =	vld.idx.msk [tilespmem:v4+s20+$0x0], $0xffff;
	[tilespmem:s30+$0x0] =	vst v6  }
0x408: {  	s1 =	sand.u32 $0xFC0, s0;
	p1 =	slt.u32 s0, $0xFC0;
	v7 =	vld.idx.msk [tilespmem:v5+s20+$0x0], $0xffff;
	[tilespmem:s30+$0x10] =	vst v3  }
.Ltmp29:
0x409: {  	v5 =	vld [tilespmem:s1+$0x1000];
	(pc) =	sbr.rel @p1 .LBB2_21-.Ltmp29, $4  }
0x40a: {  	v6 =	vld.idx.msk [tilespmem:v0+s20+$0x0], $0xffff;
	v4 =	vmov v8  }
0x40b: {  	v3 =	vld.idx.msk [tilespmem:v2+s20+$0x0], $0xffff;
	v0 =	vmov v9  }
0x40c: {  	v2 =	vld [tilespmem:s3+$0x0]  }
0x40d: {  	s30 =	sadd.s32 $0x40, s30;
	s3 =	sadd.s32 $0x40, s3  }
0x40e: {  	_ =	sdelay $0x3  }
0x40f: {  	v5 =	vld.idx.msk [tilespmem:v5+s20+$0x0], $0xffff  }
0x410: {  	[tilespmem:s30+$0xFFFFFFE0] =	vst v7;
	v4 =	vld.idx.msk [tilespmem:v4+s20+$0x0], $0xffff  }
0x411: {  	[tilespmem:s30+$0xFFFFFFF0] =	vst v1;
	v0 =	vld.idx.msk [tilespmem:v0+s20+$0x0], $0xffff  }
0x412: {  	[tilespmem:s30+$0x0] =	vst v6;
	v1 =	vld.idx.msk [tilespmem:v2+s20+$0x0], $0xffff  }
0x413: {  	s0 =	sadd.s32 $0x40, s30;
	[tilespmem:s30+$0x10] =	vst v3  }
0x414: {  	[tilespmem:s0+$0xFFFFFFE0] =	vst v5  }
0x415: {  	[tilespmem:s0+$0xFFFFFFF0] =	vst v4  }
0x416: {  	[tilespmem:s0+$0x0] =	vst v0  }
0x417: {  	[tilespmem:s0+$0x10] =	vst v1  }
0x418: {  	s0 =	rddreg [dreg:$0x15]  }
0x419: {  	[hbm4b:s0+s18] =	stream.strided.scatter [tilespmem:s24], [sflag:$0x2], $0x1000, s19, s18, $0x38;
	[tilespmem:$0x1E700] =	vst v63  }
0x41a: {  	_ =	swait.ge [sflag:s25], $0x1000  }
0x41b: {  	[sflag:s25] =	ssyncset.done $0x0  }
0x41c: {  	s3 =	simm.s32 $0x2030;
	s1 =	simm.s32 $0x0;
	[sflag:s25] =	ssyncadd.s32 $0xFFFFF000  }
0x41d: {  	s1 =	sand.u32 $0xFC0, s1;
	v1 =	vld [tilespmem:s3+$0xFFFFFFE0]  }
0x41e: {  	v2 =	vld [tilespmem:s1+$0x2000]  }
0x41f: {  	v3 =	vld [tilespmem:s3+$0xFFFFFFF0]  }
0x420: {  	v8 =	vld [tilespmem:s3+$0x0]  }
0x421: {  	s1 =	simm.s32 $0x2070  }
0x422: {  	s0 =	simm.s32 $0x40;
	v4 =	vld [tilespmem:s1+$0xFFFFFFE0]  }
0x423: {  	s3 =	sand.u32 $0xFC0, s0;
	v0 =	vld [tilespmem:s1+$0xFFFFFFF0]  }
0x424: {  	v5 =	vld [tilespmem:s3+$0x2000]  }
0x425: {  	v1 =	vld.idx.msk [tilespmem:v1+s20+$0x0], $0xffff  }
0x426: {  	v7 =	vld.idx.msk [tilespmem:v2+s20+$0x0], $0xffff  }
0x427: {  	v6 =	vld.idx.msk [tilespmem:v3+s20+$0x0], $0xffff  }
0x428: {  	v3 =	vld.idx.msk [tilespmem:v8+s20+$0x0], $0xffff  }
0x429: {  	v2 =	vld [tilespmem:s1+$0x0]  }
0x42a: {  	s30 =	simm.s32 $0x1C720;
	s3 =	simm.s32 $0x20B0  }
.LBB2_23:
0x42b: {  	v8 =	vld [tilespmem:s3+$0xFFFFFFE0];
	[tilespmem:s30+$0xFFFFFFE0] =	vst v7  }
0x42c: {  	v9 =	vld [tilespmem:s3+$0xFFFFFFF0];
	[tilespmem:s30+$0xFFFFFFF0] =	vst v1  }
0x42d: {  	s0 =	sadd.s32 $0x40, s0;
	v1 =	vld.idx.msk [tilespmem:v4+s20+$0x0], $0xffff;
	[tilespmem:s30+$0x0] =	vst v6  }
0x42e: {  	s1 =	sand.u32 $0xFC0, s0;
	p1 =	slt.u32 s0, $0xFC0;
	v7 =	vld.idx.msk [tilespmem:v5+s20+$0x0], $0xffff;
	[tilespmem:s30+$0x10] =	vst v3  }
.Ltmp30:
0x42f: {  	v5 =	vld [tilespmem:s1+$0x2000];
	(pc) =	sbr.rel @p1 .LBB2_23-.Ltmp30, $4  }
0x430: {  	v6 =	vld.idx.msk [tilespmem:v0+s20+$0x0], $0xffff;
	v4 =	vmov v8  }
0x431: {  	v3 =	vld.idx.msk [tilespmem:v2+s20+$0x0], $0xffff;
	v0 =	vmov v9  }
0x432: {  	v2 =	vld [tilespmem:s3+$0x0]  }
0x433: {  	s30 =	sadd.s32 $0x40, s30;
	s3 =	sadd.s32 $0x40, s3  }
0x434: {  	_ =	sdelay $0x3  }
0x435: {  	v5 =	vld.idx.msk [tilespmem:v5+s20+$0x0], $0xffff  }
0x436: {  	[tilespmem:s30+$0xFFFFFFE0] =	vst v7;
	v4 =	vld.idx.msk [tilespmem:v4+s20+$0x0], $0xffff  }
0x437: {  	[tilespmem:s30+$0xFFFFFFF0] =	vst v1;
	v0 =	vld.idx.msk [tilespmem:v0+s20+$0x0], $0xffff  }
0x438: {  	[tilespmem:s30+$0x0] =	vst v6;
	v1 =	vld.idx.msk [tilespmem:v2+s20+$0x0], $0xffff  }
0x439: {  	s0 =	sadd.s32 $0x40, s30;
	[tilespmem:s30+$0x10] =	vst v3  }
0x43a: {  	[tilespmem:s0+$0xFFFFFFE0] =	vst v5  }
0x43b: {  	[tilespmem:s0+$0xFFFFFFF0] =	vst v4  }
0x43c: {  	[tilespmem:s0+$0x0] =	vst v0  }
0x43d: {  	[tilespmem:s0+$0x10] =	vst v1  }
0x43e: {  	s0 =	rddreg [dreg:$0x19]  }
0x43f: {  	[hbm4b:s0+s18] =	stream.strided.scatter [tilespmem:s23], [sflag:$0x1], $0x1000, s19, s18, $0x38;
	[tilespmem:$0x1E700] =	vst v63  }
0x440: {  	_ =	swait.ge [sflag:s26], $0x1000  }
0x441: {  	[sflag:s26] =	ssyncset.done $0x0  }
0x442: {  	s3 =	simm.s32 $0x3030;
	s1 =	simm.s32 $0x0;
	[sflag:s26] =	ssyncadd.s32 $0xFFFFF000  }
0x443: {  	s1 =	sand.u32 $0xFC0, s1;
	v1 =	vld [tilespmem:s3+$0xFFFFFFE0]  }
0x444: {  	v2 =	vld [tilespmem:s1+$0x3000]  }
0x445: {  	v3 =	vld [tilespmem:s3+$0xFFFFFFF0]  }
0x446: {  	v8 =	vld [tilespmem:s3+$0x0]  }
0x447: {  	s1 =	simm.s32 $0x3070  }
0x448: {  	s0 =	simm.s32 $0x40;
	v4 =	vld [tilespmem:s1+$0xFFFFFFE0]  }
0x449: {  	s3 =	sand.u32 $0xFC0, s0;
	v0 =	vld [tilespmem:s1+$0xFFFFFFF0]  }
0x44a: {  	v5 =	vld [tilespmem:s3+$0x3000]  }
0x44b: {  	v1 =	vld.idx.msk [tilespmem:v1+s20+$0x0], $0xffff  }
0x44c: {  	v7 =	vld.idx.msk [tilespmem:v2+s20+$0x0], $0xffff  }
0x44d: {  	v6 =	vld.idx.msk [tilespmem:v3+s20+$0x0], $0xffff  }
0x44e: {  	v3 =	vld.idx.msk [tilespmem:v8+s20+$0x0], $0xffff  }
0x44f: {  	v2 =	vld [tilespmem:s1+$0x0]  }
0x450: {  	s30 =	simm.s32 $0x1D720;
	s3 =	simm.s32 $0x30B0  }
.LBB2_25:
0x451: {  	v8 =	vld [tilespmem:s3+$0xFFFFFFE0];
	[tilespmem:s30+$0xFFFFFFE0] =	vst v7  }
0x452: {  	v9 =	vld [tilespmem:s3+$0xFFFFFFF0];
	[tilespmem:s30+$0xFFFFFFF0] =	vst v1  }
0x453: {  	s0 =	sadd.s32 $0x40, s0;
	v1 =	vld.idx.msk [tilespmem:v4+s20+$0x0], $0xffff;
	[tilespmem:s30+$0x0] =	vst v6  }
0x454: {  	s1 =	sand.u32 $0xFC0, s0;
	p1 =	slt.u32 s0, $0xFC0;
	v7 =	vld.idx.msk [tilespmem:v5+s20+$0x0], $0xffff;
	[tilespmem:s30+$0x10] =	vst v3  }
.Ltmp31:
0x455: {  	v5 =	vld [tilespmem:s1+$0x3000];
	(pc) =	sbr.rel @p1 .LBB2_25-.Ltmp31, $4  }
0x456: {  	v6 =	vld.idx.msk [tilespmem:v0+s20+$0x0], $0xffff;
	v4 =	vmov v8  }
0x457: {  	v3 =	vld.idx.msk [tilespmem:v2+s20+$0x0], $0xffff;
	v0 =	vmov v9  }
0x458: {  	v2 =	vld [tilespmem:s3+$0x0]  }
0x459: {  	s30 =	sadd.s32 $0x40, s30;
	s3 =	sadd.s32 $0x40, s3  }
0x45a: {  	_ =	sdelay $0x3  }
0x45b: {  	v5 =	vld.idx.msk [tilespmem:v5+s20+$0x0], $0xffff  }
0x45c: {  	[tilespmem:s30+$0xFFFFFFE0] =	vst v7;
	v4 =	vld.idx.msk [tilespmem:v4+s20+$0x0], $0xffff  }
0x45d: {  	[tilespmem:s30+$0xFFFFFFF0] =	vst v1;
	v0 =	vld.idx.msk [tilespmem:v0+s20+$0x0], $0xffff  }
0x45e: {  	[tilespmem:s30+$0x0] =	vst v6;
	v1 =	vld.idx.msk [tilespmem:v2+s20+$0x0], $0xffff  }
0x45f: {  	s0 =	sadd.s32 $0x40, s30;
	[tilespmem:s30+$0x10] =	vst v3  }
0x460: {  	[tilespmem:s0+$0xFFFFFFE0] =	vst v5  }
0x461: {  	[tilespmem:s0+$0xFFFFFFF0] =	vst v4  }
0x462: {  	[tilespmem:s0+$0x0] =	vst v0  }
0x463: {  	[tilespmem:s0+$0x10] =	vst v1  }
0x464: {  	[hbm4b:s8+s18] =	stream.strided.scatter [tilespmem:s24], [sflag:$0x2], $0x1000, s19, s18, $0x38;
	[tilespmem:$0x1E700] =	vst v63  }
0x465: {  	s0 =	rddreg [dreg:$0xc]  }
0x466: {  	[tilespmem:s20], [sflag:$0x5] =	stream.strided.gather [hbm4b:s0+s18], $0x18700, s19, s18, $0x38;
	[tilespmem:$0x1E700] =	vst v63  }
0x467: {  	_ =	swait.ge [sflag:s28], $0x18700  }
0x468: {  	[sflag:s28] =	ssyncset.done $0x0  }
0x469: {  	[sflag:s28] =	ssyncadd.s32 $0xFFFE7900  }
0x46a: {  	_ =	swait.ge [sflag:s25], $0x1000  }
0x46b: {  	[sflag:s25] =	ssyncset.done $0x0  }
0x46c: {  	s1 =	simm.s32 $0x20;
	[sflag:s25] =	ssyncadd.s32 $0xFFFFF000  }
0x46d: {  	v0 =	vld [tilespmem:s1+$0x10];
	_ =	sdelay $0x1  }
0x46e: {  	v2 =	vld [tilespmem:s1+$0xFFFFFFE0]  }
0x46f: {  	v3 =	vld [tilespmem:s1+$0xFFFFFFF0]  }
0x470: {  	s3 =	simm.s32 $0x60;
	v4 =	vld [tilespmem:s1+$0x0]  }
0x471: {  	v7 =	vld [tilespmem:s3+$0x10]  }
0x472: {  	v1 =	vld [tilespmem:s3+$0xFFFFFFF0]  }
0x473: {  	v6 =	vld [tilespmem:s3+$0xFFFFFFE0]  }
0x474: {  	v8 =	vld.idx.msk [tilespmem:v0+s20+$0x0], $0xffff  }
0x475: {  	v0 =	vld [tilespmem:s3+$0x0]  }
0x476: {  	v5 =	vld.idx.msk [tilespmem:v2+s20+$0x0], $0xffff  }
0x477: {  	v2 =	vld.idx.msk [tilespmem:v3+s20+$0x0], $0xffff  }
0x478: {  	s30 =	simm.s32 $0x1C720;
	v3 =	vld.idx.msk [tilespmem:v4+s20+$0x0], $0xffff  }
0x479: {  	s0 =	simm.s32 $0x40;
	v4 =	vld.idx.msk [tilespmem:v7+s20+$0x0], $0xffff;
	s3 =	simm.s32 $0xA0;
	[tilespmem:s30+$0x10] =	vst v8  }
.LBB2_27:
0x47a: {  	v7 =	vld [tilespmem:s3+$0x10];
	s0 =	sadd.s32 $0x40, s0  }
0x47b: {  	v8 =	vld [tilespmem:s3+$0xFFFFFFF0];
	p1 =	slt.u32 s0, $0xFC0;
	[tilespmem:s30+$0xFFFFFFE0] =	vst v5  }
0x47c: {  	v9 =	vld [tilespmem:s3+$0x0];
	[tilespmem:s30+$0xFFFFFFF0] =	vst v2  }
0x47d: {  	v10 =	vld [tilespmem:s3+$0xFFFFFFE0];
	[tilespmem:s30+$0x0] =	vst v3  }
.Ltmp32:
0x47e: {  	s30 =	sadd.s32 $0x40, s30;
	v5 =	vld.idx.msk [tilespmem:v6+s20+$0x0], $0xffff;
	(pc) =	sbr.rel @p1 .LBB2_27-.Ltmp32, $4  }
0x47f: {  	v2 =	vld.idx.msk [tilespmem:v1+s20+$0x0], $0xffff;
	[tilespmem:s30+$0x10] =	vst v4  }
0x480: {  	v3 =	vld.idx.msk [tilespmem:v0+s20+$0x0], $0xffff;
	v1 =	vmov v8  }
0x481: {  	v0 =	vmov v9  }
0x482: {  	s3 =	sadd.s32 $0x40, s3;
	v4 =	vld.idx.msk [tilespmem:v7+s20+$0x0], $0xffff;
	v6 =	vmov v10  }
0x483: {  	_ =	sdelay $0x3  }
0x484: {  	v6 =	vld.idx.msk [tilespmem:v6+s20+$0x0], $0xffff  }
0x485: {  	[tilespmem:s30+$0xFFFFFFE0] =	vst v5;
	v1 =	vld.idx.msk [tilespmem:v1+s20+$0x0], $0xffff  }
0x486: {  	v0 =	vld.idx.msk [tilespmem:v0+s20+$0x0], $0xffff;
	[tilespmem:s30+$0xFFFFFFF0] =	vst v2  }
0x487: {  	s0 =	sadd.s32 $0x40, s30;
	[tilespmem:s30+$0x0] =	vst v3  }
0x488: {  	[tilespmem:s0+$0x10] =	vst v4  }
0x489: {  	[tilespmem:s0+$0xFFFFFFE0] =	vst v6  }
0x48a: {  	[tilespmem:s0+$0xFFFFFFF0] =	vst v1  }
0x48b: {  	[tilespmem:s0+$0x0] =	vst v0  }
0x48c: {  	s0 =	rddreg [dreg:$0x12]  }
0x48d: {  	[hbm4b:s0+s18] =	stream.strided.scatter [tilespmem:s23], [sflag:$0x1], $0x1000, s19, s18, $0x38;
	[tilespmem:$0x1E700] =	vst v63  }
0x48e: {  	_ =	swait.ge [sflag:s26], $0x1000  }
0x48f: {  	[sflag:s26] =	ssyncset.done $0x0  }
0x490: {  	s3 =	simm.s32 $0x1030;
	s1 =	simm.s32 $0x0;
	[sflag:s26] =	ssyncadd.s32 $0xFFFFF000  }
0x491: {  	s1 =	sand.u32 $0xFC0, s1;
	v1 =	vld [tilespmem:s3+$0xFFFFFFE0]  }
0x492: {  	v2 =	vld [tilespmem:s1+$0x1000]  }
0x493: {  	v3 =	vld [tilespmem:s3+$0xFFFFFFF0]  }
0x494: {  	v8 =	vld [tilespmem:s3+$0x0]  }
0x495: {  	s1 =	simm.s32 $0x1070  }
0x496: {  	s0 =	simm.s32 $0x40;
	v4 =	vld [tilespmem:s1+$0xFFFFFFE0]  }
0x497: {  	s3 =	sand.u32 $0xFC0, s0;
	v0 =	vld [tilespmem:s1+$0xFFFFFFF0]  }
0x498: {  	v5 =	vld [tilespmem:s3+$0x1000]  }
0x499: {  	v1 =	vld.idx.msk [tilespmem:v1+s20+$0x0], $0xffff  }
0x49a: {  	v7 =	vld.idx.msk [tilespmem:v2+s20+$0x0], $0xffff  }
0x49b: {  	v6 =	vld.idx.msk [tilespmem:v3+s20+$0x0], $0xffff  }
0x49c: {  	v3 =	vld.idx.msk [tilespmem:v8+s20+$0x0], $0xffff  }
0x49d: {  	v2 =	vld [tilespmem:s1+$0x0]  }
0x49e: {  	s30 =	simm.s32 $0x1D720;
	s3 =	simm.s32 $0x10B0  }
.LBB2_29:
0x49f: {  	v8 =	vld [tilespmem:s3+$0xFFFFFFE0];
	[tilespmem:s30+$0xFFFFFFE0] =	vst v7  }
0x4a0: {  	v9 =	vld [tilespmem:s3+$0xFFFFFFF0];
	[tilespmem:s30+$0xFFFFFFF0] =	vst v1  }
0x4a1: {  	s0 =	sadd.s32 $0x40, s0;
	v1 =	vld.idx.msk [tilespmem:v4+s20+$0x0], $0xffff;
	[tilespmem:s30+$0x0] =	vst v6  }
0x4a2: {  	s1 =	sand.u32 $0xFC0, s0;
	p1 =	slt.u32 s0, $0xFC0;
	v7 =	vld.idx.msk [tilespmem:v5+s20+$0x0], $0xffff;
	[tilespmem:s30+$0x10] =	vst v3  }
.Ltmp33:
0x4a3: {  	v5 =	vld [tilespmem:s1+$0x1000];
	(pc) =	sbr.rel @p1 .LBB2_29-.Ltmp33, $4  }
0x4a4: {  	v6 =	vld.idx.msk [tilespmem:v0+s20+$0x0], $0xffff;
	v4 =	vmov v8  }
0x4a5: {  	v3 =	vld.idx.msk [tilespmem:v2+s20+$0x0], $0xffff;
	v0 =	vmov v9  }
0x4a6: {  	v2 =	vld [tilespmem:s3+$0x0]  }
0x4a7: {  	s30 =	sadd.s32 $0x40, s30;
	s3 =	sadd.s32 $0x40, s3  }
0x4a8: {  	_ =	sdelay $0x3  }
0x4a9: {  	v5 =	vld.idx.msk [tilespmem:v5+s20+$0x0], $0xffff  }
0x4aa: {  	[tilespmem:s30+$0xFFFFFFE0] =	vst v7;
	v4 =	vld.idx.msk [tilespmem:v4+s20+$0x0], $0xffff  }
0x4ab: {  	[tilespmem:s30+$0xFFFFFFF0] =	vst v1;
	v0 =	vld.idx.msk [tilespmem:v0+s20+$0x0], $0xffff  }
0x4ac: {  	[tilespmem:s30+$0x0] =	vst v6;
	v1 =	vld.idx.msk [tilespmem:v2+s20+$0x0], $0xffff  }
0x4ad: {  	s0 =	sadd.s32 $0x40, s30;
	[tilespmem:s30+$0x10] =	vst v3  }
0x4ae: {  	[tilespmem:s0+$0xFFFFFFE0] =	vst v5  }
0x4af: {  	[tilespmem:s0+$0xFFFFFFF0] =	vst v4  }
0x4b0: {  	[tilespmem:s0+$0x0] =	vst v0  }
0x4b1: {  	[tilespmem:s0+$0x10] =	vst v1  }
0x4b2: {  	s0 =	rddreg [dreg:$0x16]  }
0x4b3: {  	[hbm4b:s0+s18] =	stream.strided.scatter [tilespmem:s24], [sflag:$0x2], $0x1000, s19, s18, $0x38;
	[tilespmem:$0x1E700] =	vst v63  }
0x4b4: {  	_ =	swait.ge [sflag:s25], $0x1000  }
0x4b5: {  	[sflag:s25] =	ssyncset.done $0x0  }
0x4b6: {  	s3 =	simm.s32 $0x2030;
	s1 =	simm.s32 $0x0;
	[sflag:s25] =	ssyncadd.s32 $0xFFFFF000  }
0x4b7: {  	s1 =	sand.u32 $0xFC0, s1;
	v1 =	vld [tilespmem:s3+$0xFFFFFFE0]  }
0x4b8: {  	v2 =	vld [tilespmem:s1+$0x2000]  }
0x4b9: {  	v3 =	vld [tilespmem:s3+$0xFFFFFFF0]  }
0x4ba: {  	v8 =	vld [tilespmem:s3+$0x0]  }
0x4bb: {  	s1 =	simm.s32 $0x2070  }
0x4bc: {  	s0 =	simm.s32 $0x40;
	v4 =	vld [tilespmem:s1+$0xFFFFFFE0]  }
0x4bd: {  	s3 =	sand.u32 $0xFC0, s0;
	v0 =	vld [tilespmem:s1+$0xFFFFFFF0]  }
0x4be: {  	v5 =	vld [tilespmem:s3+$0x2000]  }
0x4bf: {  	v1 =	vld.idx.msk [tilespmem:v1+s20+$0x0], $0xffff  }
0x4c0: {  	v7 =	vld.idx.msk [tilespmem:v2+s20+$0x0], $0xffff  }
0x4c1: {  	v6 =	vld.idx.msk [tilespmem:v3+s20+$0x0], $0xffff  }
0x4c2: {  	v3 =	vld.idx.msk [tilespmem:v8+s20+$0x0], $0xffff  }
0x4c3: {  	v2 =	vld [tilespmem:s1+$0x0]  }
0x4c4: {  	s30 =	simm.s32 $0x1C720;
	s3 =	simm.s32 $0x20B0  }
.LBB2_31:
0x4c5: {  	v8 =	vld [tilespmem:s3+$0xFFFFFFE0];
	[tilespmem:s30+$0xFFFFFFE0] =	vst v7  }
0x4c6: {  	v9 =	vld [tilespmem:s3+$0xFFFFFFF0];
	[tilespmem:s30+$0xFFFFFFF0] =	vst v1  }
0x4c7: {  	s0 =	sadd.s32 $0x40, s0;
	v1 =	vld.idx.msk [tilespmem:v4+s20+$0x0], $0xffff;
	[tilespmem:s30+$0x0] =	vst v6  }
0x4c8: {  	s1 =	sand.u32 $0xFC0, s0;
	p1 =	slt.u32 s0, $0xFC0;
	v7 =	vld.idx.msk [tilespmem:v5+s20+$0x0], $0xffff;
	[tilespmem:s30+$0x10] =	vst v3  }
.Ltmp34:
0x4c9: {  	v5 =	vld [tilespmem:s1+$0x2000];
	(pc) =	sbr.rel @p1 .LBB2_31-.Ltmp34, $4  }
0x4ca: {  	v6 =	vld.idx.msk [tilespmem:v0+s20+$0x0], $0xffff;
	v4 =	vmov v8  }
0x4cb: {  	v3 =	vld.idx.msk [tilespmem:v2+s20+$0x0], $0xffff;
	v0 =	vmov v9  }
0x4cc: {  	v2 =	vld [tilespmem:s3+$0x0]  }
0x4cd: {  	s30 =	sadd.s32 $0x40, s30;
	s3 =	sadd.s32 $0x40, s3  }
0x4ce: {  	_ =	sdelay $0x3  }
0x4cf: {  	v5 =	vld.idx.msk [tilespmem:v5+s20+$0x0], $0xffff  }
0x4d0: {  	[tilespmem:s30+$0xFFFFFFE0] =	vst v7;
	v4 =	vld.idx.msk [tilespmem:v4+s20+$0x0], $0xffff  }
0x4d1: {  	[tilespmem:s30+$0xFFFFFFF0] =	vst v1;
	v0 =	vld.idx.msk [tilespmem:v0+s20+$0x0], $0xffff  }
0x4d2: {  	[tilespmem:s30+$0x0] =	vst v6;
	v1 =	vld.idx.msk [tilespmem:v2+s20+$0x0], $0xffff  }
0x4d3: {  	s0 =	sadd.s32 $0x40, s30;
	[tilespmem:s30+$0x10] =	vst v3  }
0x4d4: {  	[tilespmem:s0+$0xFFFFFFE0] =	vst v5  }
0x4d5: {  	[tilespmem:s0+$0xFFFFFFF0] =	vst v4  }
0x4d6: {  	[tilespmem:s0+$0x0] =	vst v0  }
0x4d7: {  	[tilespmem:s0+$0x10] =	vst v1  }
0x4d8: {  	s0 =	rddreg [dreg:$0x1a]  }
0x4d9: {  	[hbm4b:s0+s18] =	stream.strided.scatter [tilespmem:s23], [sflag:$0x1], $0x1000, s19, s18, $0x38;
	[tilespmem:$0x1E700] =	vst v63  }
0x4da: {  	_ =	swait.ge [sflag:s26], $0x1000  }
0x4db: {  	[sflag:s26] =	ssyncset.done $0x0  }
0x4dc: {  	s3 =	simm.s32 $0x3030;
	s1 =	simm.s32 $0x0;
	[sflag:s26] =	ssyncadd.s32 $0xFFFFF000  }
0x4dd: {  	s1 =	sand.u32 $0xFC0, s1;
	v1 =	vld [tilespmem:s3+$0xFFFFFFE0]  }
0x4de: {  	v2 =	vld [tilespmem:s1+$0x3000]  }
0x4df: {  	v3 =	vld [tilespmem:s3+$0xFFFFFFF0]  }
0x4e0: {  	v8 =	vld [tilespmem:s3+$0x0]  }
0x4e1: {  	s1 =	simm.s32 $0x3070  }
0x4e2: {  	s0 =	simm.s32 $0x40;
	v4 =	vld [tilespmem:s1+$0xFFFFFFE0]  }
0x4e3: {  	s3 =	sand.u32 $0xFC0, s0;
	v0 =	vld [tilespmem:s1+$0xFFFFFFF0]  }
0x4e4: {  	v5 =	vld [tilespmem:s3+$0x3000]  }
0x4e5: {  	v1 =	vld.idx.msk [tilespmem:v1+s20+$0x0], $0xffff  }
0x4e6: {  	v7 =	vld.idx.msk [tilespmem:v2+s20+$0x0], $0xffff  }
0x4e7: {  	v6 =	vld.idx.msk [tilespmem:v3+s20+$0x0], $0xffff  }
0x4e8: {  	v3 =	vld.idx.msk [tilespmem:v8+s20+$0x0], $0xffff  }
0x4e9: {  	v2 =	vld [tilespmem:s1+$0x0]  }
0x4ea: {  	s30 =	simm.s32 $0x1D720;
	s3 =	simm.s32 $0x30B0  }
.LBB2_33:
0x4eb: {  	v8 =	vld [tilespmem:s3+$0xFFFFFFE0];
	[tilespmem:s30+$0xFFFFFFE0] =	vst v7  }
0x4ec: {  	v9 =	vld [tilespmem:s3+$0xFFFFFFF0];
	[tilespmem:s30+$0xFFFFFFF0] =	vst v1  }
0x4ed: {  	s0 =	sadd.s32 $0x40, s0;
	v1 =	vld.idx.msk [tilespmem:v4+s20+$0x0], $0xffff;
	[tilespmem:s30+$0x0] =	vst v6  }
0x4ee: {  	s1 =	sand.u32 $0xFC0, s0;
	p1 =	slt.u32 s0, $0xFC0;
	v7 =	vld.idx.msk [tilespmem:v5+s20+$0x0], $0xffff;
	[tilespmem:s30+$0x10] =	vst v3  }
.Ltmp35:
0x4ef: {  	v5 =	vld [tilespmem:s1+$0x3000];
	(pc) =	sbr.rel @p1 .LBB2_33-.Ltmp35, $4  }
0x4f0: {  	v6 =	vld.idx.msk [tilespmem:v0+s20+$0x0], $0xffff;
	v4 =	vmov v8  }
0x4f1: {  	v3 =	vld.idx.msk [tilespmem:v2+s20+$0x0], $0xffff;
	v0 =	vmov v9  }
0x4f2: {  	v2 =	vld [tilespmem:s3+$0x0]  }
0x4f3: {  	s30 =	sadd.s32 $0x40, s30;
	s3 =	sadd.s32 $0x40, s3  }
0x4f4: {  	_ =	sdelay $0x3  }
0x4f5: {  	v5 =	vld.idx.msk [tilespmem:v5+s20+$0x0], $0xffff  }
0x4f6: {  	[tilespmem:s30+$0xFFFFFFE0] =	vst v7;
	v4 =	vld.idx.msk [tilespmem:v4+s20+$0x0], $0xffff  }
0x4f7: {  	[tilespmem:s30+$0xFFFFFFF0] =	vst v1;
	v0 =	vld.idx.msk [tilespmem:v0+s20+$0x0], $0xffff  }
0x4f8: {  	[tilespmem:s30+$0x0] =	vst v6;
	v63 =	vld.idx.msk [tilespmem:v2+s20+$0x0], $0xffff  }
.Ltmp36:
0x4f9: {  	s0 =	sadd.s32 $0x40, s30;
	[tilespmem:s30+$0x10] =	vst v3;
	(pc) =	sbr.rel .LBB2_68-.Ltmp36, $4  }
0x4fa: {  	[tilespmem:s0+$0xFFFFFFE0] =	vst v5  }
0x4fb: {  	[tilespmem:s0+$0xFFFFFFF0] =	vst v4  }
0x4fc: {  	[tilespmem:s0+$0x0] =	vst v0  }
0x4fd: {  	[tilespmem:s0+$0x10] =	vst v63;
	s0 =	smov.u32 s7  }
.LBB2_69:
0x4fe: {  	_ =	sfence.sel $0x180000  }
0x4ff: {  	[bflag:$0x0] =	sbarrier.arrive $0xFFFF  }
0x500: {  	_ =	strace $0x90000047  }
0x501: {  	s0 =	stileid.u32;
	[bflag:$0x2] =	sbarrier.arrive $0xFFFF  }
0x502: {  	p0 =	sne.s32 s0, $0x0;
	s0 =	rddreg [dreg:$0x6]  }
0x503: {  	s0 =	sadd.s32 @!p0 $0x100000, s0  }
0x504: {  	[sflag:s0] =	ssyncadd.tile.s32 @!p0 $0x1;
	_ =	shalt  }
.Lfunc_end2:
_tile_overlayer_lowered:
.L_overlay_start_2:
0x505: {  	(tag) =	ssettag $0x2  }
0x506: {  	s0 =	rddreg [dreg:$0x0];
	s2 =	stileid.u32  }
0x507: {  	s1 =	rddreg [dreg:$0x1];
	p0 =	sne.s32 s2, $0x0  }
0x508: {  	s3 =	rddreg [dreg:$0x2];
	[bflag:$0x3] =	sbarrier.arrive $0xFFFF;
	s2 =	simm.s32 @!p0 $0x1C05  }
0x509: {  	[timem:s3], [sflag:s2] =	dma.local @!p0 [hbm:s0], s1  }
0x50a: {  	s0 =	simm.s32 @!p0 $0x5  }
0x50b: {  	_ =	swait.ge @!p0 [sflag:s0], s1  }
0x50c: {  	s1 =	ssub.s32 @!p0 $0x0, s1;
	[sflag:s0] =	ssyncset.done @!p0 $0x0  }
0x50d: {  	[sflag:s0] =	ssyncadd.s32 @!p0 s1  }
0x50e: {  	[bflag:$0x3] =	sbarrier.arrive $0xFFFF  }
0x50f: {  	_ =	shalt  }

</sc_bundles>
